<compile_context>
chip_gen: v7x
topology: tpu7x:2x2x1
jax: 0.10.2.dev20260603
libtpu: 0.0.44.dev20260713+nightly
codegen_flags: <defaults>
</compile_context>

<pallas_src>
import jax
import jax.numpy as jnp
from jax import lax
from jax.experimental import pallas as pl
from jax.experimental.pallas import tpu as pltpu
from jax.experimental.pallas import tpu_sc as plsc

NC = 2
NS = 16
LANES = 16
CHUNK = 128
DGROUPS = 8


def _sc_segment_partials(x, srcs, dsts, ws, n_nodes, n_pad, k_chunks):
    n_feat = x.shape[1]
    rows_per_tile = n_pad // NS

    def body(x_hbm, src_hbm, dst_hbm, w_hbm, out_hbm,
             src_v, dst_v, w_v, rows_v, sem, feat_sh):
        cid = lax.axis_index("c")
        sid = lax.axis_index("s")
        wid = sid * NC + cid

        zero = jnp.zeros((LANES,), jnp.float32)

        def zrow(i, carry):
            for g in range(DGROUPS):
                rows_v[i, pl.ds(g * LANES, LANES)] = zero
            return carry

        lax.fori_loop(0, CHUNK, zrow, 0)

        off = sid * rows_per_tile
        done = 0
        while done < rows_per_tile:
            step = min(CHUNK, rows_per_tile - done)
            pltpu.sync_copy(rows_v.at[pl.ds(0, step)],
                            feat_sh.at[pl.ds(off + done, step)])
            done += step
        plsc.subcore_barrier()

        base = wid * k_chunks
        pltpu.sync_copy(src_hbm.at[pl.ds(base, k_chunks)], src_v)
        pltpu.sync_copy(dst_hbm.at[pl.ds(base, k_chunks)], dst_v)
        pltpu.sync_copy(w_hbm.at[pl.ds(base, k_chunks)], w_v)

        def chunk_body(j, carry):
            pltpu.async_copy(x_hbm.at[src_v.at[j]], rows_v, sem).wait()

            def mul_block(bi, c):
                wv = w_v[j, pl.ds(bi * LANES, LANES)]
                for l in range(LANES):
                    w_s = wv[l]
                    row = bi * LANES + l
                    for g in range(DGROUPS):
                        sl = pl.ds(g * LANES, LANES)
                        rows_v[row, sl] = rows_v[row, sl] * w_s
                return c

            lax.fori_loop(0, CHUNK // LANES, mul_block, 0)

            pltpu.sync_copy(rows_v, feat_sh.at[dst_v.at[j]], add=True)
            return carry

        lax.fori_loop(0, k_chunks, chunk_body, 0)
        plsc.subcore_barrier()

        done = 0
        while done < rows_per_tile:
            step = min(CHUNK, rows_per_tile - done)
            sl = pl.ds(off + done, step)
            pltpu.sync_copy(feat_sh.at[sl], rows_v.at[pl.ds(0, step)])
            pltpu.sync_copy(rows_v.at[pl.ds(0, step)], out_hbm.at[cid].at[sl])
            done += step

    mesh = plsc.VectorSubcoreMesh(core_axis_name="c", subcore_axis_name="s")
    fn = pl.kernel(
        body,
        out_type=jax.ShapeDtypeStruct((NC, n_pad, n_feat), jnp.float32),
        mesh=mesh,
        scratch_types=[
            pltpu.VMEM((k_chunks, CHUNK), jnp.int32),
            pltpu.VMEM((k_chunks, CHUNK), jnp.int32),
            pltpu.VMEM((k_chunks, CHUNK), jnp.float32),
            pltpu.VMEM((CHUNK, n_feat), jnp.float32),
            pltpu.SemaphoreType.DMA,
            pltpu.VMEM_SHARED((n_pad, n_feat), jnp.float32),
        ],
    )
    return fn(x, srcs, dsts, ws)


def _tc_dense(fp, w, b2, s2, o2, n_nodes):
    n_feat = fp.shape[2]

    def body(fp_ref, w_ref, b_ref, s_ref, o_ref, out_ref):
        f = fp_ref[0, :n_nodes, :] + fp_ref[1, :n_nodes, :]
        h = lax.dot_general(f, w_ref[...], (((1,), (1,)), ((), ())),
                            preferred_element_type=jnp.float32)
        h = h + b_ref[...]
        h = jnp.where(h > 0, h, jnp.exp(h) - 1.0)
        mean = jnp.mean(h, axis=1, keepdims=True)
        c = h - mean
        var = jnp.mean(c * c, axis=1, keepdims=True) + 1e-9
        out_ref[...] = c * s_ref[...] * lax.rsqrt(var) + o_ref[...]

    return pl.pallas_call(
        body,
        out_shape=jax.ShapeDtypeStruct((n_nodes, n_feat), jnp.float32),
    )(fp, w, b2, s2, o2)


def kernel(x, edge_index, edge_weight, W, b, scale, offset,
           sampled_nodes, nodes_per_layer, iterations, epoch):
    n_nodes = x.shape[0]
    n_edges = edge_weight.shape[0]
    nw = NC * NS

    k_chunks = -(-(-(-n_edges // (nw * CHUNK))) // 8) * 8
    e_pad = nw * k_chunks * CHUNK
    pad = e_pad - n_edges

    src = jnp.pad(edge_index[0], (0, pad)).reshape(nw * k_chunks, CHUNK)
    dst = jnp.pad(edge_index[1], (0, pad)).reshape(nw * k_chunks, CHUNK)
    ws = jnp.pad(edge_weight, (0, pad)).reshape(nw * k_chunks, CHUNK)

    n_pad = -(-n_nodes // (NS * 8)) * NS * 8
    fp = _sc_segment_partials(x, src, dst, ws, n_nodes, n_pad, k_chunks)
    return _tc_dense(fp, W,
                     b.reshape(1, -1), scale.reshape(1, -1),
                     offset.reshape(1, -1), n_nodes)

# --- scband reference (transcript-rebuilt; emitter-appended) ---
"""Pipeline reference for scband-graph-convolution-38371237822945 (READ-ONLY COPY).

The authoritative reference and input builder live on the scoring server;
editing this copy changes nothing except your own understanding.
"""

import jax, jax.numpy as jnp
import numpy as np

N = 10000
E = 320000
D_IN = 128
D_OUT = 128


def setup_inputs(seed: int = 0) -> dict:
    key = jax.random.key(seed)
    ks = jax.random.split(key, 6)
    x = jax.random.normal(ks[0], (N, D_IN), dtype=jnp.float32)
    edge_index = jax.random.randint(ks[1], (2, E), 0, N, dtype=jnp.int32)
    edge_weight = jax.random.uniform(ks[2], (E,), dtype=jnp.float32)
    # nn.Linear(n_in, n_out) parameters
    W = jax.random.normal(ks[3], (D_OUT, D_IN), dtype=jnp.float32) * (1.0 / np.sqrt(D_IN))
    b = jax.random.normal(ks[4], (D_OUT,), dtype=jnp.float32) * (1.0 / np.sqrt(D_IN))
    scale = jnp.ones((D_OUT,), dtype=jnp.float32)   # self.scale
    offset = jnp.zeros((D_OUT,), dtype=jnp.float32)  # self.offset
    sampled_nodes = jnp.arange(N, dtype=jnp.int32)
    nodes_per_layer = jnp.arange(N, dtype=jnp.int32)
    return {
        "x": x,
        "edge_index": edge_index,
        "edge_weight": edge_weight,
        "W": W,
        "b": b,
        "scale": scale,
        "offset": offset,
        "sampled_nodes": sampled_nodes,
        "nodes_per_layer": nodes_per_layer,
        "iterations": 0,
        "epoch": 0,
    }


def reference(x, edge_index, edge_weight, W, b, scale, offset,
              sampled_nodes, nodes_per_layer, iterations, epoch):
    # Eval / sco=False path of GraphConvolution.forward:
    #   feat = torch.spmm(adj, x)   (adj is a sparse COO matrix: edge_index + edge_weight)
    #   out  = F.elu(linear(feat))
    #   row-wise normalization with learned scale/offset
    src = edge_index[0]
    dst = edge_index[1]
    msg = x[src] * edge_weight[:, None]                     # gather (SparseCore)
    feat = jax.ops.segment_sum(msg, dst, num_segments=x.shape[0])  # scatter-add (spmm)
    out = jax.nn.elu(feat @ W.T + b)
    mean = jnp.mean(out, axis=1, keepdims=True)
    var = jnp.var(out, axis=1, keepdims=True) + 1e-09       # unbiased=False matches jnp default
    return (out - mean) * scale * jax.lax.rsqrt(var) + offset

if __name__ == "__main__":
    import jax
    _d = setup_inputs()
    print(jax.jit(kernel)(*tuple(_d.values())))

</pallas_src>

<mosaic_0001>
#map = affine_map<(d0, d1) -> (0, 0)>
#map1 = affine_map<(d0, d1) -> (0, 0, 0)>
module attributes {stable_mosaic.version = 14 : i64} {
  func.func @body(%arg0: i32, %arg1: i32, %arg2: memref<10000x128xf32, #tpu.memory_space<hbm>>, %arg3: memref<2560x128xi32, #tpu.memory_space<hbm>>, %arg4: memref<2560x128xi32, #tpu.memory_space<hbm>>, %arg5: memref<2560x128xf32, #tpu.memory_space<hbm>>, %arg6: memref<2x10112x128xf32, #tpu.memory_space<hbm>>, %arg7: memref<80x128xi32, #tpu.memory_space<vmem>>, %arg8: memref<80x128xi32, #tpu.memory_space<vmem>>, %arg9: memref<80x128xf32, #tpu.memory_space<vmem>>, %arg10: memref<128x128xf32, #tpu.memory_space<vmem>>, %arg11: memref<!tpu.dma_semaphore, #tpu.memory_space<semaphore_mem>>, %arg12: memref<10112x128xf32, #tpu.memory_space<vmem_shared>>) attributes {dimension_semantics = [#tpu.dimension_semantics<core_parallel>, #tpu.dimension_semantics<subcore_parallel>], iteration_bounds = array<i64: 2, 16>, scalar_prefetch = 0 : i64, scratch_operands = 6 : i64, tpu.core_type = #tpu.core_type<sc_vector_subcore>, window_params = [{transform_indices = #map}, {transform_indices = #map}, {transform_indices = #map}, {transform_indices = #map}, {transform_indices = #map1}]} {
    %mul3A = arith.constant 2 : i32
    %mul3A_0 = arith.muli %arg1, %mul3A : i32
    %add3A = arith.addi %mul3A_0, %arg0 : i32
    %broadcast_in_dim3A = arith.constant 0.000000e+00 : f32
    %broadcast_in_dim3A_1 = vector.broadcast %broadcast_in_dim3A : f32 to vector<16xf32>
    %scan3A = arith.constant 0 : i32
    %scan3A_2 = arith.constant 0 : i32
    %scan3A_3 = arith.constant 128 : i32
    %scan3A_4 = arith.addi %scan3A_2, %scan3A_3 : i32
    %scan3A_5 = arith.constant 1 : i32
    scf.for %scan3A_38 = %scan3A_2 to %scan3A_4 step %scan3A_5  : i32 {
      %swap3A = arith.index_cast %scan3A_38 : i32 to index
      %swap3A_39 = arith.constant 0 : index
      %swap3A_40 = tpu.vector_load %arg10[%swap3A, %swap3A_39] {strides = array<i32>} : memref<128x128xf32, #tpu.memory_space<vmem>>, vector<1x16xf32>,
      %swap3A_41 = vector.shape_cast %swap3A_40 : vector<1x16xf32> to vector<16xf32>
      %swap3A_42 = vector.shape_cast %broadcast_in_dim3A_1 : vector<16xf32> to vector<1x16xf32>
      tpu.vector_store %arg10[%swap3A, %swap3A_39], %swap3A_42 {strides = array<i32>} : memref<128x128xf32, #tpu.memory_space<vmem>>, vector<1x16xf32>,
      %swap3A_43 = arith.index_cast %scan3A_38 : i32 to index
      %swap3A_44 = arith.constant 16 : index
      %swap3A_45 = tpu.vector_load %arg10[%swap3A_43, %swap3A_44] {strides = array<i32>} : memref<128x128xf32, #tpu.memory_space<vmem>>, vector<1x16xf32>,
      %swap3A_46 = vector.shape_cast %swap3A_45 : vector<1x16xf32> to vector<16xf32>
      %swap3A_47 = vector.shape_cast %broadcast_in_dim3A_1 : vector<16xf32> to vector<1x16xf32>
      tpu.vector_store %arg10[%swap3A_43, %swap3A_44], %swap3A_47 {strides = array<i32>} : memref<128x128xf32, #tpu.memory_space<vmem>>, vector<1x16xf32>,
      %swap3A_48 = arith.index_cast %scan3A_38 : i32 to index
      %swap3A_49 = arith.constant 32 : index
      %swap3A_50 = tpu.vector_load %arg10[%swap3A_48, %swap3A_49] {strides = array<i32>} : memref<128x128xf32, #tpu.memory_space<vmem>>, vector<1x16xf32>,
      %swap3A_51 = vector.shape_cast %swap3A_50 : vector<1x16xf32> to vector<16xf32>
      %swap3A_52 = vector.shape_cast %broadcast_in_dim3A_1 : vector<16xf32> to vector<1x16xf32>
      tpu.vector_store %arg10[%swap3A_48, %swap3A_49], %swap3A_52 {strides = array<i32>} : memref<128x128xf32, #tpu.memory_space<vmem>>, vector<1x16xf32>,
      %swap3A_53 = arith.index_cast %scan3A_38 : i32 to index
      %swap3A_54 = arith.constant 48 : index
      %swap3A_55 = tpu.vector_load %arg10[%swap3A_53, %swap3A_54] {strides = array<i32>} : memref<128x128xf32, #tpu.memory_space<vmem>>, vector<1x16xf32>,
      %swap3A_56 = vector.shape_cast %swap3A_55 : vector<1x16xf32> to vector<16xf32>
      %swap3A_57 = vector.shape_cast %broadcast_in_dim3A_1 : vector<16xf32> to vector<1x16xf32>
      tpu.vector_store %arg10[%swap3A_53, %swap3A_54], %swap3A_57 {strides = array<i32>} : memref<128x128xf32, #tpu.memory_space<vmem>>, vector<1x16xf32>,
      %swap3A_58 = arith.index_cast %scan3A_38 : i32 to index
      %swap3A_59 = arith.constant 64 : index
      %swap3A_60 = tpu.vector_load %arg10[%swap3A_58, %swap3A_59] {strides = array<i32>} : memref<128x128xf32, #tpu.memory_space<vmem>>, vector<1x16xf32>,
      %swap3A_61 = vector.shape_cast %swap3A_60 : vector<1x16xf32> to vector<16xf32>
      %swap3A_62 = vector.shape_cast %broadcast_in_dim3A_1 : vector<16xf32> to vector<1x16xf32>
      tpu.vector_store %arg10[%swap3A_58, %swap3A_59], %swap3A_62 {strides = array<i32>} : memref<128x128xf32, #tpu.memory_space<vmem>>, vector<1x16xf32>,
      %swap3A_63 = arith.index_cast %scan3A_38 : i32 to index
      %swap3A_64 = arith.constant 80 : index
      %swap3A_65 = tpu.vector_load %arg10[%swap3A_63, %swap3A_64] {strides = array<i32>} : memref<128x128xf32, #tpu.memory_space<vmem>>, vector<1x16xf32>,
      %swap3A_66 = vector.shape_cast %swap3A_65 : vector<1x16xf32> to vector<16xf32>
      %swap3A_67 = vector.shape_cast %broadcast_in_dim3A_1 : vector<16xf32> to vector<1x16xf32>
      tpu.vector_store %arg10[%swap3A_63, %swap3A_64], %swap3A_67 {strides = array<i32>} : memref<128x128xf32, #tpu.memory_space<vmem>>, vector<1x16xf32>,
      %swap3A_68 = arith.index_cast %scan3A_38 : i32 to index
      %swap3A_69 = arith.constant 96 : index
      %swap3A_70 = tpu.vector_load %arg10[%swap3A_68, %swap3A_69] {strides = array<i32>} : memref<128x128xf32, #tpu.memory_space<vmem>>, vector<1x16xf32>,
      %swap3A_71 = vector.shape_cast %swap3A_70 : vector<1x16xf32> to vector<16xf32>
      %swap3A_72 = vector.shape_cast %broadcast_in_dim3A_1 : vector<16xf32> to vector<1x16xf32>
      tpu.vector_store %arg10[%swap3A_68, %swap3A_69], %swap3A_72 {strides = array<i32>} : memref<128x128xf32, #tpu.memory_space<vmem>>, vector<1x16xf32>,
      %swap3A_73 = arith.index_cast %scan3A_38 : i32 to index
      %swap3A_74 = arith.constant 112 : index
      %swap3A_75 = tpu.vector_load %arg10[%swap3A_73, %swap3A_74] {strides = array<i32>} : memref<128x128xf32, #tpu.memory_space<vmem>>, vector<1x16xf32>,
      %swap3A_76 = vector.shape_cast %swap3A_75 : vector<1x16xf32> to vector<16xf32>
      %swap3A_77 = vector.shape_cast %broadcast_in_dim3A_1 : vector<16xf32> to vector<1x16xf32>
      tpu.vector_store %arg10[%swap3A_73, %swap3A_74], %swap3A_77 {strides = array<i32>} : memref<128x128xf32, #tpu.memory_space<vmem>>, vector<1x16xf32>,
    }
    %scan3A_6 = arith.constant 128 : i32
    %mul3A_7 = arith.constant 632 : i32
    %mul3A_8 = arith.muli %arg1, %mul3A_7 : i32
    %add3A_9 = arith.constant 0 : i32
    %add3A_10 = arith.addi %mul3A_8, %add3A_9 : i32
    "tpu.region"() ({
      %run_scoped3A = tpu.sem_alloc : memref<!tpu.dma_semaphore, #tpu.memory_space<semaphore_mem>>
      %dma_start3A = arith.constant 0 : i32
      %dma_start3A_38 = arith.constant 0 : i32
      %dma_start3A_39 = tpu.memref_slice %arg10[%dma_start3A, %dma_start3A_38] : memref<128x128xf32, #tpu.memory_space<vmem>> -> memref<128x128xf32, #tpu.memory_space<vmem>>
      %dma_start3A_40 = arith.constant 0 : i32
      %dma_start3A_41 = tpu.memref_slice %arg12[%add3A_10, %dma_start3A_40] : memref<10112x128xf32, #tpu.memory_space<vmem_shared>> -> memref<128x128xf32, #tpu.memory_space<vmem_shared>>
      %dma_start3A_42 = arith.constant 0 : i32
      %dma_start3A_43 = tpu.memref_slice %arg12[%add3A_10, %dma_start3A_42] : memref<10112x128xf32, #tpu.memory_space<vmem_shared>> -> memref<128x128xf32, #tpu.memory_space<vmem_shared>>
      %dma_start3A_44 = arith.constant 0 : i32
      %dma_start3A_45 = arith.constant 0 : i32
      %dma_start3A_46 = tpu.memref_slice %arg10[%dma_start3A_44, %dma_start3A_45] : memref<128x128xf32, #tpu.memory_space<vmem>> -> memref<128x128xf32, #tpu.memory_space<vmem>>
      tpu.enqueue_dma source(%dma_start3A_46 : memref<128x128xf32, #tpu.memory_space<vmem>>) target(%dma_start3A_43 : memref<128x128xf32, #tpu.memory_space<vmem_shared>>) target_semaphore(%run_scoped3A : memref<!tpu.dma_semaphore, #tpu.memory_space<semaphore_mem>>)
      %dma_wait3A = arith.constant 0 : i32
      %dma_wait3A_47 = arith.constant 0 : i32
      %dma_wait3A_48 = tpu.memref_slice %arg10[%dma_wait3A, %dma_wait3A_47] : memref<128x128xf32, #tpu.memory_space<vmem>> -> memref<128x128xf32, #tpu.memory_space<vmem>>
      %dma_wait3A_49 = arith.constant 0 : i32
      %dma_wait3A_50 = tpu.memref_slice %arg12[%add3A_10, %dma_wait3A_49] : memref<10112x128xf32, #tpu.memory_space<vmem_shared>> -> memref<128x128xf32, #tpu.memory_space<vmem_shared>>
      %dma_wait3A_51 = arith.constant 0 : i32
      %dma_wait3A_52 = tpu.memref_slice %arg12[%add3A_10, %dma_wait3A_51] : memref<10112x128xf32, #tpu.memory_space<vmem_shared>> -> memref<128x128xf32, #tpu.memory_space<vmem_shared>>
      %dma_wait3A_53 = arith.constant 0 : i32
      %dma_wait3A_54 = arith.constant 0 : i32
      %dma_wait3A_55 = tpu.memref_slice %arg10[%dma_wait3A_53, %dma_wait3A_54] : memref<128x128xf32, #tpu.memory_space<vmem>> -> memref<128x128xf32, #tpu.memory_space<vmem>>
      tpu.wait_dma2 semaphore(%run_scoped3A : memref<!tpu.dma_semaphore, #tpu.memory_space<semaphore_mem>>) src(%dma_wait3A_55 : memref<128x128xf32, #tpu.memory_space<vmem>>) dst(%dma_wait3A_52 : memref<128x128xf32, #tpu.memory_space<vmem_shared>>)
      tpu.yield
    }) : () -> ()
    %add3A_11 = arith.constant 128 : i32
    %add3A_12 = arith.addi %mul3A_8, %add3A_11 : i32
    "tpu.region"() ({
      %run_scoped3A = tpu.sem_alloc : memref<!tpu.dma_semaphore, #tpu.memory_space<semaphore_mem>>
      %dma_start3A = arith.constant 0 : i32
      %dma_start3A_38 = arith.constant 0 : i32
      %dma_start3A_39 = tpu.memref_slice %arg10[%dma_start3A, %dma_start3A_38] : memref<128x128xf32, #tpu.memory_space<vmem>> -> memref<128x128xf32, #tpu.memory_space<vmem>>
      %dma_start3A_40 = arith.constant 0 : i32
      %dma_start3A_41 = tpu.memref_slice %arg12[%add3A_12, %dma_start3A_40] : memref<10112x128xf32, #tpu.memory_space<vmem_shared>> -> memref<128x128xf32, #tpu.memory_space<vmem_shared>>
      %dma_start3A_42 = arith.constant 0 : i32
      %dma_start3A_43 = tpu.memref_slice %arg12[%add3A_12, %dma_start3A_42] : memref<10112x128xf32, #tpu.memory_space<vmem_shared>> -> memref<128x128xf32, #tpu.memory_space<vmem_shared>>
      %dma_start3A_44 = arith.constant 0 : i32
      %dma_start3A_45 = arith.constant 0 : i32
      %dma_start3A_46 = tpu.memref_slice %arg10[%dma_start3A_44, %dma_start3A_45] : memref<128x128xf32, #tpu.memory_space<vmem>> -> memref<128x128xf32, #tpu.memory_space<vmem>>
      tpu.enqueue_dma source(%dma_start3A_46 : memref<128x128xf32, #tpu.memory_space<vmem>>) target(%dma_start3A_43 : memref<128x128xf32, #tpu.memory_space<vmem_shared>>) target_semaphore(%run_scoped3A : memref<!tpu.dma_semaphore, #tpu.memory_space<semaphore_mem>>)
      %dma_wait3A = arith.constant 0 : i32
      %dma_wait3A_47 = arith.constant 0 : i32
      %dma_wait3A_48 = tpu.memref_slice %arg10[%dma_wait3A, %dma_wait3A_47] : memref<128x128xf32, #tpu.memory_space<vmem>> -> memref<128x128xf32, #tpu.memory_space<vmem>>
      %dma_wait3A_49 = arith.constant 0 : i32
      %dma_wait3A_50 = tpu.memref_slice %arg12[%add3A_12, %dma_wait3A_49] : memref<10112x128xf32, #tpu.memory_space<vmem_shared>> -> memref<128x128xf32, #tpu.memory_space<vmem_shared>>
      %dma_wait3A_51 = arith.constant 0 : i32
      %dma_wait3A_52 = tpu.memref_slice %arg12[%add3A_12, %dma_wait3A_51] : memref<10112x128xf32, #tpu.memory_space<vmem_shared>> -> memref<128x128xf32, #tpu.memory_space<vmem_shared>>
      %dma_wait3A_53 = arith.constant 0 : i32
      %dma_wait3A_54 = arith.constant 0 : i32
      %dma_wait3A_55 = tpu.memref_slice %arg10[%dma_wait3A_53, %dma_wait3A_54] : memref<128x128xf32, #tpu.memory_space<vmem>> -> memref<128x128xf32, #tpu.memory_space<vmem>>
      tpu.wait_dma2 semaphore(%run_scoped3A : memref<!tpu.dma_semaphore, #tpu.memory_space<semaphore_mem>>) src(%dma_wait3A_55 : memref<128x128xf32, #tpu.memory_space<vmem>>) dst(%dma_wait3A_52 : memref<128x128xf32, #tpu.memory_space<vmem_shared>>)
      tpu.yield
    }) : () -> ()
    %add3A_13 = arith.constant 256 : i32
    %add3A_14 = arith.addi %mul3A_8, %add3A_13 : i32
    "tpu.region"() ({
      %run_scoped3A = tpu.sem_alloc : memref<!tpu.dma_semaphore, #tpu.memory_space<semaphore_mem>>
      %dma_start3A = arith.constant 0 : i32
      %dma_start3A_38 = arith.constant 0 : i32
      %dma_start3A_39 = tpu.memref_slice %arg10[%dma_start3A, %dma_start3A_38] : memref<128x128xf32, #tpu.memory_space<vmem>> -> memref<128x128xf32, #tpu.memory_space<vmem>>
      %dma_start3A_40 = arith.constant 0 : i32
      %dma_start3A_41 = tpu.memref_slice %arg12[%add3A_14, %dma_start3A_40] : memref<10112x128xf32, #tpu.memory_space<vmem_shared>> -> memref<128x128xf32, #tpu.memory_space<vmem_shared>>
      %dma_start3A_42 = arith.constant 0 : i32
      %dma_start3A_43 = tpu.memref_slice %arg12[%add3A_14, %dma_start3A_42] : memref<10112x128xf32, #tpu.memory_space<vmem_shared>> -> memref<128x128xf32, #tpu.memory_space<vmem_shared>>
      %dma_start3A_44 = arith.constant 0 : i32
      %dma_start3A_45 = arith.constant 0 : i32
      %dma_start3A_46 = tpu.memref_slice %arg10[%dma_start3A_44, %dma_start3A_45] : memref<128x128xf32, #tpu.memory_space<vmem>> -> memref<128x128xf32, #tpu.memory_space<vmem>>
      tpu.enqueue_dma source(%dma_start3A_46 : memref<128x128xf32, #tpu.memory_space<vmem>>) target(%dma_start3A_43 : memref<128x128xf32, #tpu.memory_space<vmem_shared>>) target_semaphore(%run_scoped3A : memref<!tpu.dma_semaphore, #tpu.memory_space<semaphore_mem>>)
      %dma_wait3A = arith.constant 0 : i32
      %dma_wait3A_47 = arith.constant 0 : i32
      %dma_wait3A_48 = tpu.memref_slice %arg10[%dma_wait3A, %dma_wait3A_47] : memref<128x128xf32, #tpu.memory_space<vmem>> -> memref<128x128xf32, #tpu.memory_space<vmem>>
      %dma_wait3A_49 = arith.constant 0 : i32
      %dma_wait3A_50 = tpu.memref_slice %arg12[%add3A_14, %dma_wait3A_49] : memref<10112x128xf32, #tpu.memory_space<vmem_shared>> -> memref<128x128xf32, #tpu.memory_space<vmem_shared>>
      %dma_wait3A_51 = arith.constant 0 : i32
      %dma_wait3A_52 = tpu.memref_slice %arg12[%add3A_14, %dma_wait3A_51] : memref<10112x128xf32, #tpu.memory_space<vmem_shared>> -> memref<128x128xf32, #tpu.memory_space<vmem_shared>>
      %dma_wait3A_53 = arith.constant 0 : i32
      %dma_wait3A_54 = arith.constant 0 : i32
      %dma_wait3A_55 = tpu.memref_slice %arg10[%dma_wait3A_53, %dma_wait3A_54] : memref<128x128xf32, #tpu.memory_space<vmem>> -> memref<128x128xf32, #tpu.memory_space<vmem>>
      tpu.wait_dma2 semaphore(%run_scoped3A : memref<!tpu.dma_semaphore, #tpu.memory_space<semaphore_mem>>) src(%dma_wait3A_55 : memref<128x128xf32, #tpu.memory_space<vmem>>) dst(%dma_wait3A_52 : memref<128x128xf32, #tpu.memory_space<vmem_shared>>)
      tpu.yield
    }) : () -> ()
    %add3A_15 = arith.constant 384 : i32
    %add3A_16 = arith.addi %mul3A_8, %add3A_15 : i32
    "tpu.region"() ({
      %run_scoped3A = tpu.sem_alloc : memref<!tpu.dma_semaphore, #tpu.memory_space<semaphore_mem>>
      %dma_start3A = arith.constant 0 : i32
      %dma_start3A_38 = arith.constant 0 : i32
      %dma_start3A_39 = tpu.memref_slice %arg10[%dma_start3A, %dma_start3A_38] : memref<128x128xf32, #tpu.memory_space<vmem>> -> memref<128x128xf32, #tpu.memory_space<vmem>>
      %dma_start3A_40 = arith.constant 0 : i32
      %dma_start3A_41 = tpu.memref_slice %arg12[%add3A_16, %dma_start3A_40] : memref<10112x128xf32, #tpu.memory_space<vmem_shared>> -> memref<128x128xf32, #tpu.memory_space<vmem_shared>>
      %dma_start3A_42 = arith.constant 0 : i32
      %dma_start3A_43 = tpu.memref_slice %arg12[%add3A_16, %dma_start3A_42] : memref<10112x128xf32, #tpu.memory_space<vmem_shared>> -> memref<128x128xf32, #tpu.memory_space<vmem_shared>>
      %dma_start3A_44 = arith.constant 0 : i32
      %dma_start3A_45 = arith.constant 0 : i32
      %dma_start3A_46 = tpu.memref_slice %arg10[%dma_start3A_44, %dma_start3A_45] : memref<128x128xf32, #tpu.memory_space<vmem>> -> memref<128x128xf32, #tpu.memory_space<vmem>>
      tpu.enqueue_dma source(%dma_start3A_46 : memref<128x128xf32, #tpu.memory_space<vmem>>) target(%dma_start3A_43 : memref<128x128xf32, #tpu.memory_space<vmem_shared>>) target_semaphore(%run_scoped3A : memref<!tpu.dma_semaphore, #tpu.memory_space<semaphore_mem>>)
      %dma_wait3A = arith.constant 0 : i32
      %dma_wait3A_47 = arith.constant 0 : i32
      %dma_wait3A_48 = tpu.memref_slice %arg10[%dma_wait3A, %dma_wait3A_47] : memref<128x128xf32, #tpu.memory_space<vmem>> -> memref<128x128xf32, #tpu.memory_space<vmem>>
      %dma_wait3A_49 = arith.constant 0 : i32
      %dma_wait3A_50 = tpu.memref_slice %arg12[%add3A_16, %dma_wait3A_49] : memref<10112x128xf32, #tpu.memory_space<vmem_shared>> -> memref<128x128xf32, #tpu.memory_space<vmem_shared>>
      %dma_wait3A_51 = arith.constant 0 : i32
      %dma_wait3A_52 = tpu.memref_slice %arg12[%add3A_16, %dma_wait3A_51] : memref<10112x128xf32, #tpu.memory_space<vmem_shared>> -> memref<128x128xf32, #tpu.memory_space<vmem_shared>>
      %dma_wait3A_53 = arith.constant 0 : i32
      %dma_wait3A_54 = arith.constant 0 : i32
      %dma_wait3A_55 = tpu.memref_slice %arg10[%dma_wait3A_53, %dma_wait3A_54] : memref<128x128xf32, #tpu.memory_space<vmem>> -> memref<128x128xf32, #tpu.memory_space<vmem>>
      tpu.wait_dma2 semaphore(%run_scoped3A : memref<!tpu.dma_semaphore, #tpu.memory_space<semaphore_mem>>) src(%dma_wait3A_55 : memref<128x128xf32, #tpu.memory_space<vmem>>) dst(%dma_wait3A_52 : memref<128x128xf32, #tpu.memory_space<vmem_shared>>)
      tpu.yield
    }) : () -> ()
    %add3A_17 = arith.constant 512 : i32
    %add3A_18 = arith.addi %mul3A_8, %add3A_17 : i32
    "tpu.region"() ({
      %run_scoped3A = tpu.sem_alloc : memref<!tpu.dma_semaphore, #tpu.memory_space<semaphore_mem>>
      %dma_start3A = arith.constant 0 : i32
      %dma_start3A_38 = arith.constant 0 : i32
      %dma_start3A_39 = tpu.memref_slice %arg10[%dma_start3A, %dma_start3A_38] : memref<128x128xf32, #tpu.memory_space<vmem>> -> memref<120x128xf32, #tpu.memory_space<vmem>>
      %dma_start3A_40 = arith.constant 0 : i32
      %dma_start3A_41 = tpu.memref_slice %arg12[%add3A_18, %dma_start3A_40] : memref<10112x128xf32, #tpu.memory_space<vmem_shared>> -> memref<120x128xf32, #tpu.memory_space<vmem_shared>>
      %dma_start3A_42 = arith.constant 0 : i32
      %dma_start3A_43 = tpu.memref_slice %arg12[%add3A_18, %dma_start3A_42] : memref<10112x128xf32, #tpu.memory_space<vmem_shared>> -> memref<120x128xf32, #tpu.memory_space<vmem_shared>>
      %dma_start3A_44 = arith.constant 0 : i32
      %dma_start3A_45 = arith.constant 0 : i32
      %dma_start3A_46 = tpu.memref_slice %arg10[%dma_start3A_44, %dma_start3A_45] : memref<128x128xf32, #tpu.memory_space<vmem>> -> memref<120x128xf32, #tpu.memory_space<vmem>>
      tpu.enqueue_dma source(%dma_start3A_46 : memref<120x128xf32, #tpu.memory_space<vmem>>) target(%dma_start3A_43 : memref<120x128xf32, #tpu.memory_space<vmem_shared>>) target_semaphore(%run_scoped3A : memref<!tpu.dma_semaphore, #tpu.memory_space<semaphore_mem>>)
      %dma_wait3A = arith.constant 0 : i32
      %dma_wait3A_47 = arith.constant 0 : i32
      %dma_wait3A_48 = tpu.memref_slice %arg10[%dma_wait3A, %dma_wait3A_47] : memref<128x128xf32, #tpu.memory_space<vmem>> -> memref<120x128xf32, #tpu.memory_space<vmem>>
      %dma_wait3A_49 = arith.constant 0 : i32
      %dma_wait3A_50 = tpu.memref_slice %arg12[%add3A_18, %dma_wait3A_49] : memref<10112x128xf32, #tpu.memory_space<vmem_shared>> -> memref<120x128xf32, #tpu.memory_space<vmem_shared>>
      %dma_wait3A_51 = arith.constant 0 : i32
      %dma_wait3A_52 = tpu.memref_slice %arg12[%add3A_18, %dma_wait3A_51] : memref<10112x128xf32, #tpu.memory_space<vmem_shared>> -> memref<120x128xf32, #tpu.memory_space<vmem_shared>>
      %dma_wait3A_53 = arith.constant 0 : i32
      %dma_wait3A_54 = arith.constant 0 : i32
      %dma_wait3A_55 = tpu.memref_slice %arg10[%dma_wait3A_53, %dma_wait3A_54] : memref<128x128xf32, #tpu.memory_space<vmem>> -> memref<120x128xf32, #tpu.memory_space<vmem>>
      tpu.wait_dma2 semaphore(%run_scoped3A : memref<!tpu.dma_semaphore, #tpu.memory_space<semaphore_mem>>) src(%dma_wait3A_55 : memref<120x128xf32, #tpu.memory_space<vmem>>) dst(%dma_wait3A_52 : memref<120x128xf32, #tpu.memory_space<vmem_shared>>)
      tpu.yield
    }) : () -> ()
    %barrier3A = arith.constant 0 : index
    tpu.barrier barrier_id(%barrier3A)
    %mul3A_19 = arith.constant 80 : i32
    %mul3A_20 = arith.muli %add3A, %mul3A_19 : i32
    "tpu.region"() ({
      %run_scoped3A = tpu.sem_alloc : memref<!tpu.dma_semaphore, #tpu.memory_space<semaphore_mem>>
      %dma_start3A = arith.constant 0 : i32
      %dma_start3A_38 = tpu.memref_slice %arg3[%mul3A_20, %dma_start3A] : memref<2560x128xi32, #tpu.memory_space<hbm>> -> memref<80x128xi32, #tpu.memory_space<hbm>>
      %dma_start3A_39 = arith.constant 0 : i32
      %dma_start3A_40 = tpu.memref_slice %arg3[%mul3A_20, %dma_start3A_39] : memref<2560x128xi32, #tpu.memory_space<hbm>> -> memref<80x128xi32, #tpu.memory_space<hbm>>
      tpu.enqueue_dma source(%dma_start3A_40 : memref<80x128xi32, #tpu.memory_space<hbm>>) target(%arg7 : memref<80x128xi32, #tpu.memory_space<vmem>>) target_semaphore(%run_scoped3A : memref<!tpu.dma_semaphore, #tpu.memory_space<semaphore_mem>>)
      %dma_wait3A = arith.constant 0 : i32
      %dma_wait3A_41 = tpu.memref_slice %arg3[%mul3A_20, %dma_wait3A] : memref<2560x128xi32, #tpu.memory_space<hbm>> -> memref<80x128xi32, #tpu.memory_space<hbm>>
      %dma_wait3A_42 = arith.constant 0 : i32
      %dma_wait3A_43 = tpu.memref_slice %arg3[%mul3A_20, %dma_wait3A_42] : memref<2560x128xi32, #tpu.memory_space<hbm>> -> memref<80x128xi32, #tpu.memory_space<hbm>>
      tpu.wait_dma2 semaphore(%run_scoped3A : memref<!tpu.dma_semaphore, #tpu.memory_space<semaphore_mem>>) src(%dma_wait3A_43 : memref<80x128xi32, #tpu.memory_space<hbm>>) dst(%arg7 : memref<80x128xi32, #tpu.memory_space<vmem>>)
      tpu.yield
    }) : () -> ()
    "tpu.region"() ({
      %run_scoped3A = tpu.sem_alloc : memref<!tpu.dma_semaphore, #tpu.memory_space<semaphore_mem>>
      %dma_start3A = arith.constant 0 : i32
      %dma_start3A_38 = tpu.memref_slice %arg4[%mul3A_20, %dma_start3A] : memref<2560x128xi32, #tpu.memory_space<hbm>> -> memref<80x128xi32, #tpu.memory_space<hbm>>
      %dma_start3A_39 = arith.constant 0 : i32
      %dma_start3A_40 = tpu.memref_slice %arg4[%mul3A_20, %dma_start3A_39] : memref<2560x128xi32, #tpu.memory_space<hbm>> -> memref<80x128xi32, #tpu.memory_space<hbm>>
      tpu.enqueue_dma source(%dma_start3A_40 : memref<80x128xi32, #tpu.memory_space<hbm>>) target(%arg8 : memref<80x128xi32, #tpu.memory_space<vmem>>) target_semaphore(%run_scoped3A : memref<!tpu.dma_semaphore, #tpu.memory_space<semaphore_mem>>)
      %dma_wait3A = arith.constant 0 : i32
      %dma_wait3A_41 = tpu.memref_slice %arg4[%mul3A_20, %dma_wait3A] : memref<2560x128xi32, #tpu.memory_space<hbm>> -> memref<80x128xi32, #tpu.memory_space<hbm>>
      %dma_wait3A_42 = arith.constant 0 : i32
      %dma_wait3A_43 = tpu.memref_slice %arg4[%mul3A_20, %dma_wait3A_42] : memref<2560x128xi32, #tpu.memory_space<hbm>> -> memref<80x128xi32, #tpu.memory_space<hbm>>
      tpu.wait_dma2 semaphore(%run_scoped3A : memref<!tpu.dma_semaphore, #tpu.memory_space<semaphore_mem>>) src(%dma_wait3A_43 : memref<80x128xi32, #tpu.memory_space<hbm>>) dst(%arg8 : memref<80x128xi32, #tpu.memory_space<vmem>>)
      tpu.yield
    }) : () -> ()
    "tpu.region"() ({
      %run_scoped3A = tpu.sem_alloc : memref<!tpu.dma_semaphore, #tpu.memory_space<semaphore_mem>>
      %dma_start3A = arith.constant 0 : i32
      %dma_start3A_38 = tpu.memref_slice %arg5[%mul3A_20, %dma_start3A] : memref<2560x128xf32, #tpu.memory_space<hbm>> -> memref<80x128xf32, #tpu.memory_space<hbm>>
      %dma_start3A_39 = arith.constant 0 : i32
      %dma_start3A_40 = tpu.memref_slice %arg5[%mul3A_20, %dma_start3A_39] : memref<2560x128xf32, #tpu.memory_space<hbm>> -> memref<80x128xf32, #tpu.memory_space<hbm>>
      tpu.enqueue_dma source(%dma_start3A_40 : memref<80x128xf32, #tpu.memory_space<hbm>>) target(%arg9 : memref<80x128xf32, #tpu.memory_space<vmem>>) target_semaphore(%run_scoped3A : memref<!tpu.dma_semaphore, #tpu.memory_space<semaphore_mem>>)
      %dma_wait3A = arith.constant 0 : i32
      %dma_wait3A_41 = tpu.memref_slice %arg5[%mul3A_20, %dma_wait3A] : memref<2560x128xf32, #tpu.memory_space<hbm>> -> memref<80x128xf32, #tpu.memory_space<hbm>>
      %dma_wait3A_42 = arith.constant 0 : i32
      %dma_wait3A_43 = tpu.memref_slice %arg5[%mul3A_20, %dma_wait3A_42] : memref<2560x128xf32, #tpu.memory_space<hbm>> -> memref<80x128xf32, #tpu.memory_space<hbm>>
      tpu.wait_dma2 semaphore(%run_scoped3A : memref<!tpu.dma_semaphore, #tpu.memory_space<semaphore_mem>>) src(%dma_wait3A_43 : memref<80x128xf32, #tpu.memory_space<hbm>>) dst(%arg9 : memref<80x128xf32, #tpu.memory_space<vmem>>)
      tpu.yield
    }) : () -> ()
    %scan3A_21 = arith.constant 0 : i32
    %scan3A_22 = arith.constant 0 : i32
    %scan3A_23 = arith.constant 80 : i32
    %scan3A_24 = arith.addi %scan3A_22, %scan3A_23 : i32
    %scan3A_25 = arith.constant 1 : i32
    scf.for %scan3A_38 = %scan3A_22 to %scan3A_24 step %scan3A_25  : i32 {
      %dma_start3A = arith.constant 0 : i32
      %dma_start3A_39 = tpu.memref_slice %arg7[%scan3A_38, %dma_start3A] : memref<80x128xi32, #tpu.memory_space<vmem>> -> memref<1x128xi32, #tpu.memory_space<vmem>>
      %dma_start3A_40 = tpu.memref_squeeze %dma_start3A_39 : memref<1x128xi32, #tpu.memory_space<vmem>> -> memref<128xi32, #tpu.memory_space<vmem>>
      %dma_start3A_41 = arith.constant 0 : i32
      %dma_start3A_42 = arith.constant 0 : i32
      %dma_start3A_43 = tpu.memref_slice %arg2[%dma_start3A_41, %dma_start3A_42] : memref<10000x128xf32, #tpu.memory_space<hbm>> -> memref<10000x128xf32, #tpu.memory_space<hbm>>
      tpu.enqueue_indirect_dma source(%dma_start3A_43 : memref<10000x128xf32, #tpu.memory_space<hbm>>) target(%arg10 : memref<128x128xf32, #tpu.memory_space<vmem>>) offsets(%dma_start3A_40 : memref<128xi32, #tpu.memory_space<vmem>>) semaphore(%arg11 : memref<!tpu.dma_semaphore, #tpu.memory_space<semaphore_mem>>)
      %dma_wait3A = arith.constant 0 : i32
      %dma_wait3A_44 = tpu.memref_slice %arg7[%scan3A_38, %dma_wait3A] : memref<80x128xi32, #tpu.memory_space<vmem>> -> memref<1x128xi32, #tpu.memory_space<vmem>>
      %dma_wait3A_45 = tpu.memref_squeeze %dma_wait3A_44 : memref<1x128xi32, #tpu.memory_space<vmem>> -> memref<128xi32, #tpu.memory_space<vmem>>
      %dma_wait3A_46 = arith.constant 0 : i32
      %dma_wait3A_47 = arith.constant 0 : i32
      %dma_wait3A_48 = tpu.memref_slice %arg2[%dma_wait3A_46, %dma_wait3A_47] : memref<10000x128xf32, #tpu.memory_space<hbm>> -> memref<10000x128xf32, #tpu.memory_space<hbm>>
      tpu.wait_indirect_dma semaphore(%arg11 : memref<!tpu.dma_semaphore, #tpu.memory_space<semaphore_mem>>) src(%dma_wait3A_48 : memref<10000x128xf32, #tpu.memory_space<hbm>>) dst(%arg10 : memref<128x128xf32, #tpu.memory_space<vmem>>)
      %scan3A_49 = arith.constant 0 : i32
      %scan3A_50 = arith.constant 0 : i32
      %scan3A_51 = arith.constant 8 : i32
      %scan3A_52 = arith.addi %scan3A_50, %scan3A_51 : i32
      %scan3A_53 = arith.constant 1 : i32
      scf.for %scan3A_55 = %scan3A_50 to %scan3A_52 step %scan3A_53  : i32 {
        %mul3A_56 = arith.constant 16 : i32
        %mul3A_57 = arith.muli %scan3A_55, %mul3A_56 : i32
        %get3A = arith.index_cast %scan3A_38 : i32 to index
        %get3A_58 = arith.index_cast %mul3A_57 : i32 to index
        %get3A_59 = tpu.vector_load %arg9[%get3A, %get3A_58] {strides = array<i32>} : memref<80x128xf32, #tpu.memory_space<vmem>>, vector<1x16xf32>,
        %get3A_60 = vector.shape_cast %get3A_59 : vector<1x16xf32> to vector<16xf32>
        %slice3A = vector.extract_strided_slice %get3A_60 {offsets = [0], sizes = [1], strides = [1]} : vector<16xf32> to vector<1xf32>
        %squeeze3A = vector.extract %slice3A[0] : f32 from vector<1xf32>
        %mul3A_61 = arith.constant 16 : i32
        %mul3A_62 = arith.muli %scan3A_55, %mul3A_61 : i32
        %add3A_63 = arith.constant 0 : i32
        %add3A_64 = arith.addi %mul3A_62, %add3A_63 : i32
        %get3A_65 = arith.index_cast %add3A_64 : i32 to index
        %get3A_66 = arith.constant 0 : index
        %get3A_67 = tpu.vector_load %arg10[%get3A_65, %get3A_66] {strides = array<i32>} : memref<128x128xf32, #tpu.memory_space<vmem>>, vector<1x16xf32>,
        %get3A_68 = vector.shape_cast %get3A_67 : vector<1x16xf32> to vector<16xf32>
        %mul3A_69 = vector.broadcast %squeeze3A : f32 to vector<16xf32>
        %mul3A_70 = arith.mulf %get3A_68, %mul3A_69 : vector<16xf32>
        %swap3A = arith.index_cast %add3A_64 : i32 to index
        %swap3A_71 = arith.constant 0 : index
        %swap3A_72 = tpu.vector_load %arg10[%swap3A, %swap3A_71] {strides = array<i32>} : memref<128x128xf32, #tpu.memory_space<vmem>>, vector<1x16xf32>,
        %swap3A_73 = vector.shape_cast %swap3A_72 : vector<1x16xf32> to vector<16xf32>
        %swap3A_74 = vector.shape_cast %mul3A_70 : vector<16xf32> to vector<1x16xf32>
        tpu.vector_store %arg10[%swap3A, %swap3A_71], %swap3A_74 {strides = array<i32>} : memref<128x128xf32, #tpu.memory_space<vmem>>, vector<1x16xf32>,
        %get3A_75 = arith.index_cast %add3A_64 : i32 to index
        %get3A_76 = arith.constant 16 : index
        %get3A_77 = tpu.vector_load %arg10[%get3A_75, %get3A_76] {strides = array<i32>} : memref<128x128xf32, #tpu.memory_space<vmem>>, vector<1x16xf32>,
        %get3A_78 = vector.shape_cast %get3A_77 : vector<1x16xf32> to vector<16xf32>
        %mul3A_79 = vector.broadcast %squeeze3A : f32 to vector<16xf32>
        %mul3A_80 = arith.mulf %get3A_78, %mul3A_79 : vector<16xf32>
        %swap3A_81 = arith.index_cast %add3A_64 : i32 to index
        %swap3A_82 = arith.constant 16 : index
        %swap3A_83 = tpu.vector_load %arg10[%swap3A_81, %swap3A_82] {strides = array<i32>} : memref<128x128xf32, #tpu.memory_space<vmem>>, vector<1x16xf32>,
        %swap3A_84 = vector.shape_cast %swap3A_83 : vector<1x16xf32> to vector<16xf32>
        %swap3A_85 = vector.shape_cast %mul3A_80 : vector<16xf32> to vector<1x16xf32>
        tpu.vector_store %arg10[%swap3A_81, %swap3A_82], %swap3A_85 {strides = array<i32>} : memref<128x128xf32, #tpu.memory_space<vmem>>, vector<1x16xf32>,
        %get3A_86 = arith.index_cast %add3A_64 : i32 to index
        %get3A_87 = arith.constant 32 : index
        %get3A_88 = tpu.vector_load %arg10[%get3A_86, %get3A_87] {strides = array<i32>} : memref<128x128xf32, #tpu.memory_space<vmem>>, vector<1x16xf32>,
        %get3A_89 = vector.shape_cast %get3A_88 : vector<1x16xf32> to vector<16xf32>
        %mul3A_90 = vector.broadcast %squeeze3A : f32 to vector<16xf32>
        %mul3A_91 = arith.mulf %get3A_89, %mul3A_90 : vector<16xf32>
        %swap3A_92 = arith.index_cast %add3A_64 : i32 to index
        %swap3A_93 = arith.constant 32 : index
        %swap3A_94 = tpu.vector_load %arg10[%swap3A_92, %swap3A_93] {strides = array<i32>} : memref<128x128xf32, #tpu.memory_space<vmem>>, vector<1x16xf32>,
        %swap3A_95 = vector.shape_cast %swap3A_94 : vector<1x16xf32> to vector<16xf32>
        %swap3A_96 = vector.shape_cast %mul3A_91 : vector<16xf32> to vector<1x16xf32>
        tpu.vector_store %arg10[%swap3A_92, %swap3A_93], %swap3A_96 {strides = array<i32>} : memref<128x128xf32, #tpu.memory_space<vmem>>, vector<1x16xf32>,
        %get3A_97 = arith.index_cast %add3A_64 : i32 to index
        %get3A_98 = arith.constant 48 : index
        %get3A_99 = tpu.vector_load %arg10[%get3A_97, %get3A_98] {strides = array<i32>} : memref<128x128xf32, #tpu.memory_space<vmem>>, vector<1x16xf32>,
        %get3A_100 = vector.shape_cast %get3A_99 : vector<1x16xf32> to vector<16xf32>
        %mul3A_101 = vector.broadcast %squeeze3A : f32 to vector<16xf32>
        %mul3A_102 = arith.mulf %get3A_100, %mul3A_101 : vector<16xf32>
        %swap3A_103 = arith.index_cast %add3A_64 : i32 to index
        %swap3A_104 = arith.constant 48 : index
        %swap3A_105 = tpu.vector_load %arg10[%swap3A_103, %swap3A_104] {strides = array<i32>} : memref<128x128xf32, #tpu.memory_space<vmem>>, vector<1x16xf32>,
        %swap3A_106 = vector.shape_cast %swap3A_105 : vector<1x16xf32> to vector<16xf32>
        %swap3A_107 = vector.shape_cast %mul3A_102 : vector<16xf32> to vector<1x16xf32>
        tpu.vector_store %arg10[%swap3A_103, %swap3A_104], %swap3A_107 {strides = array<i32>} : memref<128x128xf32, #tpu.memory_space<vmem>>, vector<1x16xf32>,
        %get3A_108 = arith.index_cast %add3A_64 : i32 to index
        %get3A_109 = arith.constant 64 : index
        %get3A_110 = tpu.vector_load %arg10[%get3A_108, %get3A_109] {strides = array<i32>} : memref<128x128xf32, #tpu.memory_space<vmem>>, vector<1x16xf32>,
        %get3A_111 = vector.shape_cast %get3A_110 : vector<1x16xf32> to vector<16xf32>
        %mul3A_112 = vector.broadcast %squeeze3A : f32 to vector<16xf32>
        %mul3A_113 = arith.mulf %get3A_111, %mul3A_112 : vector<16xf32>
        %swap3A_114 = arith.index_cast %add3A_64 : i32 to index
        %swap3A_115 = arith.constant 64 : index
        %swap3A_116 = tpu.vector_load %arg10[%swap3A_114, %swap3A_115] {strides = array<i32>} : memref<128x128xf32, #tpu.memory_space<vmem>>, vector<1x16xf32>,
        %swap3A_117 = vector.shape_cast %swap3A_116 : vector<1x16xf32> to vector<16xf32>
        %swap3A_118 = vector.shape_cast %mul3A_113 : vector<16xf32> to vector<1x16xf32>
        tpu.vector_store %arg10[%swap3A_114, %swap3A_115], %swap3A_118 {strides = array<i32>} : memref<128x128xf32, #tpu.memory_space<vmem>>, vector<1x16xf32>,
        %get3A_119 = arith.index_cast %add3A_64 : i32 to index
        %get3A_120 = arith.constant 80 : index
        %get3A_121 = tpu.vector_load %arg10[%get3A_119, %get3A_120] {strides = array<i32>} : memref<128x128xf32, #tpu.memory_space<vmem>>, vector<1x16xf32>,
        %get3A_122 = vector.shape_cast %get3A_121 : vector<1x16xf32> to vector<16xf32>
        %mul3A_123 = vector.broadcast %squeeze3A : f32 to vector<16xf32>
        %mul3A_124 = arith.mulf %get3A_122, %mul3A_123 : vector<16xf32>
        %swap3A_125 = arith.index_cast %add3A_64 : i32 to index
        %swap3A_126 = arith.constant 80 : index
        %swap3A_127 = tpu.vector_load %arg10[%swap3A_125, %swap3A_126] {strides = array<i32>} : memref<128x128xf32, #tpu.memory_space<vmem>>, vector<1x16xf32>,
        %swap3A_128 = vector.shape_cast %swap3A_127 : vector<1x16xf32> to vector<16xf32>
        %swap3A_129 = vector.shape_cast %mul3A_124 : vector<16xf32> to vector<1x16xf32>
        tpu.vector_store %arg10[%swap3A_125, %swap3A_126], %swap3A_129 {strides = array<i32>} : memref<128x128xf32, #tpu.memory_space<vmem>>, vector<1x16xf32>,
        %get3A_130 = arith.index_cast %add3A_64 : i32 to index
        %get3A_131 = arith.constant 96 : index
        %get3A_132 = tpu.vector_load %arg10[%get3A_130, %get3A_131] {strides = array<i32>} : memref<128x128xf32, #tpu.memory_space<vmem>>, vector<1x16xf32>,
        %get3A_133 = vector.shape_cast %get3A_132 : vector<1x16xf32> to vector<16xf32>
        %mul3A_134 = vector.broadcast %squeeze3A : f32 to vector<16xf32>
        %mul3A_135 = arith.mulf %get3A_133, %mul3A_134 : vector<16xf32>
        %swap3A_136 = arith.index_cast %add3A_64 : i32 to index
        %swap3A_137 = arith.constant 96 : index
        %swap3A_138 = tpu.vector_load %arg10[%swap3A_136, %swap3A_137] {strides = array<i32>} : memref<128x128xf32, #tpu.memory_space<vmem>>, vector<1x16xf32>,
        %swap3A_139 = vector.shape_cast %swap3A_138 : vector<1x16xf32> to vector<16xf32>
        %swap3A_140 = vector.shape_cast %mul3A_135 : vector<16xf32> to vector<1x16xf32>
        tpu.vector_store %arg10[%swap3A_136, %swap3A_137], %swap3A_140 {strides = array<i32>} : memref<128x128xf32, #tpu.memory_space<vmem>>, vector<1x16xf32>,
        %get3A_141 = arith.index_cast %add3A_64 : i32 to index
        %get3A_142 = arith.constant 112 : index
        %get3A_143 = tpu.vector_load %arg10[%get3A_141, %get3A_142] {strides = array<i32>} : memref<128x128xf32, #tpu.memory_space<vmem>>, vector<1x16xf32>,
        %get3A_144 = vector.shape_cast %get3A_143 : vector<1x16xf32> to vector<16xf32>
        %mul3A_145 = vector.broadcast %squeeze3A : f32 to vector<16xf32>
        %mul3A_146 = arith.mulf %get3A_144, %mul3A_145 : vector<16xf32>
        %swap3A_147 = arith.index_cast %add3A_64 : i32 to index
        %swap3A_148 = arith.constant 112 : index
        %swap3A_149 = tpu.vector_load %arg10[%swap3A_147, %swap3A_148] {strides = array<i32>} : memref<128x128xf32, #tpu.memory_space<vmem>>, vector<1x16xf32>,
        %swap3A_150 = vector.shape_cast %swap3A_149 : vector<1x16xf32> to vector<16xf32>
        %swap3A_151 = vector.shape_cast %mul3A_146 : vector<16xf32> to vector<1x16xf32>
        tpu.vector_store %arg10[%swap3A_147, %swap3A_148], %swap3A_151 {strides = array<i32>} : memref<128x128xf32, #tpu.memory_space<vmem>>, vector<1x16xf32>,
        %slice3A_152 = vector.extract_strided_slice %get3A_60 {offsets = [1], sizes = [1], strides = [1]} : vector<16xf32> to vector<1xf32>
        %squeeze3A_153 = vector.extract %slice3A_152[0] : f32 from vector<1xf32>
        %mul3A_154 = arith.constant 16 : i32
        %mul3A_155 = arith.muli %scan3A_55, %mul3A_154 : i32
        %add3A_156 = arith.constant 1 : i32
        %add3A_157 = arith.addi %mul3A_155, %add3A_156 : i32
        %get3A_158 = arith.index_cast %add3A_157 : i32 to index
        %get3A_159 = arith.constant 0 : index
        %get3A_160 = tpu.vector_load %arg10[%get3A_158, %get3A_159] {strides = array<i32>} : memref<128x128xf32, #tpu.memory_space<vmem>>, vector<1x16xf32>,
        %get3A_161 = vector.shape_cast %get3A_160 : vector<1x16xf32> to vector<16xf32>
        %mul3A_162 = vector.broadcast %squeeze3A_153 : f32 to vector<16xf32>
        %mul3A_163 = arith.mulf %get3A_161, %mul3A_162 : vector<16xf32>
        %swap3A_164 = arith.index_cast %add3A_157 : i32 to index
        %swap3A_165 = arith.constant 0 : index
        %swap3A_166 = tpu.vector_load %arg10[%swap3A_164, %swap3A_165] {strides = array<i32>} : memref<128x128xf32, #tpu.memory_space<vmem>>, vector<1x16xf32>,
        %swap3A_167 = vector.shape_cast %swap3A_166 : vector<1x16xf32> to vector<16xf32>
        %swap3A_168 = vector.shape_cast %mul3A_163 : vector<16xf32> to vector<1x16xf32>
        tpu.vector_store %arg10[%swap3A_164, %swap3A_165], %swap3A_168 {strides = array<i32>} : memref<128x128xf32, #tpu.memory_space<vmem>>, vector<1x16xf32>,
        %get3A_169 = arith.index_cast %add3A_157 : i32 to index
        %get3A_170 = arith.constant 16 : index
        %get3A_171 = tpu.vector_load %arg10[%get3A_169, %get3A_170] {strides = array<i32>} : memref<128x128xf32, #tpu.memory_space<vmem>>, vector<1x16xf32>,
        %get3A_172 = vector.shape_cast %get3A_171 : vector<1x16xf32> to vector<16xf32>
        %mul3A_173 = vector.broadcast %squeeze3A_153 : f32 to vector<16xf32>
        %mul3A_174 = arith.mulf %get3A_172, %mul3A_173 : vector<16xf32>
        %swap3A_175 = arith.index_cast %add3A_157 : i32 to index
        %swap3A_176 = arith.constant 16 : index
        %swap3A_177 = tpu.vector_load %arg10[%swap3A_175, %swap3A_176] {strides = array<i32>} : memref<128x128xf32, #tpu.memory_space<vmem>>, vector<1x16xf32>,
        %swap3A_178 = vector.shape_cast %swap3A_177 : vector<1x16xf32> to vector<16xf32>
        %swap3A_179 = vector.shape_cast %mul3A_174 : vector<16xf32> to vector<1x16xf32>
        tpu.vector_store %arg10[%swap3A_175, %swap3A_176], %swap3A_179 {strides = array<i32>} : memref<128x128xf32, #tpu.memory_space<vmem>>, vector<1x16xf32>,
        %get3A_180 = arith.index_cast %add3A_157 : i32 to index
        %get3A_181 = arith.constant 32 : index
        %get3A_182 = tpu.vector_load %arg10[%get3A_180, %get3A_181] {strides = array<i32>} : memref<128x128xf32, #tpu.memory_space<vmem>>, vector<1x16xf32>,
        %get3A_183 = vector.shape_cast %get3A_182 : vector<1x16xf32> to vector<16xf32>
        %mul3A_184 = vector.broadcast %squeeze3A_153 : f32 to vector<16xf32>
        %mul3A_185 = arith.mulf %get3A_183, %mul3A_184 : vector<16xf32>
        %swap3A_186 = arith.index_cast %add3A_157 : i32 to index
        %swap3A_187 = arith.constant 32 : index
        %swap3A_188 = tpu.vector_load %arg10[%swap3A_186, %swap3A_187] {strides = array<i32>} : memref<128x128xf32, #tpu.memory_space<vmem>>, vector<1x16xf32>,
        %swap3A_189 = vector.shape_cast %swap3A_188 : vector<1x16xf32> to vector<16xf32>
        %swap3A_190 = vector.shape_cast %mul3A_185 : vector<16xf32> to vector<1x16xf32>
        tpu.vector_store %arg10[%swap3A_186, %swap3A_187], %swap3A_190 {strides = array<i32>} : memref<128x128xf32, #tpu.memory_space<vmem>>, vector<1x16xf32>,
        %get3A_191 = arith.index_cast %add3A_157 : i32 to index
        %get3A_192 = arith.constant 48 : index
        %get3A_193 = tpu.vector_load %arg10[%get3A_191, %get3A_192] {strides = array<i32>} : memref<128x128xf32, #tpu.memory_space<vmem>>, vector<1x16xf32>,
        %get3A_194 = vector.shape_cast %get3A_193 : vector<1x16xf32> to vector<16xf32>
        %mul3A_195 = vector.broadcast %squeeze3A_153 : f32 to vector<16xf32>
        %mul3A_196 = arith.mulf %get3A_194, %mul3A_195 : vector<16xf32>
        %swap3A_197 = arith.index_cast %add3A_157 : i32 to index
        %swap3A_198 = arith.constant 48 : index
        %swap3A_199 = tpu.vector_load %arg10[%swap3A_197, %swap3A_198] {strides = array<i32>} : memref<128x128xf32, #tpu.memory_space<vmem>>, vector<1x16xf32>,
        %swap3A_200 = vector.shape_cast %swap3A_199 : vector<1x16xf32> to vector<16xf32>
        %swap3A_201 = vector.shape_cast %mul3A_196 : vector<16xf32> to vector<1x16xf32>
        tpu.vector_store %arg10[%swap3A_197, %swap3A_198], %swap3A_201 {strides = array<i32>} : memref<128x128xf32, #tpu.memory_space<vmem>>, vector<1x16xf32>,
        %get3A_202 = arith.index_cast %add3A_157 : i32 to index
        %get3A_203 = arith.constant 64 : index
        %get3A_204 = tpu.vector_load %arg10[%get3A_202, %get3A_203] {strides = array<i32>} : memref<128x128xf32, #tpu.memory_space<vmem>>, vector<1x16xf32>,
        %get3A_205 = vector.shape_cast %get3A_204 : vector<1x16xf32> to vector<16xf32>
        %mul3A_206 = vector.broadcast %squeeze3A_153 : f32 to vector<16xf32>
        %mul3A_207 = arith.mulf %get3A_205, %mul3A_206 : vector<16xf32>
        %swap3A_208 = arith.index_cast %add3A_157 : i32 to index
        %swap3A_209 = arith.constant 64 : index
        %swap3A_210 = tpu.vector_load %arg10[%swap3A_208, %swap3A_209] {strides = array<i32>} : memref<128x128xf32, #tpu.memory_space<vmem>>, vector<1x16xf32>,
        %swap3A_211 = vector.shape_cast %swap3A_210 : vector<1x16xf32> to vector<16xf32>
        %swap3A_212 = vector.shape_cast %mul3A_207 : vector<16xf32> to vector<1x16xf32>
        tpu.vector_store %arg10[%swap3A_208, %swap3A_209], %swap3A_212 {strides = array<i32>} : memref<128x128xf32, #tpu.memory_space<vmem>>, vector<1x16xf32>,
        %get3A_213 = arith.index_cast %add3A_157 : i32 to index
        %get3A_214 = arith.constant 80 : index
        %get3A_215 = tpu.vector_load %arg10[%get3A_213, %get3A_214] {strides = array<i32>} : memref<128x128xf32, #tpu.memory_space<vmem>>, vector<1x16xf32>,
        %get3A_216 = vector.shape_cast %get3A_215 : vector<1x16xf32> to vector<16xf32>
        %mul3A_217 = vector.broadcast %squeeze3A_153 : f32 to vector<16xf32>
        %mul3A_218 = arith.mulf %get3A_216, %mul3A_217 : vector<16xf32>
        %swap3A_219 = arith.index_cast %add3A_157 : i32 to index
        %swap3A_220 = arith.constant 80 : index
        %swap3A_221 = tpu.vector_load %arg10[%swap3A_219, %swap3A_220] {strides = array<i32>} : memref<128x128xf32, #tpu.memory_space<vmem>>, vector<1x16xf32>,
        %swap3A_222 = vector.shape_cast %swap3A_221 : vector<1x16xf32> to vector<16xf32>
        %swap3A_223 = vector.shape_cast %mul3A_218 : vector<16xf32> to vector<1x16xf32>
        tpu.vector_store %arg10[%swap3A_219, %swap3A_220], %swap3A_223 {strides = array<i32>} : memref<128x128xf32, #tpu.memory_space<vmem>>, vector<1x16xf32>,
        %get3A_224 = arith.index_cast %add3A_157 : i32 to index
        %get3A_225 = arith.constant 96 : index
        %get3A_226 = tpu.vector_load %arg10[%get3A_224, %get3A_225] {strides = array<i32>} : memref<128x128xf32, #tpu.memory_space<vmem>>, vector<1x16xf32>,
        %get3A_227 = vector.shape_cast %get3A_226 : vector<1x16xf32> to vector<16xf32>
        %mul3A_228 = vector.broadcast %squeeze3A_153 : f32 to vector<16xf32>
        %mul3A_229 = arith.mulf %get3A_227, %mul3A_228 : vector<16xf32>
        %swap3A_230 = arith.index_cast %add3A_157 : i32 to index
        %swap3A_231 = arith.constant 96 : index
        %swap3A_232 = tpu.vector_load %arg10[%swap3A_230, %swap3A_231] {strides = array<i32>} : memref<128x128xf32, #tpu.memory_space<vmem>>, vector<1x16xf32>,
        %swap3A_233 = vector.shape_cast %swap3A_232 : vector<1x16xf32> to vector<16xf32>
        %swap3A_234 = vector.shape_cast %mul3A_229 : vector<16xf32> to vector<1x16xf32>
        tpu.vector_store %arg10[%swap3A_230, %swap3A_231], %swap3A_234 {strides = array<i32>} : memref<128x128xf32, #tpu.memory_space<vmem>>, vector<1x16xf32>,
        %get3A_235 = arith.index_cast %add3A_157 : i32 to index
        %get3A_236 = arith.constant 112 : index
        %get3A_237 = tpu.vector_load %arg10[%get3A_235, %get3A_236] {strides = array<i32>} : memref<128x128xf32, #tpu.memory_space<vmem>>, vector<1x16xf32>,
        %get3A_238 = vector.shape_cast %get3A_237 : vector<1x16xf32> to vector<16xf32>
        %mul3A_239 = vector.broadcast %squeeze3A_153 : f32 to vector<16xf32>
        %mul3A_240 = arith.mulf %get3A_238, %mul3A_239 : vector<16xf32>
        %swap3A_241 = arith.index_cast %add3A_157 : i32 to index
        %swap3A_242 = arith.constant 112 : index
        %swap3A_243 = tpu.vector_load %arg10[%swap3A_241, %swap3A_242] {strides = array<i32>} : memref<128x128xf32, #tpu.memory_space<vmem>>, vector<1x16xf32>,
        %swap3A_244 = vector.shape_cast %swap3A_243 : vector<1x16xf32> to vector<16xf32>
        %swap3A_245 = vector.shape_cast %mul3A_240 : vector<16xf32> to vector<1x16xf32>
        tpu.vector_store %arg10[%swap3A_241, %swap3A_242], %swap3A_245 {strides = array<i32>} : memref<128x128xf32, #tpu.memory_space<vmem>>, vector<1x16xf32>,
        %slice3A_246 = vector.extract_strided_slice %get3A_60 {offsets = [2], sizes = [1], strides = [1]} : vector<16xf32> to vector<1xf32>
        %squeeze3A_247 = vector.extract %slice3A_246[0] : f32 from vector<1xf32>
        %mul3A_248 = arith.constant 16 : i32
        %mul3A_249 = arith.muli %scan3A_55, %mul3A_248 : i32
        %add3A_250 = arith.constant 2 : i32
        %add3A_251 = arith.addi %mul3A_249, %add3A_250 : i32
        %get3A_252 = arith.index_cast %add3A_251 : i32 to index
        %get3A_253 = arith.constant 0 : index
        %get3A_254 = tpu.vector_load %arg10[%get3A_252, %get3A_253] {strides = array<i32>} : memref<128x128xf32, #tpu.memory_space<vmem>>, vector<1x16xf32>,
        %get3A_255 = vector.shape_cast %get3A_254 : vector<1x16xf32> to vector<16xf32>
        %mul3A_256 = vector.broadcast %squeeze3A_247 : f32 to vector<16xf32>
        %mul3A_257 = arith.mulf %get3A_255, %mul3A_256 : vector<16xf32>
        %swap3A_258 = arith.index_cast %add3A_251 : i32 to index
        %swap3A_259 = arith.constant 0 : index
        %swap3A_260 = tpu.vector_load %arg10[%swap3A_258, %swap3A_259] {strides = array<i32>} : memref<128x128xf32, #tpu.memory_space<vmem>>, vector<1x16xf32>,
        %swap3A_261 = vector.shape_cast %swap3A_260 : vector<1x16xf32> to vector<16xf32>
        %swap3A_262 = vector.shape_cast %mul3A_257 : vector<16xf32> to vector<1x16xf32>
        tpu.vector_store %arg10[%swap3A_258, %swap3A_259], %swap3A_262 {strides = array<i32>} : memref<128x128xf32, #tpu.memory_space<vmem>>, vector<1x16xf32>,
        %get3A_263 = arith.index_cast %add3A_251 : i32 to index
        %get3A_264 = arith.constant 16 : index
        %get3A_265 = tpu.vector_load %arg10[%get3A_263, %get3A_264] {strides = array<i32>} : memref<128x128xf32, #tpu.memory_space<vmem>>, vector<1x16xf32>,
        %get3A_266 = vector.shape_cast %get3A_265 : vector<1x16xf32> to vector<16xf32>
        %mul3A_267 = vector.broadcast %squeeze3A_247 : f32 to vector<16xf32>
        %mul3A_268 = arith.mulf %get3A_266, %mul3A_267 : vector<16xf32>
        %swap3A_269 = arith.index_cast %add3A_251 : i32 to index
        %swap3A_270 = arith.constant 16 : index
        %swap3A_271 = tpu.vector_load %arg10[%swap3A_269, %swap3A_270] {strides = array<i32>} : memref<128x128xf32, #tpu.memory_space<vmem>>, vector<1x16xf32>,
        %swap3A_272 = vector.shape_cast %swap3A_271 : vector<1x16xf32> to vector<16xf32>
        %swap3A_273 = vector.shape_cast %mul3A_268 : vector<16xf32> to vector<1x16xf32>
        tpu.vector_store %arg10[%swap3A_269, %swap3A_270], %swap3A_273 {strides = array<i32>} : memref<128x128xf32, #tpu.memory_space<vmem>>, vector<1x16xf32>,
        %get3A_274 = arith.index_cast %add3A_251 : i32 to index
        %get3A_275 = arith.constant 32 : index
        %get3A_276 = tpu.vector_load %arg10[%get3A_274, %get3A_275] {strides = array<i32>} : memref<128x128xf32, #tpu.memory_space<vmem>>, vector<1x16xf32>,
        %get3A_277 = vector.shape_cast %get3A_276 : vector<1x16xf32> to vector<16xf32>
        %mul3A_278 = vector.broadcast %squeeze3A_247 : f32 to vector<16xf32>
        %mul3A_279 = arith.mulf %get3A_277, %mul3A_278 : vector<16xf32>
        %swap3A_280 = arith.index_cast %add3A_251 : i32 to index
        %swap3A_281 = arith.constant 32 : index
        %swap3A_282 = tpu.vector_load %arg10[%swap3A_280, %swap3A_281] {strides = array<i32>} : memref<128x128xf32, #tpu.memory_space<vmem>>, vector<1x16xf32>,
        %swap3A_283 = vector.shape_cast %swap3A_282 : vector<1x16xf32> to vector<16xf32>
        %swap3A_284 = vector.shape_cast %mul3A_279 : vector<16xf32> to vector<1x16xf32>
        tpu.vector_store %arg10[%swap3A_280, %swap3A_281], %swap3A_284 {strides = array<i32>} : memref<128x128xf32, #tpu.memory_space<vmem>>, vector<1x16xf32>,
        %get3A_285 = arith.index_cast %add3A_251 : i32 to index
        %get3A_286 = arith.constant 48 : index
        %get3A_287 = tpu.vector_load %arg10[%get3A_285, %get3A_286] {strides = array<i32>} : memref<128x128xf32, #tpu.memory_space<vmem>>, vector<1x16xf32>,
        %get3A_288 = vector.shape_cast %get3A_287 : vector<1x16xf32> to vector<16xf32>
        %mul3A_289 = vector.broadcast %squeeze3A_247 : f32 to vector<16xf32>
        %mul3A_290 = arith.mulf %get3A_288, %mul3A_289 : vector<16xf32>
        %swap3A_291 = arith.index_cast %add3A_251 : i32 to index
        %swap3A_292 = arith.constant 48 : index
        %swap3A_293 = tpu.vector_load %arg10[%swap3A_291, %swap3A_292] {strides = array<i32>} : memref<128x128xf32, #tpu.memory_space<vmem>>, vector<1x16xf32>,
        %swap3A_294 = vector.shape_cast %swap3A_293 : vector<1x16xf32> to vector<16xf32>
        %swap3A_295 = vector.shape_cast %mul3A_290 : vector<16xf32> to vector<1x16xf32>
        tpu.vector_store %arg10[%swap3A_291, %swap3A_292], %swap3A_295 {strides = array<i32>} : memref<128x128xf32, #tpu.memory_space<vmem>>, vector<1x16xf32>,
        %get3A_296 = arith.index_cast %add3A_251 : i32 to index
        %get3A_297 = arith.constant 64 : index
        %get3A_298 = tpu.vector_load %arg10[%get3A_296, %get3A_297] {strides = array<i32>} : memref<128x128xf32, #tpu.memory_space<vmem>>, vector<1x16xf32>,
        %get3A_299 = vector.shape_cast %get3A_298 : vector<1x16xf32> to vector<16xf32>
        %mul3A_300 = vector.broadcast %squeeze3A_247 : f32 to vector<16xf32>
        %mul3A_301 = arith.mulf %get3A_299, %mul3A_300 : vector<16xf32>
        %swap3A_302 = arith.index_cast %add3A_251 : i32 to index
        %swap3A_303 = arith.constant 64 : index
        %swap3A_304 = tpu.vector_load %arg10[%swap3A_302, %swap3A_303] {strides = array<i32>} : memref<128x128xf32, #tpu.memory_space<vmem>>, vector<1x16xf32>,
        %swap3A_305 = vector.shape_cast %swap3A_304 : vector<1x16xf32> to vector<16xf32>
        %swap3A_306 = vector.shape_cast %mul3A_301 : vector<16xf32> to vector<1x16xf32>
        tpu.vector_store %arg10[%swap3A_302, %swap3A_303], %swap3A_306 {strides = array<i32>} : memref<128x128xf32, #tpu.memory_space<vmem>>, vector<1x16xf32>,
        %get3A_307 = arith.index_cast %add3A_251 : i32 to index
        %get3A_308 = arith.constant 80 : index
        %get3A_309 = tpu.vector_load %arg10[%get3A_307, %get3A_308] {strides = array<i32>} : memref<128x128xf32, #tpu.memory_space<vmem>>, vector<1x16xf32>,
        %get3A_310 = vector.shape_cast %get3A_309 : vector<1x16xf32> to vector<16xf32>
        %mul3A_311 = vector.broadcast %squeeze3A_247 : f32 to vector<16xf32>
        %mul3A_312 = arith.mulf %get3A_310, %mul3A_311 : vector<16xf32>
        %swap3A_313 = arith.index_cast %add3A_251 : i32 to index
        %swap3A_314 = arith.constant 80 : index
        %swap3A_315 = tpu.vector_load %arg10[%swap3A_313, %swap3A_314] {strides = array<i32>} : memref<128x128xf32, #tpu.memory_space<vmem>>, vector<1x16xf32>,
        %swap3A_316 = vector.shape_cast %swap3A_315 : vector<1x16xf32> to vector<16xf32>
        %swap3A_317 = vector.shape_cast %mul3A_312 : vector<16xf32> to vector<1x16xf32>
        tpu.vector_store %arg10[%swap3A_313, %swap3A_314], %swap3A_317 {strides = array<i32>} : memref<128x128xf32, #tpu.memory_space<vmem>>, vector<1x16xf32>,
        %get3A_318 = arith.index_cast %add3A_251 : i32 to index
        %get3A_319 = arith.constant 96 : index
        %get3A_320 = tpu.vector_load %arg10[%get3A_318, %get3A_319] {strides = array<i32>} : memref<128x128xf32, #tpu.memory_space<vmem>>, vector<1x16xf32>,
        %get3A_321 = vector.shape_cast %get3A_320 : vector<1x16xf32> to vector<16xf32>
        %mul3A_322 = vector.broadcast %squeeze3A_247 : f32 to vector<16xf32>
        %mul3A_323 = arith.mulf %get3A_321, %mul3A_322 : vector<16xf32>
        %swap3A_324 = arith.index_cast %add3A_251 : i32 to index
        %swap3A_325 = arith.constant 96 : index
        %swap3A_326 = tpu.vector_load %arg10[%swap3A_324, %swap3A_325] {strides = array<i32>} : memref<128x128xf32, #tpu.memory_space<vmem>>, vector<1x16xf32>,
        %swap3A_327 = vector.shape_cast %swap3A_326 : vector<1x16xf32> to vector<16xf32>
        %swap3A_328 = vector.shape_cast %mul3A_323 : vector<16xf32> to vector<1x16xf32>
        tpu.vector_store %arg10[%swap3A_324, %swap3A_325], %swap3A_328 {strides = array<i32>} : memref<128x128xf32, #tpu.memory_space<vmem>>, vector<1x16xf32>,
        %get3A_329 = arith.index_cast %add3A_251 : i32 to index
        %get3A_330 = arith.constant 112 : index
        %get3A_331 = tpu.vector_load %arg10[%get3A_329, %get3A_330] {strides = array<i32>} : memref<128x128xf32, #tpu.memory_space<vmem>>, vector<1x16xf32>,
        %get3A_332 = vector.shape_cast %get3A_331 : vector<1x16xf32> to vector<16xf32>
        %mul3A_333 = vector.broadcast %squeeze3A_247 : f32 to vector<16xf32>
        %mul3A_334 = arith.mulf %get3A_332, %mul3A_333 : vector<16xf32>
        %swap3A_335 = arith.index_cast %add3A_251 : i32 to index
        %swap3A_336 = arith.constant 112 : index
        %swap3A_337 = tpu.vector_load %arg10[%swap3A_335, %swap3A_336] {strides = array<i32>} : memref<128x128xf32, #tpu.memory_space<vmem>>, vector<1x16xf32>,
        %swap3A_338 = vector.shape_cast %swap3A_337 : vector<1x16xf32> to vector<16xf32>
        %swap3A_339 = vector.shape_cast %mul3A_334 : vector<16xf32> to vector<1x16xf32>
        tpu.vector_store %arg10[%swap3A_335, %swap3A_336], %swap3A_339 {strides = array<i32>} : memref<128x128xf32, #tpu.memory_space<vmem>>, vector<1x16xf32>,
        %slice3A_340 = vector.extract_strided_slice %get3A_60 {offsets = [3], sizes = [1], strides = [1]} : vector<16xf32> to vector<1xf32>
        %squeeze3A_341 = vector.extract %slice3A_340[0] : f32 from vector<1xf32>
        %mul3A_342 = arith.constant 16 : i32
        %mul3A_343 = arith.muli %scan3A_55, %mul3A_342 : i32
        %add3A_344 = arith.constant 3 : i32
        %add3A_345 = arith.addi %mul3A_343, %add3A_344 : i32
        %get3A_346 = arith.index_cast %add3A_345 : i32 to index
        %get3A_347 = arith.constant 0 : index
        %get3A_348 = tpu.vector_load %arg10[%get3A_346, %get3A_347] {strides = array<i32>} : memref<128x128xf32, #tpu.memory_space<vmem>>, vector<1x16xf32>,
        %get3A_349 = vector.shape_cast %get3A_348 : vector<1x16xf32> to vector<16xf32>
        %mul3A_350 = vector.broadcast %squeeze3A_341 : f32 to vector<16xf32>
        %mul3A_351 = arith.mulf %get3A_349, %mul3A_350 : vector<16xf32>
        %swap3A_352 = arith.index_cast %add3A_345 : i32 to index
        %swap3A_353 = arith.constant 0 : index
        %swap3A_354 = tpu.vector_load %arg10[%swap3A_352, %swap3A_353] {strides = array<i32>} : memref<128x128xf32, #tpu.memory_space<vmem>>, vector<1x16xf32>,
        %swap3A_355 = vector.shape_cast %swap3A_354 : vector<1x16xf32> to vector<16xf32>
        %swap3A_356 = vector.shape_cast %mul3A_351 : vector<16xf32> to vector<1x16xf32>
        tpu.vector_store %arg10[%swap3A_352, %swap3A_353], %swap3A_356 {strides = array<i32>} : memref<128x128xf32, #tpu.memory_space<vmem>>, vector<1x16xf32>,
        %get3A_357 = arith.index_cast %add3A_345 : i32 to index
        %get3A_358 = arith.constant 16 : index
        %get3A_359 = tpu.vector_load %arg10[%get3A_357, %get3A_358] {strides = array<i32>} : memref<128x128xf32, #tpu.memory_space<vmem>>, vector<1x16xf32>,
        %get3A_360 = vector.shape_cast %get3A_359 : vector<1x16xf32> to vector<16xf32>
        %mul3A_361 = vector.broadcast %squeeze3A_341 : f32 to vector<16xf32>
        %mul3A_362 = arith.mulf %get3A_360, %mul3A_361 : vector<16xf32>
        %swap3A_363 = arith.index_cast %add3A_345 : i32 to index
        %swap3A_364 = arith.constant 16 : index
        %swap3A_365 = tpu.vector_load %arg10[%swap3A_363, %swap3A_364] {strides = array<i32>} : memref<128x128xf32, #tpu.memory_space<vmem>>, vector<1x16xf32>,
        %swap3A_366 = vector.shape_cast %swap3A_365 : vector<1x16xf32> to vector<16xf32>
        %swap3A_367 = vector.shape_cast %mul3A_362 : vector<16xf32> to vector<1x16xf32>
        tpu.vector_store %arg10[%swap3A_363, %swap3A_364], %swap3A_367 {strides = array<i32>} : memref<128x128xf32, #tpu.memory_space<vmem>>, vector<1x16xf32>,
        %get3A_368 = arith.index_cast %add3A_345 : i32 to index
        %get3A_369 = arith.constant 32 : index
        %get3A_370 = tpu.vector_load %arg10[%get3A_368, %get3A_369] {strides = array<i32>} : memref<128x128xf32, #tpu.memory_space<vmem>>, vector<1x16xf32>,
        %get3A_371 = vector.shape_cast %get3A_370 : vector<1x16xf32> to vector<16xf32>
        %mul3A_372 = vector.broadcast %squeeze3A_341 : f32 to vector<16xf32>
        %mul3A_373 = arith.mulf %get3A_371, %mul3A_372 : vector<16xf32>
        %swap3A_374 = arith.index_cast %add3A_345 : i32 to index
        %swap3A_375 = arith.constant 32 : index
        %swap3A_376 = tpu.vector_load %arg10[%swap3A_374, %swap3A_375] {strides = array<i32>} : memref<128x128xf32, #tpu.memory_space<vmem>>, vector<1x16xf32>,
        %swap3A_377 = vector.shape_cast %swap3A_376 : vector<1x16xf32> to vector<16xf32>
        %swap3A_378 = vector.shape_cast %mul3A_373 : vector<16xf32> to vector<1x16xf32>
        tpu.vector_store %arg10[%swap3A_374, %swap3A_375], %swap3A_378 {strides = array<i32>} : memref<128x128xf32, #tpu.memory_space<vmem>>, vector<1x16xf32>,
        %get3A_379 = arith.index_cast %add3A_345 : i32 to index
        %get3A_380 = arith.constant 48 : index
        %get3A_381 = tpu.vector_load %arg10[%get3A_379, %get3A_380] {strides = array<i32>} : memref<128x128xf32, #tpu.memory_space<vmem>>, vector<1x16xf32>,
        %get3A_382 = vector.shape_cast %get3A_381 : vector<1x16xf32> to vector<16xf32>
        %mul3A_383 = vector.broadcast %squeeze3A_341 : f32 to vector<16xf32>
        %mul3A_384 = arith.mulf %get3A_382, %mul3A_383 : vector<16xf32>
        %swap3A_385 = arith.index_cast %add3A_345 : i32 to index
        %swap3A_386 = arith.constant 48 : index
        %swap3A_387 = tpu.vector_load %arg10[%swap3A_385, %swap3A_386] {strides = array<i32>} : memref<128x128xf32, #tpu.memory_space<vmem>>, vector<1x16xf32>,
        %swap3A_388 = vector.shape_cast %swap3A_387 : vector<1x16xf32> to vector<16xf32>
        %swap3A_389 = vector.shape_cast %mul3A_384 : vector<16xf32> to vector<1x16xf32>
        tpu.vector_store %arg10[%swap3A_385, %swap3A_386], %swap3A_389 {strides = array<i32>} : memref<128x128xf32, #tpu.memory_space<vmem>>, vector<1x16xf32>,
        %get3A_390 = arith.index_cast %add3A_345 : i32 to index
        %get3A_391 = arith.constant 64 : index
        %get3A_392 = tpu.vector_load %arg10[%get3A_390, %get3A_391] {strides = array<i32>} : memref<128x128xf32, #tpu.memory_space<vmem>>, vector<1x16xf32>,
        %get3A_393 = vector.shape_cast %get3A_392 : vector<1x16xf32> to vector<16xf32>
        %mul3A_394 = vector.broadcast %squeeze3A_341 : f32 to vector<16xf32>
        %mul3A_395 = arith.mulf %get3A_393, %mul3A_394 : vector<16xf32>
        %swap3A_396 = arith.index_cast %add3A_345 : i32 to index
        %swap3A_397 = arith.constant 64 : index
        %swap3A_398 = tpu.vector_load %arg10[%swap3A_396, %swap3A_397] {strides = array<i32>} : memref<128x128xf32, #tpu.memory_space<vmem>>, vector<1x16xf32>,
        %swap3A_399 = vector.shape_cast %swap3A_398 : vector<1x16xf32> to vector<16xf32>
        %swap3A_400 = vector.shape_cast %mul3A_395 : vector<16xf32> to vector<1x16xf32>
        tpu.vector_store %arg10[%swap3A_396, %swap3A_397], %swap3A_400 {strides = array<i32>} : memref<128x128xf32, #tpu.memory_space<vmem>>, vector<1x16xf32>,
        %get3A_401 = arith.index_cast %add3A_345 : i32 to index
        %get3A_402 = arith.constant 80 : index
        %get3A_403 = tpu.vector_load %arg10[%get3A_401, %get3A_402] {strides = array<i32>} : memref<128x128xf32, #tpu.memory_space<vmem>>, vector<1x16xf32>,
        %get3A_404 = vector.shape_cast %get3A_403 : vector<1x16xf32> to vector<16xf32>
        %mul3A_405 = vector.broadcast %squeeze3A_341 : f32 to vector<16xf32>
        %mul3A_406 = arith.mulf %get3A_404, %mul3A_405 : vector<16xf32>
        %swap3A_407 = arith.index_cast %add3A_345 : i32 to index
        %swap3A_408 = arith.constant 80 : index
        %swap3A_409 = tpu.vector_load %arg10[%swap3A_407, %swap3A_408] {strides = array<i32>} : memref<128x128xf32, #tpu.memory_space<vmem>>, vector<1x16xf32>,
        %swap3A_410 = vector.shape_cast %swap3A_409 : vector<1x16xf32> to vector<16xf32>
        %swap3A_411 = vector.shape_cast %mul3A_406 : vector<16xf32> to vector<1x16xf32>
        tpu.vector_store %arg10[%swap3A_407, %swap3A_408], %swap3A_411 {strides = array<i32>} : memref<128x128xf32, #tpu.memory_space<vmem>>, vector<1x16xf32>,
        %get3A_412 = arith.index_cast %add3A_345 : i32 to index
        %get3A_413 = arith.constant 96 : index
        %get3A_414 = tpu.vector_load %arg10[%get3A_412, %get3A_413] {strides = array<i32>} : memref<128x128xf32, #tpu.memory_space<vmem>>, vector<1x16xf32>,
        %get3A_415 = vector.shape_cast %get3A_414 : vector<1x16xf32> to vector<16xf32>
        %mul3A_416 = vector.broadcast %squeeze3A_341 : f32 to vector<16xf32>
        %mul3A_417 = arith.mulf %get3A_415, %mul3A_416 : vector<16xf32>
        %swap3A_418 = arith.index_cast %add3A_345 : i32 to index
        %swap3A_419 = arith.constant 96 : index
        %swap3A_420 = tpu.vector_load %arg10[%swap3A_418, %swap3A_419] {strides = array<i32>} : memref<128x128xf32, #tpu.memory_space<vmem>>, vector<1x16xf32>,
        %swap3A_421 = vector.shape_cast %swap3A_420 : vector<1x16xf32> to vector<16xf32>
        %swap3A_422 = vector.shape_cast %mul3A_417 : vector<16xf32> to vector<1x16xf32>
        tpu.vector_store %arg10[%swap3A_418, %swap3A_419], %swap3A_422 {strides = array<i32>} : memref<128x128xf32, #tpu.memory_space<vmem>>, vector<1x16xf32>,
        %get3A_423 = arith.index_cast %add3A_345 : i32 to index
        %get3A_424 = arith.constant 112 : index
        %get3A_425 = tpu.vector_load %arg10[%get3A_423, %get3A_424] {strides = array<i32>} : memref<128x128xf32, #tpu.memory_space<vmem>>, vector<1x16xf32>,
        %get3A_426 = vector.shape_cast %get3A_425 : vector<1x16xf32> to vector<16xf32>
        %mul3A_427 = vector.broadcast %squeeze3A_341 : f32 to vector<16xf32>
        %mul3A_428 = arith.mulf %get3A_426, %mul3A_427 : vector<16xf32>
        %swap3A_429 = arith.index_cast %add3A_345 : i32 to index
        %swap3A_430 = arith.constant 112 : index
        %swap3A_431 = tpu.vector_load %arg10[%swap3A_429, %swap3A_430] {strides = array<i32>} : memref<128x128xf32, #tpu.memory_space<vmem>>, vector<1x16xf32>,
        %swap3A_432 = vector.shape_cast %swap3A_431 : vector<1x16xf32> to vector<16xf32>
        %swap3A_433 = vector.shape_cast %mul3A_428 : vector<16xf32> to vector<1x16xf32>
        tpu.vector_store %arg10[%swap3A_429, %swap3A_430], %swap3A_433 {strides = array<i32>} : memref<128x128xf32, #tpu.memory_space<vmem>>, vector<1x16xf32>,
        %slice3A_434 = vector.extract_strided_slice %get3A_60 {offsets = [4], sizes = [1], strides = [1]} : vector<16xf32> to vector<1xf32>
        %squeeze3A_435 = vector.extract %slice3A_434[0] : f32 from vector<1xf32>
        %mul3A_436 = arith.constant 16 : i32
        %mul3A_437 = arith.muli %scan3A_55, %mul3A_436 : i32
        %add3A_438 = arith.constant 4 : i32
        %add3A_439 = arith.addi %mul3A_437, %add3A_438 : i32
        %get3A_440 = arith.index_cast %add3A_439 : i32 to index
        %get3A_441 = arith.constant 0 : index
        %get3A_442 = tpu.vector_load %arg10[%get3A_440, %get3A_441] {strides = array<i32>} : memref<128x128xf32, #tpu.memory_space<vmem>>, vector<1x16xf32>,
        %get3A_443 = vector.shape_cast %get3A_442 : vector<1x16xf32> to vector<16xf32>
        %mul3A_444 = vector.broadcast %squeeze3A_435 : f32 to vector<16xf32>
        %mul3A_445 = arith.mulf %get3A_443, %mul3A_444 : vector<16xf32>
        %swap3A_446 = arith.index_cast %add3A_439 : i32 to index
        %swap3A_447 = arith.constant 0 : index
        %swap3A_448 = tpu.vector_load %arg10[%swap3A_446, %swap3A_447] {strides = array<i32>} : memref<128x128xf32, #tpu.memory_space<vmem>>, vector<1x16xf32>,
        %swap3A_449 = vector.shape_cast %swap3A_448 : vector<1x16xf32> to vector<16xf32>
        %swap3A_450 = vector.shape_cast %mul3A_445 : vector<16xf32> to vector<1x16xf32>
        tpu.vector_store %arg10[%swap3A_446, %swap3A_447], %swap3A_450 {strides = array<i32>} : memref<128x128xf32, #tpu.memory_space<vmem>>, vector<1x16xf32>,
        %get3A_451 = arith.index_cast %add3A_439 : i32 to index
        %get3A_452 = arith.constant 16 : index
        %get3A_453 = tpu.vector_load %arg10[%get3A_451, %get3A_452] {strides = array<i32>} : memref<128x128xf32, #tpu.memory_space<vmem>>, vector<1x16xf32>,
        %get3A_454 = vector.shape_cast %get3A_453 : vector<1x16xf32> to vector<16xf32>
        %mul3A_455 = vector.broadcast %squeeze3A_435 : f32 to vector<16xf32>
        %mul3A_456 = arith.mulf %get3A_454, %mul3A_455 : vector<16xf32>
        %swap3A_457 = arith.index_cast %add3A_439 : i32 to index
        %swap3A_458 = arith.constant 16 : index
        %swap3A_459 = tpu.vector_load %arg10[%swap3A_457, %swap3A_458] {strides = array<i32>} : memref<128x128xf32, #tpu.memory_space<vmem>>, vector<1x16xf32>,
        %swap3A_460 = vector.shape_cast %swap3A_459 : vector<1x16xf32> to vector<16xf32>
        %swap3A_461 = vector.shape_cast %mul3A_456 : vector<16xf32> to vector<1x16xf32>
        tpu.vector_store %arg10[%swap3A_457, %swap3A_458], %swap3A_461 {strides = array<i32>} : memref<128x128xf32, #tpu.memory_space<vmem>>, vector<1x16xf32>,
        %get3A_462 = arith.index_cast %add3A_439 : i32 to index
        %get3A_463 = arith.constant 32 : index
        %get3A_464 = tpu.vector_load %arg10[%get3A_462, %get3A_463] {strides = array<i32>} : memref<128x128xf32, #tpu.memory_space<vmem>>, vector<1x16xf32>,
        %get3A_465 = vector.shape_cast %get3A_464 : vector<1x16xf32> to vector<16xf32>
        %mul3A_466 = vector.broadcast %squeeze3A_435 : f32 to vector<16xf32>
        %mul3A_467 = arith.mulf %get3A_465, %mul3A_466 : vector<16xf32>
        %swap3A_468 = arith.index_cast %add3A_439 : i32 to index
        %swap3A_469 = arith.constant 32 : index
        %swap3A_470 = tpu.vector_load %arg10[%swap3A_468, %swap3A_469] {strides = array<i32>} : memref<128x128xf32, #tpu.memory_space<vmem>>, vector<1x16xf32>,
        %swap3A_471 = vector.shape_cast %swap3A_470 : vector<1x16xf32> to vector<16xf32>
        %swap3A_472 = vector.shape_cast %mul3A_467 : vector<16xf32> to vector<1x16xf32>
        tpu.vector_store %arg10[%swap3A_468, %swap3A_469], %swap3A_472 {strides = array<i32>} : memref<128x128xf32, #tpu.memory_space<vmem>>, vector<1x16xf32>,
        %get3A_473 = arith.index_cast %add3A_439 : i32 to index
        %get3A_474 = arith.constant 48 : index
        %get3A_475 = tpu.vector_load %arg10[%get3A_473, %get3A_474] {strides = array<i32>} : memref<128x128xf32, #tpu.memory_space<vmem>>, vector<1x16xf32>,
        %get3A_476 = vector.shape_cast %get3A_475 : vector<1x16xf32> to vector<16xf32>
        %mul3A_477 = vector.broadcast %squeeze3A_435 : f32 to vector<16xf32>
        %mul3A_478 = arith.mulf %get3A_476, %mul3A_477 : vector<16xf32>
        %swap3A_479 = arith.index_cast %add3A_439 : i32 to index
        %swap3A_480 = arith.constant 48 : index
        %swap3A_481 = tpu.vector_load %arg10[%swap3A_479, %swap3A_480] {strides = array<i32>} : memref<128x128xf32, #tpu.memory_space<vmem>>, vector<1x16xf32>,
        %swap3A_482 = vector.shape_cast %swap3A_481 : vector<1x16xf32> to vector<16xf32>
        %swap3A_483 = vector.shape_cast %mul3A_478 : vector<16xf32> to vector<1x16xf32>
        tpu.vector_store %arg10[%swap3A_479, %swap3A_480], %swap3A_483 {strides = array<i32>} : memref<128x128xf32, #tpu.memory_space<vmem>>, vector<1x16xf32>,
        %get3A_484 = arith.index_cast %add3A_439 : i32 to index
        %get3A_485 = arith.constant 64 : index
        %get3A_486 = tpu.vector_load %arg10[%get3A_484, %get3A_485] {strides = array<i32>} : memref<128x128xf32, #tpu.memory_space<vmem>>, vector<1x16xf32>,
        %get3A_487 = vector.shape_cast %get3A_486 : vector<1x16xf32> to vector<16xf32>
        %mul3A_488 = vector.broadcast %squeeze3A_435 : f32 to vector<16xf32>
        %mul3A_489 = arith.mulf %get3A_487, %mul3A_488 : vector<16xf32>
        %swap3A_490 = arith.index_cast %add3A_439 : i32 to index
        %swap3A_491 = arith.constant 64 : index
        %swap3A_492 = tpu.vector_load %arg10[%swap3A_490, %swap3A_491] {strides = array<i32>} : memref<128x128xf32, #tpu.memory_space<vmem>>, vector<1x16xf32>,
        %swap3A_493 = vector.shape_cast %swap3A_492 : vector<1x16xf32> to vector<16xf32>
        %swap3A_494 = vector.shape_cast %mul3A_489 : vector<16xf32> to vector<1x16xf32>
        tpu.vector_store %arg10[%swap3A_490, %swap3A_491], %swap3A_494 {strides = array<i32>} : memref<128x128xf32, #tpu.memory_space<vmem>>, vector<1x16xf32>,
        %get3A_495 = arith.index_cast %add3A_439 : i32 to index
        %get3A_496 = arith.constant 80 : index
        %get3A_497 = tpu.vector_load %arg10[%get3A_495, %get3A_496] {strides = array<i32>} : memref<128x128xf32, #tpu.memory_space<vmem>>, vector<1x16xf32>,
        %get3A_498 = vector.shape_cast %get3A_497 : vector<1x16xf32> to vector<16xf32>
        %mul3A_499 = vector.broadcast %squeeze3A_435 : f32 to vector<16xf32>
        %mul3A_500 = arith.mulf %get3A_498, %mul3A_499 : vector<16xf32>
        %swap3A_501 = arith.index_cast %add3A_439 : i32 to index
        %swap3A_502 = arith.constant 80 : index
        %swap3A_503 = tpu.vector_load %arg10[%swap3A_501, %swap3A_502] {strides = array<i32>} : memref<128x128xf32, #tpu.memory_space<vmem>>, vector<1x16xf32>,
        %swap3A_504 = vector.shape_cast %swap3A_503 : vector<1x16xf32> to vector<16xf32>
        %swap3A_505 = vector.shape_cast %mul3A_500 : vector<16xf32> to vector<1x16xf32>
        tpu.vector_store %arg10[%swap3A_501, %swap3A_502], %swap3A_505 {strides = array<i32>} : memref<128x128xf32, #tpu.memory_space<vmem>>, vector<1x16xf32>,
        %get3A_506 = arith.index_cast %add3A_439 : i32 to index
        %get3A_507 = arith.constant 96 : index
        %get3A_508 = tpu.vector_load %arg10[%get3A_506, %get3A_507] {strides = array<i32>} : memref<128x128xf32, #tpu.memory_space<vmem>>, vector<1x16xf32>,
        %get3A_509 = vector.shape_cast %get3A_508 : vector<1x16xf32> to vector<16xf32>
        %mul3A_510 = vector.broadcast %squeeze3A_435 : f32 to vector<16xf32>
        %mul3A_511 = arith.mulf %get3A_509, %mul3A_510 : vector<16xf32>
        %swap3A_512 = arith.index_cast %add3A_439 : i32 to index
        %swap3A_513 = arith.constant 96 : index
        %swap3A_514 = tpu.vector_load %arg10[%swap3A_512, %swap3A_513] {strides = array<i32>} : memref<128x128xf32, #tpu.memory_space<vmem>>, vector<1x16xf32>,
        %swap3A_515 = vector.shape_cast %swap3A_514 : vector<1x16xf32> to vector<16xf32>
        %swap3A_516 = vector.shape_cast %mul3A_511 : vector<16xf32> to vector<1x16xf32>
        tpu.vector_store %arg10[%swap3A_512, %swap3A_513], %swap3A_516 {strides = array<i32>} : memref<128x128xf32, #tpu.memory_space<vmem>>, vector<1x16xf32>,
        %get3A_517 = arith.index_cast %add3A_439 : i32 to index
        %get3A_518 = arith.constant 112 : index
        %get3A_519 = tpu.vector_load %arg10[%get3A_517, %get3A_518] {strides = array<i32>} : memref<128x128xf32, #tpu.memory_space<vmem>>, vector<1x16xf32>,
        %get3A_520 = vector.shape_cast %get3A_519 : vector<1x16xf32> to vector<16xf32>
        %mul3A_521 = vector.broadcast %squeeze3A_435 : f32 to vector<16xf32>
        %mul3A_522 = arith.mulf %get3A_520, %mul3A_521 : vector<16xf32>
        %swap3A_523 = arith.index_cast %add3A_439 : i32 to index
        %swap3A_524 = arith.constant 112 : index
        %swap3A_525 = tpu.vector_load %arg10[%swap3A_523, %swap3A_524] {strides = array<i32>} : memref<128x128xf32, #tpu.memory_space<vmem>>, vector<1x16xf32>,
        %swap3A_526 = vector.shape_cast %swap3A_525 : vector<1x16xf32> to vector<16xf32>
        %swap3A_527 = vector.shape_cast %mul3A_522 : vector<16xf32> to vector<1x16xf32>
        tpu.vector_store %arg10[%swap3A_523, %swap3A_524], %swap3A_527 {strides = array<i32>} : memref<128x128xf32, #tpu.memory_space<vmem>>, vector<1x16xf32>,
        %slice3A_528 = vector.extract_strided_slice %get3A_60 {offsets = [5], sizes = [1], strides = [1]} : vector<16xf32> to vector<1xf32>
        %squeeze3A_529 = vector.extract %slice3A_528[0] : f32 from vector<1xf32>
        %mul3A_530 = arith.constant 16 : i32
        %mul3A_531 = arith.muli %scan3A_55, %mul3A_530 : i32
        %add3A_532 = arith.constant 5 : i32
        %add3A_533 = arith.addi %mul3A_531, %add3A_532 : i32
        %get3A_534 = arith.index_cast %add3A_533 : i32 to index
        %get3A_535 = arith.constant 0 : index
        %get3A_536 = tpu.vector_load %arg10[%get3A_534, %get3A_535] {strides = array<i32>} : memref<128x128xf32, #tpu.memory_space<vmem>>, vector<1x16xf32>,
        %get3A_537 = vector.shape_cast %get3A_536 : vector<1x16xf32> to vector<16xf32>
        %mul3A_538 = vector.broadcast %squeeze3A_529 : f32 to vector<16xf32>
        %mul3A_539 = arith.mulf %get3A_537, %mul3A_538 : vector<16xf32>
        %swap3A_540 = arith.index_cast %add3A_533 : i32 to index
        %swap3A_541 = arith.constant 0 : index
        %swap3A_542 = tpu.vector_load %arg10[%swap3A_540, %swap3A_541] {strides = array<i32>} : memref<128x128xf32, #tpu.memory_space<vmem>>, vector<1x16xf32>,
        %swap3A_543 = vector.shape_cast %swap3A_542 : vector<1x16xf32> to vector<16xf32>
        %swap3A_544 = vector.shape_cast %mul3A_539 : vector<16xf32> to vector<1x16xf32>
        tpu.vector_store %arg10[%swap3A_540, %swap3A_541], %swap3A_544 {strides = array<i32>} : memref<128x128xf32, #tpu.memory_space<vmem>>, vector<1x16xf32>,
        %get3A_545 = arith.index_cast %add3A_533 : i32 to index
        %get3A_546 = arith.constant 16 : index
        %get3A_547 = tpu.vector_load %arg10[%get3A_545, %get3A_546] {strides = array<i32>} : memref<128x128xf32, #tpu.memory_space<vmem>>, vector<1x16xf32>,
        %get3A_548 = vector.shape_cast %get3A_547 : vector<1x16xf32> to vector<16xf32>
        %mul3A_549 = vector.broadcast %squeeze3A_529 : f32 to vector<16xf32>
        %mul3A_550 = arith.mulf %get3A_548, %mul3A_549 : vector<16xf32>
        %swap3A_551 = arith.index_cast %add3A_533 : i32 to index
        %swap3A_552 = arith.constant 16 : index
        %swap3A_553 = tpu.vector_load %arg10[%swap3A_551, %swap3A_552] {strides = array<i32>} : memref<128x128xf32, #tpu.memory_space<vmem>>, vector<1x16xf32>,
        %swap3A_554 = vector.shape_cast %swap3A_553 : vector<1x16xf32> to vector<16xf32>
        %swap3A_555 = vector.shape_cast %mul3A_550 : vector<16xf32> to vector<1x16xf32>
        tpu.vector_store %arg10[%swap3A_551, %swap3A_552], %swap3A_555 {strides = array<i32>} : memref<128x128xf32, #tpu.memory_space<vmem>>, vector<1x16xf32>,
        %get3A_556 = arith.index_cast %add3A_533 : i32 to index
        %get3A_557 = arith.constant 32 : index
        %get3A_558 = tpu.vector_load %arg10[%get3A_556, %get3A_557] {strides = array<i32>} : memref<128x128xf32, #tpu.memory_space<vmem>>, vector<1x16xf32>,
        %get3A_559 = vector.shape_cast %get3A_558 : vector<1x16xf32> to vector<16xf32>
        %mul3A_560 = vector.broadcast %squeeze3A_529 : f32 to vector<16xf32>
        %mul3A_561 = arith.mulf %get3A_559, %mul3A_560 : vector<16xf32>
        %swap3A_562 = arith.index_cast %add3A_533 : i32 to index
        %swap3A_563 = arith.constant 32 : index
        %swap3A_564 = tpu.vector_load %arg10[%swap3A_562, %swap3A_563] {strides = array<i32>} : memref<128x128xf32, #tpu.memory_space<vmem>>, vector<1x16xf32>,
        %swap3A_565 = vector.shape_cast %swap3A_564 : vector<1x16xf32> to vector<16xf32>
        %swap3A_566 = vector.shape_cast %mul3A_561 : vector<16xf32> to vector<1x16xf32>
        tpu.vector_store %arg10[%swap3A_562, %swap3A_563], %swap3A_566 {strides = array<i32>} : memref<128x128xf32, #tpu.memory_space<vmem>>, vector<1x16xf32>,
        %get3A_567 = arith.index_cast %add3A_533 : i32 to index
        %get3A_568 = arith.constant 48 : index
        %get3A_569 = tpu.vector_load %arg10[%get3A_567, %get3A_568] {strides = array<i32>} : memref<128x128xf32, #tpu.memory_space<vmem>>, vector<1x16xf32>,
        %get3A_570 = vector.shape_cast %get3A_569 : vector<1x16xf32> to vector<16xf32>
        %mul3A_571 = vector.broadcast %squeeze3A_529 : f32 to vector<16xf32>
        %mul3A_572 = arith.mulf %get3A_570, %mul3A_571 : vector<16xf32>
        %swap3A_573 = arith.index_cast %add3A_533 : i32 to index
        %swap3A_574 = arith.constant 48 : index
        %swap3A_575 = tpu.vector_load %arg10[%swap3A_573, %swap3A_574] {strides = array<i32>} : memref<128x128xf32, #tpu.memory_space<vmem>>, vector<1x16xf32>,
        %swap3A_576 = vector.shape_cast %swap3A_575 : vector<1x16xf32> to vector<16xf32>
        %swap3A_577 = vector.shape_cast %mul3A_572 : vector<16xf32> to vector<1x16xf32>
        tpu.vector_store %arg10[%swap3A_573, %swap3A_574], %swap3A_577 {strides = array<i32>} : memref<128x128xf32, #tpu.memory_space<vmem>>, vector<1x16xf32>,
        %get3A_578 = arith.index_cast %add3A_533 : i32 to index
        %get3A_579 = arith.constant 64 : index
        %get3A_580 = tpu.vector_load %arg10[%get3A_578, %get3A_579] {strides = array<i32>} : memref<128x128xf32, #tpu.memory_space<vmem>>, vector<1x16xf32>,
        %get3A_581 = vector.shape_cast %get3A_580 : vector<1x16xf32> to vector<16xf32>
        %mul3A_582 = vector.broadcast %squeeze3A_529 : f32 to vector<16xf32>
        %mul3A_583 = arith.mulf %get3A_581, %mul3A_582 : vector<16xf32>
        %swap3A_584 = arith.index_cast %add3A_533 : i32 to index
        %swap3A_585 = arith.constant 64 : index
        %swap3A_586 = tpu.vector_load %arg10[%swap3A_584, %swap3A_585] {strides = array<i32>} : memref<128x128xf32, #tpu.memory_space<vmem>>, vector<1x16xf32>,
        %swap3A_587 = vector.shape_cast %swap3A_586 : vector<1x16xf32> to vector<16xf32>
        %swap3A_588 = vector.shape_cast %mul3A_583 : vector<16xf32> to vector<1x16xf32>
        tpu.vector_store %arg10[%swap3A_584, %swap3A_585], %swap3A_588 {strides = array<i32>} : memref<128x128xf32, #tpu.memory_space<vmem>>, vector<1x16xf32>,
        %get3A_589 = arith.index_cast %add3A_533 : i32 to index
        %get3A_590 = arith.constant 80 : index
        %get3A_591 = tpu.vector_load %arg10[%get3A_589, %get3A_590] {strides = array<i32>} : memref<128x128xf32, #tpu.memory_space<vmem>>, vector<1x16xf32>,
        %get3A_592 = vector.shape_cast %get3A_591 : vector<1x16xf32> to vector<16xf32>
        %mul3A_593 = vector.broadcast %squeeze3A_529 : f32 to vector<16xf32>
        %mul3A_594 = arith.mulf %get3A_592, %mul3A_593 : vector<16xf32>
        %swap3A_595 = arith.index_cast %add3A_533 : i32 to index
        %swap3A_596 = arith.constant 80 : index
        %swap3A_597 = tpu.vector_load %arg10[%swap3A_595, %swap3A_596] {strides = array<i32>} : memref<128x128xf32, #tpu.memory_space<vmem>>, vector<1x16xf32>,
        %swap3A_598 = vector.shape_cast %swap3A_597 : vector<1x16xf32> to vector<16xf32>
        %swap3A_599 = vector.shape_cast %mul3A_594 : vector<16xf32> to vector<1x16xf32>
        tpu.vector_store %arg10[%swap3A_595, %swap3A_596], %swap3A_599 {strides = array<i32>} : memref<128x128xf32, #tpu.memory_space<vmem>>, vector<1x16xf32>,
        %get3A_600 = arith.index_cast %add3A_533 : i32 to index
        %get3A_601 = arith.constant 96 : index
        %get3A_602 = tpu.vector_load %arg10[%get3A_600, %get3A_601] {strides = array<i32>} : memref<128x128xf32, #tpu.memory_space<vmem>>, vector<1x16xf32>,
        %get3A_603 = vector.shape_cast %get3A_602 : vector<1x16xf32> to vector<16xf32>
        %mul3A_604 = vector.broadcast %squeeze3A_529 : f32 to vector<16xf32>
        %mul3A_605 = arith.mulf %get3A_603, %mul3A_604 : vector<16xf32>
        %swap3A_606 = arith.index_cast %add3A_533 : i32 to index
        %swap3A_607 = arith.constant 96 : index
        %swap3A_608 = tpu.vector_load %arg10[%swap3A_606, %swap3A_607] {strides = array<i32>} : memref<128x128xf32, #tpu.memory_space<vmem>>, vector<1x16xf32>,
        %swap3A_609 = vector.shape_cast %swap3A_608 : vector<1x16xf32> to vector<16xf32>
        %swap3A_610 = vector.shape_cast %mul3A_605 : vector<16xf32> to vector<1x16xf32>
        tpu.vector_store %arg10[%swap3A_606, %swap3A_607], %swap3A_610 {strides = array<i32>} : memref<128x128xf32, #tpu.memory_space<vmem>>, vector<1x16xf32>,
        %get3A_611 = arith.index_cast %add3A_533 : i32 to index
        %get3A_612 = arith.constant 112 : index
        %get3A_613 = tpu.vector_load %arg10[%get3A_611, %get3A_612] {strides = array<i32>} : memref<128x128xf32, #tpu.memory_space<vmem>>, vector<1x16xf32>,
        %get3A_614 = vector.shape_cast %get3A_613 : vector<1x16xf32> to vector<16xf32>
        %mul3A_615 = vector.broadcast %squeeze3A_529 : f32 to vector<16xf32>
        %mul3A_616 = arith.mulf %get3A_614, %mul3A_615 : vector<16xf32>
        %swap3A_617 = arith.index_cast %add3A_533 : i32 to index
        %swap3A_618 = arith.constant 112 : index
        %swap3A_619 = tpu.vector_load %arg10[%swap3A_617, %swap3A_618] {strides = array<i32>} : memref<128x128xf32, #tpu.memory_space<vmem>>, vector<1x16xf32>,
        %swap3A_620 = vector.shape_cast %swap3A_619 : vector<1x16xf32> to vector<16xf32>
        %swap3A_621 = vector.shape_cast %mul3A_616 : vector<16xf32> to vector<1x16xf32>
        tpu.vector_store %arg10[%swap3A_617, %swap3A_618], %swap3A_621 {strides = array<i32>} : memref<128x128xf32, #tpu.memory_space<vmem>>, vector<1x16xf32>,
        %slice3A_622 = vector.extract_strided_slice %get3A_60 {offsets = [6], sizes = [1], strides = [1]} : vector<16xf32> to vector<1xf32>
        %squeeze3A_623 = vector.extract %slice3A_622[0] : f32 from vector<1xf32>
        %mul3A_624 = arith.constant 16 : i32
        %mul3A_625 = arith.muli %scan3A_55, %mul3A_624 : i32
        %add3A_626 = arith.constant 6 : i32
        %add3A_627 = arith.addi %mul3A_625, %add3A_626 : i32
        %get3A_628 = arith.index_cast %add3A_627 : i32 to index
        %get3A_629 = arith.constant 0 : index
        %get3A_630 = tpu.vector_load %arg10[%get3A_628, %get3A_629] {strides = array<i32>} : memref<128x128xf32, #tpu.memory_space<vmem>>, vector<1x16xf32>,
        %get3A_631 = vector.shape_cast %get3A_630 : vector<1x16xf32> to vector<16xf32>
        %mul3A_632 = vector.broadcast %squeeze3A_623 : f32 to vector<16xf32>
        %mul3A_633 = arith.mulf %get3A_631, %mul3A_632 : vector<16xf32>
        %swap3A_634 = arith.index_cast %add3A_627 : i32 to index
        %swap3A_635 = arith.constant 0 : index
        %swap3A_636 = tpu.vector_load %arg10[%swap3A_634, %swap3A_635] {strides = array<i32>} : memref<128x128xf32, #tpu.memory_space<vmem>>, vector<1x16xf32>,
        %swap3A_637 = vector.shape_cast %swap3A_636 : vector<1x16xf32> to vector<16xf32>
        %swap3A_638 = vector.shape_cast %mul3A_633 : vector<16xf32> to vector<1x16xf32>
        tpu.vector_store %arg10[%swap3A_634, %swap3A_635], %swap3A_638 {strides = array<i32>} : memref<128x128xf32, #tpu.memory_space<vmem>>, vector<1x16xf32>,
        %get3A_639 = arith.index_cast %add3A_627 : i32 to index
        %get3A_640 = arith.constant 16 : index
        %get3A_641 = tpu.vector_load %arg10[%get3A_639, %get3A_640] {strides = array<i32>} : memref<128x128xf32, #tpu.memory_space<vmem>>, vector<1x16xf32>,
        %get3A_642 = vector.shape_cast %get3A_641 : vector<1x16xf32> to vector<16xf32>
        %mul3A_643 = vector.broadcast %squeeze3A_623 : f32 to vector<16xf32>
        %mul3A_644 = arith.mulf %get3A_642, %mul3A_643 : vector<16xf32>
        %swap3A_645 = arith.index_cast %add3A_627 : i32 to index
        %swap3A_646 = arith.constant 16 : index
        %swap3A_647 = tpu.vector_load %arg10[%swap3A_645, %swap3A_646] {strides = array<i32>} : memref<128x128xf32, #tpu.memory_space<vmem>>, vector<1x16xf32>,
        %swap3A_648 = vector.shape_cast %swap3A_647 : vector<1x16xf32> to vector<16xf32>
        %swap3A_649 = vector.shape_cast %mul3A_644 : vector<16xf32> to vector<1x16xf32>
        tpu.vector_store %arg10[%swap3A_645, %swap3A_646], %swap3A_649 {strides = array<i32>} : memref<128x128xf32, #tpu.memory_space<vmem>>, vector<1x16xf32>,
        %get3A_650 = arith.index_cast %add3A_627 : i32 to index
        %get3A_651 = arith.constant 32 : index
        %get3A_652 = tpu.vector_load %arg10[%get3A_650, %get3A_651] {strides = array<i32>} : memref<128x128xf32, #tpu.memory_space<vmem>>, vector<1x16xf32>,
        %get3A_653 = vector.shape_cast %get3A_652 : vector<1x16xf32> to vector<16xf32>
        %mul3A_654 = vector.broadcast %squeeze3A_623 : f32 to vector<16xf32>
        %mul3A_655 = arith.mulf %get3A_653, %mul3A_654 : vector<16xf32>
        %swap3A_656 = arith.index_cast %add3A_627 : i32 to index
        %swap3A_657 = arith.constant 32 : index
        %swap3A_658 = tpu.vector_load %arg10[%swap3A_656, %swap3A_657] {strides = array<i32>} : memref<128x128xf32, #tpu.memory_space<vmem>>, vector<1x16xf32>,
        %swap3A_659 = vector.shape_cast %swap3A_658 : vector<1x16xf32> to vector<16xf32>
        %swap3A_660 = vector.shape_cast %mul3A_655 : vector<16xf32> to vector<1x16xf32>
        tpu.vector_store %arg10[%swap3A_656, %swap3A_657], %swap3A_660 {strides = array<i32>} : memref<128x128xf32, #tpu.memory_space<vmem>>, vector<1x16xf32>,
        %get3A_661 = arith.index_cast %add3A_627 : i32 to index
        %get3A_662 = arith.constant 48 : index
        %get3A_663 = tpu.vector_load %arg10[%get3A_661, %get3A_662] {strides = array<i32>} : memref<128x128xf32, #tpu.memory_space<vmem>>, vector<1x16xf32>,
        %get3A_664 = vector.shape_cast %get3A_663 : vector<1x16xf32> to vector<16xf32>
        %mul3A_665 = vector.broadcast %squeeze3A_623 : f32 to vector<16xf32>
        %mul3A_666 = arith.mulf %get3A_664, %mul3A_665 : vector<16xf32>
        %swap3A_667 = arith.index_cast %add3A_627 : i32 to index
        %swap3A_668 = arith.constant 48 : index
        %swap3A_669 = tpu.vector_load %arg10[%swap3A_667, %swap3A_668] {strides = array<i32>} : memref<128x128xf32, #tpu.memory_space<vmem>>, vector<1x16xf32>,
        %swap3A_670 = vector.shape_cast %swap3A_669 : vector<1x16xf32> to vector<16xf32>
        %swap3A_671 = vector.shape_cast %mul3A_666 : vector<16xf32> to vector<1x16xf32>
        tpu.vector_store %arg10[%swap3A_667, %swap3A_668], %swap3A_671 {strides = array<i32>} : memref<128x128xf32, #tpu.memory_space<vmem>>, vector<1x16xf32>,
        %get3A_672 = arith.index_cast %add3A_627 : i32 to index
        %get3A_673 = arith.constant 64 : index
        %get3A_674 = tpu.vector_load %arg10[%get3A_672, %get3A_673] {strides = array<i32>} : memref<128x128xf32, #tpu.memory_space<vmem>>, vector<1x16xf32>,
        %get3A_675 = vector.shape_cast %get3A_674 : vector<1x16xf32> to vector<16xf32>
        %mul3A_676 = vector.broadcast %squeeze3A_623 : f32 to vector<16xf32>
        %mul3A_677 = arith.mulf %get3A_675, %mul3A_676 : vector<16xf32>
        %swap3A_678 = arith.index_cast %add3A_627 : i32 to index
        %swap3A_679 = arith.constant 64 : index
        %swap3A_680 = tpu.vector_load %arg10[%swap3A_678, %swap3A_679] {strides = array<i32>} : memref<128x128xf32, #tpu.memory_space<vmem>>, vector<1x16xf32>,
        %swap3A_681 = vector.shape_cast %swap3A_680 : vector<1x16xf32> to vector<16xf32>
        %swap3A_682 = vector.shape_cast %mul3A_677 : vector<16xf32> to vector<1x16xf32>
        tpu.vector_store %arg10[%swap3A_678, %swap3A_679], %swap3A_682 {strides = array<i32>} : memref<128x128xf32, #tpu.memory_space<vmem>>, vector<1x16xf32>,
        %get3A_683 = arith.index_cast %add3A_627 : i32 to index
        %get3A_684 = arith.constant 80 : index
        %get3A_685 = tpu.vector_load %arg10[%get3A_683, %get3A_684] {strides = array<i32>} : memref<128x128xf32, #tpu.memory_space<vmem>>, vector<1x16xf32>,
        %get3A_686 = vector.shape_cast %get3A_685 : vector<1x16xf32> to vector<16xf32>
        %mul3A_687 = vector.broadcast %squeeze3A_623 : f32 to vector<16xf32>
        %mul3A_688 = arith.mulf %get3A_686, %mul3A_687 : vector<16xf32>
        %swap3A_689 = arith.index_cast %add3A_627 : i32 to index
        %swap3A_690 = arith.constant 80 : index
        %swap3A_691 = tpu.vector_load %arg10[%swap3A_689, %swap3A_690] {strides = array<i32>} : memref<128x128xf32, #tpu.memory_space<vmem>>, vector<1x16xf32>,
        %swap3A_692 = vector.shape_cast %swap3A_691 : vector<1x16xf32> to vector<16xf32>
        %swap3A_693 = vector.shape_cast %mul3A_688 : vector<16xf32> to vector<1x16xf32>
        tpu.vector_store %arg10[%swap3A_689, %swap3A_690], %swap3A_693 {strides = array<i32>} : memref<128x128xf32, #tpu.memory_space<vmem>>, vector<1x16xf32>,
        %get3A_694 = arith.index_cast %add3A_627 : i32 to index
        %get3A_695 = arith.constant 96 : index
        %get3A_696 = tpu.vector_load %arg10[%get3A_694, %get3A_695] {strides = array<i32>} : memref<128x128xf32, #tpu.memory_space<vmem>>, vector<1x16xf32>,
        %get3A_697 = vector.shape_cast %get3A_696 : vector<1x16xf32> to vector<16xf32>
        %mul3A_698 = vector.broadcast %squeeze3A_623 : f32 to vector<16xf32>
        %mul3A_699 = arith.mulf %get3A_697, %mul3A_698 : vector<16xf32>
        %swap3A_700 = arith.index_cast %add3A_627 : i32 to index
        %swap3A_701 = arith.constant 96 : index
        %swap3A_702 = tpu.vector_load %arg10[%swap3A_700, %swap3A_701] {strides = array<i32>} : memref<128x128xf32, #tpu.memory_space<vmem>>, vector<1x16xf32>,
        %swap3A_703 = vector.shape_cast %swap3A_702 : vector<1x16xf32> to vector<16xf32>
        %swap3A_704 = vector.shape_cast %mul3A_699 : vector<16xf32> to vector<1x16xf32>
        tpu.vector_store %arg10[%swap3A_700, %swap3A_701], %swap3A_704 {strides = array<i32>} : memref<128x128xf32, #tpu.memory_space<vmem>>, vector<1x16xf32>,
        %get3A_705 = arith.index_cast %add3A_627 : i32 to index
        %get3A_706 = arith.constant 112 : index
        %get3A_707 = tpu.vector_load %arg10[%get3A_705, %get3A_706] {strides = array<i32>} : memref<128x128xf32, #tpu.memory_space<vmem>>, vector<1x16xf32>,
        %get3A_708 = vector.shape_cast %get3A_707 : vector<1x16xf32> to vector<16xf32>
        %mul3A_709 = vector.broadcast %squeeze3A_623 : f32 to vector<16xf32>
        %mul3A_710 = arith.mulf %get3A_708, %mul3A_709 : vector<16xf32>
        %swap3A_711 = arith.index_cast %add3A_627 : i32 to index
        %swap3A_712 = arith.constant 112 : index
        %swap3A_713 = tpu.vector_load %arg10[%swap3A_711, %swap3A_712] {strides = array<i32>} : memref<128x128xf32, #tpu.memory_space<vmem>>, vector<1x16xf32>,
        %swap3A_714 = vector.shape_cast %swap3A_713 : vector<1x16xf32> to vector<16xf32>
        %swap3A_715 = vector.shape_cast %mul3A_710 : vector<16xf32> to vector<1x16xf32>
        tpu.vector_store %arg10[%swap3A_711, %swap3A_712], %swap3A_715 {strides = array<i32>} : memref<128x128xf32, #tpu.memory_space<vmem>>, vector<1x16xf32>,
        %slice3A_716 = vector.extract_strided_slice %get3A_60 {offsets = [7], sizes = [1], strides = [1]} : vector<16xf32> to vector<1xf32>
        %squeeze3A_717 = vector.extract %slice3A_716[0] : f32 from vector<1xf32>
        %mul3A_718 = arith.constant 16 : i32
        %mul3A_719 = arith.muli %scan3A_55, %mul3A_718 : i32
        %add3A_720 = arith.constant 7 : i32
        %add3A_721 = arith.addi %mul3A_719, %add3A_720 : i32
        %get3A_722 = arith.index_cast %add3A_721 : i32 to index
        %get3A_723 = arith.constant 0 : index
        %get3A_724 = tpu.vector_load %arg10[%get3A_722, %get3A_723] {strides = array<i32>} : memref<128x128xf32, #tpu.memory_space<vmem>>, vector<1x16xf32>,
        %get3A_725 = vector.shape_cast %get3A_724 : vector<1x16xf32> to vector<16xf32>
        %mul3A_726 = vector.broadcast %squeeze3A_717 : f32 to vector<16xf32>
        %mul3A_727 = arith.mulf %get3A_725, %mul3A_726 : vector<16xf32>
        %swap3A_728 = arith.index_cast %add3A_721 : i32 to index
        %swap3A_729 = arith.constant 0 : index
        %swap3A_730 = tpu.vector_load %arg10[%swap3A_728, %swap3A_729] {strides = array<i32>} : memref<128x128xf32, #tpu.memory_space<vmem>>, vector<1x16xf32>,
        %swap3A_731 = vector.shape_cast %swap3A_730 : vector<1x16xf32> to vector<16xf32>
        %swap3A_732 = vector.shape_cast %mul3A_727 : vector<16xf32> to vector<1x16xf32>
        tpu.vector_store %arg10[%swap3A_728, %swap3A_729], %swap3A_732 {strides = array<i32>} : memref<128x128xf32, #tpu.memory_space<vmem>>, vector<1x16xf32>,
        %get3A_733 = arith.index_cast %add3A_721 : i32 to index
        %get3A_734 = arith.constant 16 : index
        %get3A_735 = tpu.vector_load %arg10[%get3A_733, %get3A_734] {strides = array<i32>} : memref<128x128xf32, #tpu.memory_space<vmem>>, vector<1x16xf32>,
        %get3A_736 = vector.shape_cast %get3A_735 : vector<1x16xf32> to vector<16xf32>
        %mul3A_737 = vector.broadcast %squeeze3A_717 : f32 to vector<16xf32>
        %mul3A_738 = arith.mulf %get3A_736, %mul3A_737 : vector<16xf32>
        %swap3A_739 = arith.index_cast %add3A_721 : i32 to index
        %swap3A_740 = arith.constant 16 : index
        %swap3A_741 = tpu.vector_load %arg10[%swap3A_739, %swap3A_740] {strides = array<i32>} : memref<128x128xf32, #tpu.memory_space<vmem>>, vector<1x16xf32>,
        %swap3A_742 = vector.shape_cast %swap3A_741 : vector<1x16xf32> to vector<16xf32>
        %swap3A_743 = vector.shape_cast %mul3A_738 : vector<16xf32> to vector<1x16xf32>
        tpu.vector_store %arg10[%swap3A_739, %swap3A_740], %swap3A_743 {strides = array<i32>} : memref<128x128xf32, #tpu.memory_space<vmem>>, vector<1x16xf32>,
        %get3A_744 = arith.index_cast %add3A_721 : i32 to index
        %get3A_745 = arith.constant 32 : index
        %get3A_746 = tpu.vector_load %arg10[%get3A_744, %get3A_745] {strides = array<i32>} : memref<128x128xf32, #tpu.memory_space<vmem>>, vector<1x16xf32>,
        %get3A_747 = vector.shape_cast %get3A_746 : vector<1x16xf32> to vector<16xf32>
        %mul3A_748 = vector.broadcast %squeeze3A_717 : f32 to vector<16xf32>
        %mul3A_749 = arith.mulf %get3A_747, %mul3A_748 : vector<16xf32>
        %swap3A_750 = arith.index_cast %add3A_721 : i32 to index
        %swap3A_751 = arith.constant 32 : index
        %swap3A_752 = tpu.vector_load %arg10[%swap3A_750, %swap3A_751] {strides = array<i32>} : memref<128x128xf32, #tpu.memory_space<vmem>>, vector<1x16xf32>,
        %swap3A_753 = vector.shape_cast %swap3A_752 : vector<1x16xf32> to vector<16xf32>
        %swap3A_754 = vector.shape_cast %mul3A_749 : vector<16xf32> to vector<1x16xf32>
        tpu.vector_store %arg10[%swap3A_750, %swap3A_751], %swap3A_754 {strides = array<i32>} : memref<128x128xf32, #tpu.memory_space<vmem>>, vector<1x16xf32>,
        %get3A_755 = arith.index_cast %add3A_721 : i32 to index
        %get3A_756 = arith.constant 48 : index
        %get3A_757 = tpu.vector_load %arg10[%get3A_755, %get3A_756] {strides = array<i32>} : memref<128x128xf32, #tpu.memory_space<vmem>>, vector<1x16xf32>,
        %get3A_758 = vector.shape_cast %get3A_757 : vector<1x16xf32> to vector<16xf32>
        %mul3A_759 = vector.broadcast %squeeze3A_717 : f32 to vector<16xf32>
        %mul3A_760 = arith.mulf %get3A_758, %mul3A_759 : vector<16xf32>
        %swap3A_761 = arith.index_cast %add3A_721 : i32 to index
        %swap3A_762 = arith.constant 48 : index
        %swap3A_763 = tpu.vector_load %arg10[%swap3A_761, %swap3A_762] {strides = array<i32>} : memref<128x128xf32, #tpu.memory_space<vmem>>, vector<1x16xf32>,
        %swap3A_764 = vector.shape_cast %swap3A_763 : vector<1x16xf32> to vector<16xf32>
        %swap3A_765 = vector.shape_cast %mul3A_760 : vector<16xf32> to vector<1x16xf32>
        tpu.vector_store %arg10[%swap3A_761, %swap3A_762], %swap3A_765 {strides = array<i32>} : memref<128x128xf32, #tpu.memory_space<vmem>>, vector<1x16xf32>,
        %get3A_766 = arith.index_cast %add3A_721 : i32 to index
        %get3A_767 = arith.constant 64 : index
        %get3A_768 = tpu.vector_load %arg10[%get3A_766, %get3A_767] {strides = array<i32>} : memref<128x128xf32, #tpu.memory_space<vmem>>, vector<1x16xf32>,
        %get3A_769 = vector.shape_cast %get3A_768 : vector<1x16xf32> to vector<16xf32>
        %mul3A_770 = vector.broadcast %squeeze3A_717 : f32 to vector<16xf32>
        %mul3A_771 = arith.mulf %get3A_769, %mul3A_770 : vector<16xf32>
        %swap3A_772 = arith.index_cast %add3A_721 : i32 to index
        %swap3A_773 = arith.constant 64 : index
        %swap3A_774 = tpu.vector_load %arg10[%swap3A_772, %swap3A_773] {strides = array<i32>} : memref<128x128xf32, #tpu.memory_space<vmem>>, vector<1x16xf32>,
        %swap3A_775 = vector.shape_cast %swap3A_774 : vector<1x16xf32> to vector<16xf32>
        %swap3A_776 = vector.shape_cast %mul3A_771 : vector<16xf32> to vector<1x16xf32>
        tpu.vector_store %arg10[%swap3A_772, %swap3A_773], %swap3A_776 {strides = array<i32>} : memref<128x128xf32, #tpu.memory_space<vmem>>, vector<1x16xf32>,
        %get3A_777 = arith.index_cast %add3A_721 : i32 to index
        %get3A_778 = arith.constant 80 : index
        %get3A_779 = tpu.vector_load %arg10[%get3A_777, %get3A_778] {strides = array<i32>} : memref<128x128xf32, #tpu.memory_space<vmem>>, vector<1x16xf32>,
        %get3A_780 = vector.shape_cast %get3A_779 : vector<1x16xf32> to vector<16xf32>
        %mul3A_781 = vector.broadcast %squeeze3A_717 : f32 to vector<16xf32>
        %mul3A_782 = arith.mulf %get3A_780, %mul3A_781 : vector<16xf32>
        %swap3A_783 = arith.index_cast %add3A_721 : i32 to index
        %swap3A_784 = arith.constant 80 : index
        %swap3A_785 = tpu.vector_load %arg10[%swap3A_783, %swap3A_784] {strides = array<i32>} : memref<128x128xf32, #tpu.memory_space<vmem>>, vector<1x16xf32>,
        %swap3A_786 = vector.shape_cast %swap3A_785 : vector<1x16xf32> to vector<16xf32>
        %swap3A_787 = vector.shape_cast %mul3A_782 : vector<16xf32> to vector<1x16xf32>
        tpu.vector_store %arg10[%swap3A_783, %swap3A_784], %swap3A_787 {strides = array<i32>} : memref<128x128xf32, #tpu.memory_space<vmem>>, vector<1x16xf32>,
        %get3A_788 = arith.index_cast %add3A_721 : i32 to index
        %get3A_789 = arith.constant 96 : index
        %get3A_790 = tpu.vector_load %arg10[%get3A_788, %get3A_789] {strides = array<i32>} : memref<128x128xf32, #tpu.memory_space<vmem>>, vector<1x16xf32>,
        %get3A_791 = vector.shape_cast %get3A_790 : vector<1x16xf32> to vector<16xf32>
        %mul3A_792 = vector.broadcast %squeeze3A_717 : f32 to vector<16xf32>
        %mul3A_793 = arith.mulf %get3A_791, %mul3A_792 : vector<16xf32>
        %swap3A_794 = arith.index_cast %add3A_721 : i32 to index
        %swap3A_795 = arith.constant 96 : index
        %swap3A_796 = tpu.vector_load %arg10[%swap3A_794, %swap3A_795] {strides = array<i32>} : memref<128x128xf32, #tpu.memory_space<vmem>>, vector<1x16xf32>,
        %swap3A_797 = vector.shape_cast %swap3A_796 : vector<1x16xf32> to vector<16xf32>
        %swap3A_798 = vector.shape_cast %mul3A_793 : vector<16xf32> to vector<1x16xf32>
        tpu.vector_store %arg10[%swap3A_794, %swap3A_795], %swap3A_798 {strides = array<i32>} : memref<128x128xf32, #tpu.memory_space<vmem>>, vector<1x16xf32>,
        %get3A_799 = arith.index_cast %add3A_721 : i32 to index
        %get3A_800 = arith.constant 112 : index
        %get3A_801 = tpu.vector_load %arg10[%get3A_799, %get3A_800] {strides = array<i32>} : memref<128x128xf32, #tpu.memory_space<vmem>>, vector<1x16xf32>,
        %get3A_802 = vector.shape_cast %get3A_801 : vector<1x16xf32> to vector<16xf32>
        %mul3A_803 = vector.broadcast %squeeze3A_717 : f32 to vector<16xf32>
        %mul3A_804 = arith.mulf %get3A_802, %mul3A_803 : vector<16xf32>
        %swap3A_805 = arith.index_cast %add3A_721 : i32 to index
        %swap3A_806 = arith.constant 112 : index
        %swap3A_807 = tpu.vector_load %arg10[%swap3A_805, %swap3A_806] {strides = array<i32>} : memref<128x128xf32, #tpu.memory_space<vmem>>, vector<1x16xf32>,
        %swap3A_808 = vector.shape_cast %swap3A_807 : vector<1x16xf32> to vector<16xf32>
        %swap3A_809 = vector.shape_cast %mul3A_804 : vector<16xf32> to vector<1x16xf32>
        tpu.vector_store %arg10[%swap3A_805, %swap3A_806], %swap3A_809 {strides = array<i32>} : memref<128x128xf32, #tpu.memory_space<vmem>>, vector<1x16xf32>,
        %slice3A_810 = vector.extract_strided_slice %get3A_60 {offsets = [8], sizes = [1], strides = [1]} : vector<16xf32> to vector<1xf32>
        %squeeze3A_811 = vector.extract %slice3A_810[0] : f32 from vector<1xf32>
        %mul3A_812 = arith.constant 16 : i32
        %mul3A_813 = arith.muli %scan3A_55, %mul3A_812 : i32
        %add3A_814 = arith.constant 8 : i32
        %add3A_815 = arith.addi %mul3A_813, %add3A_814 : i32
        %get3A_816 = arith.index_cast %add3A_815 : i32 to index
        %get3A_817 = arith.constant 0 : index
        %get3A_818 = tpu.vector_load %arg10[%get3A_816, %get3A_817] {strides = array<i32>} : memref<128x128xf32, #tpu.memory_space<vmem>>, vector<1x16xf32>,
        %get3A_819 = vector.shape_cast %get3A_818 : vector<1x16xf32> to vector<16xf32>
        %mul3A_820 = vector.broadcast %squeeze3A_811 : f32 to vector<16xf32>
        %mul3A_821 = arith.mulf %get3A_819, %mul3A_820 : vector<16xf32>
        %swap3A_822 = arith.index_cast %add3A_815 : i32 to index
        %swap3A_823 = arith.constant 0 : index
        %swap3A_824 = tpu.vector_load %arg10[%swap3A_822, %swap3A_823] {strides = array<i32>} : memref<128x128xf32, #tpu.memory_space<vmem>>, vector<1x16xf32>,
        %swap3A_825 = vector.shape_cast %swap3A_824 : vector<1x16xf32> to vector<16xf32>
        %swap3A_826 = vector.shape_cast %mul3A_821 : vector<16xf32> to vector<1x16xf32>
        tpu.vector_store %arg10[%swap3A_822, %swap3A_823], %swap3A_826 {strides = array<i32>} : memref<128x128xf32, #tpu.memory_space<vmem>>, vector<1x16xf32>,
        %get3A_827 = arith.index_cast %add3A_815 : i32 to index
        %get3A_828 = arith.constant 16 : index
        %get3A_829 = tpu.vector_load %arg10[%get3A_827, %get3A_828] {strides = array<i32>} : memref<128x128xf32, #tpu.memory_space<vmem>>, vector<1x16xf32>,
        %get3A_830 = vector.shape_cast %get3A_829 : vector<1x16xf32> to vector<16xf32>
        %mul3A_831 = vector.broadcast %squeeze3A_811 : f32 to vector<16xf32>
        %mul3A_832 = arith.mulf %get3A_830, %mul3A_831 : vector<16xf32>
        %swap3A_833 = arith.index_cast %add3A_815 : i32 to index
        %swap3A_834 = arith.constant 16 : index
        %swap3A_835 = tpu.vector_load %arg10[%swap3A_833, %swap3A_834] {strides = array<i32>} : memref<128x128xf32, #tpu.memory_space<vmem>>, vector<1x16xf32>,
        %swap3A_836 = vector.shape_cast %swap3A_835 : vector<1x16xf32> to vector<16xf32>
        %swap3A_837 = vector.shape_cast %mul3A_832 : vector<16xf32> to vector<1x16xf32>
        tpu.vector_store %arg10[%swap3A_833, %swap3A_834], %swap3A_837 {strides = array<i32>} : memref<128x128xf32, #tpu.memory_space<vmem>>, vector<1x16xf32>,
        %get3A_838 = arith.index_cast %add3A_815 : i32 to index
        %get3A_839 = arith.constant 32 : index
        %get3A_840 = tpu.vector_load %arg10[%get3A_838, %get3A_839] {strides = array<i32>} : memref<128x128xf32, #tpu.memory_space<vmem>>, vector<1x16xf32>,
        %get3A_841 = vector.shape_cast %get3A_840 : vector<1x16xf32> to vector<16xf32>
        %mul3A_842 = vector.broadcast %squeeze3A_811 : f32 to vector<16xf32>
        %mul3A_843 = arith.mulf %get3A_841, %mul3A_842 : vector<16xf32>
        %swap3A_844 = arith.index_cast %add3A_815 : i32 to index
        %swap3A_845 = arith.constant 32 : index
        %swap3A_846 = tpu.vector_load %arg10[%swap3A_844, %swap3A_845] {strides = array<i32>} : memref<128x128xf32, #tpu.memory_space<vmem>>, vector<1x16xf32>,
        %swap3A_847 = vector.shape_cast %swap3A_846 : vector<1x16xf32> to vector<16xf32>
        %swap3A_848 = vector.shape_cast %mul3A_843 : vector<16xf32> to vector<1x16xf32>
        tpu.vector_store %arg10[%swap3A_844, %swap3A_845], %swap3A_848 {strides = array<i32>} : memref<128x128xf32, #tpu.memory_space<vmem>>, vector<1x16xf32>,
        %get3A_849 = arith.index_cast %add3A_815 : i32 to index
        %get3A_850 = arith.constant 48 : index
        %get3A_851 = tpu.vector_load %arg10[%get3A_849, %get3A_850] {strides = array<i32>} : memref<128x128xf32, #tpu.memory_space<vmem>>, vector<1x16xf32>,
        %get3A_852 = vector.shape_cast %get3A_851 : vector<1x16xf32> to vector<16xf32>
        %mul3A_853 = vector.broadcast %squeeze3A_811 : f32 to vector<16xf32>
        %mul3A_854 = arith.mulf %get3A_852, %mul3A_853 : vector<16xf32>
        %swap3A_855 = arith.index_cast %add3A_815 : i32 to index
        %swap3A_856 = arith.constant 48 : index
        %swap3A_857 = tpu.vector_load %arg10[%swap3A_855, %swap3A_856] {strides = array<i32>} : memref<128x128xf32, #tpu.memory_space<vmem>>, vector<1x16xf32>,
        %swap3A_858 = vector.shape_cast %swap3A_857 : vector<1x16xf32> to vector<16xf32>
        %swap3A_859 = vector.shape_cast %mul3A_854 : vector<16xf32> to vector<1x16xf32>
        tpu.vector_store %arg10[%swap3A_855, %swap3A_856], %swap3A_859 {strides = array<i32>} : memref<128x128xf32, #tpu.memory_space<vmem>>, vector<1x16xf32>,
        %get3A_860 = arith.index_cast %add3A_815 : i32 to index
        %get3A_861 = arith.constant 64 : index
        %get3A_862 = tpu.vector_load %arg10[%get3A_860, %get3A_861] {strides = array<i32>} : memref<128x128xf32, #tpu.memory_space<vmem>>, vector<1x16xf32>,
        %get3A_863 = vector.shape_cast %get3A_862 : vector<1x16xf32> to vector<16xf32>
        %mul3A_864 = vector.broadcast %squeeze3A_811 : f32 to vector<16xf32>
        %mul3A_865 = arith.mulf %get3A_863, %mul3A_864 : vector<16xf32>
        %swap3A_866 = arith.index_cast %add3A_815 : i32 to index
        %swap3A_867 = arith.constant 64 : index
        %swap3A_868 = tpu.vector_load %arg10[%swap3A_866, %swap3A_867] {strides = array<i32>} : memref<128x128xf32, #tpu.memory_space<vmem>>, vector<1x16xf32>,
        %swap3A_869 = vector.shape_cast %swap3A_868 : vector<1x16xf32> to vector<16xf32>
        %swap3A_870 = vector.shape_cast %mul3A_865 : vector<16xf32> to vector<1x16xf32>
        tpu.vector_store %arg10[%swap3A_866, %swap3A_867], %swap3A_870 {strides = array<i32>} : memref<128x128xf32, #tpu.memory_space<vmem>>, vector<1x16xf32>,
        %get3A_871 = arith.index_cast %add3A_815 : i32 to index
        %get3A_872 = arith.constant 80 : index
        %get3A_873 = tpu.vector_load %arg10[%get3A_871, %get3A_872] {strides = array<i32>} : memref<128x128xf32, #tpu.memory_space<vmem>>, vector<1x16xf32>,
        %get3A_874 = vector.shape_cast %get3A_873 : vector<1x16xf32> to vector<16xf32>
        %mul3A_875 = vector.broadcast %squeeze3A_811 : f32 to vector<16xf32>
        %mul3A_876 = arith.mulf %get3A_874, %mul3A_875 : vector<16xf32>
        %swap3A_877 = arith.index_cast %add3A_815 : i32 to index
        %swap3A_878 = arith.constant 80 : index
        %swap3A_879 = tpu.vector_load %arg10[%swap3A_877, %swap3A_878] {strides = array<i32>} : memref<128x128xf32, #tpu.memory_space<vmem>>, vector<1x16xf32>,
        %swap3A_880 = vector.shape_cast %swap3A_879 : vector<1x16xf32> to vector<16xf32>
        %swap3A_881 = vector.shape_cast %mul3A_876 : vector<16xf32> to vector<1x16xf32>
        tpu.vector_store %arg10[%swap3A_877, %swap3A_878], %swap3A_881 {strides = array<i32>} : memref<128x128xf32, #tpu.memory_space<vmem>>, vector<1x16xf32>,
        %get3A_882 = arith.index_cast %add3A_815 : i32 to index
        %get3A_883 = arith.constant 96 : index
        %get3A_884 = tpu.vector_load %arg10[%get3A_882, %get3A_883] {strides = array<i32>} : memref<128x128xf32, #tpu.memory_space<vmem>>, vector<1x16xf32>,
        %get3A_885 = vector.shape_cast %get3A_884 : vector<1x16xf32> to vector<16xf32>
        %mul3A_886 = vector.broadcast %squeeze3A_811 : f32 to vector<16xf32>
        %mul3A_887 = arith.mulf %get3A_885, %mul3A_886 : vector<16xf32>
        %swap3A_888 = arith.index_cast %add3A_815 : i32 to index
        %swap3A_889 = arith.constant 96 : index
        %swap3A_890 = tpu.vector_load %arg10[%swap3A_888, %swap3A_889] {strides = array<i32>} : memref<128x128xf32, #tpu.memory_space<vmem>>, vector<1x16xf32>,
        %swap3A_891 = vector.shape_cast %swap3A_890 : vector<1x16xf32> to vector<16xf32>
        %swap3A_892 = vector.shape_cast %mul3A_887 : vector<16xf32> to vector<1x16xf32>
        tpu.vector_store %arg10[%swap3A_888, %swap3A_889], %swap3A_892 {strides = array<i32>} : memref<128x128xf32, #tpu.memory_space<vmem>>, vector<1x16xf32>,
        %get3A_893 = arith.index_cast %add3A_815 : i32 to index
        %get3A_894 = arith.constant 112 : index
        %get3A_895 = tpu.vector_load %arg10[%get3A_893, %get3A_894] {strides = array<i32>} : memref<128x128xf32, #tpu.memory_space<vmem>>, vector<1x16xf32>,
        %get3A_896 = vector.shape_cast %get3A_895 : vector<1x16xf32> to vector<16xf32>
        %mul3A_897 = vector.broadcast %squeeze3A_811 : f32 to vector<16xf32>
        %mul3A_898 = arith.mulf %get3A_896, %mul3A_897 : vector<16xf32>
        %swap3A_899 = arith.index_cast %add3A_815 : i32 to index
        %swap3A_900 = arith.constant 112 : index
        %swap3A_901 = tpu.vector_load %arg10[%swap3A_899, %swap3A_900] {strides = array<i32>} : memref<128x128xf32, #tpu.memory_space<vmem>>, vector<1x16xf32>,
        %swap3A_902 = vector.shape_cast %swap3A_901 : vector<1x16xf32> to vector<16xf32>
        %swap3A_903 = vector.shape_cast %mul3A_898 : vector<16xf32> to vector<1x16xf32>
        tpu.vector_store %arg10[%swap3A_899, %swap3A_900], %swap3A_903 {strides = array<i32>} : memref<128x128xf32, #tpu.memory_space<vmem>>, vector<1x16xf32>,
        %slice3A_904 = vector.extract_strided_slice %get3A_60 {offsets = [9], sizes = [1], strides = [1]} : vector<16xf32> to vector<1xf32>
        %squeeze3A_905 = vector.extract %slice3A_904[0] : f32 from vector<1xf32>
        %mul3A_906 = arith.constant 16 : i32
        %mul3A_907 = arith.muli %scan3A_55, %mul3A_906 : i32
        %add3A_908 = arith.constant 9 : i32
        %add3A_909 = arith.addi %mul3A_907, %add3A_908 : i32
        %get3A_910 = arith.index_cast %add3A_909 : i32 to index
        %get3A_911 = arith.constant 0 : index
        %get3A_912 = tpu.vector_load %arg10[%get3A_910, %get3A_911] {strides = array<i32>} : memref<128x128xf32, #tpu.memory_space<vmem>>, vector<1x16xf32>,
        %get3A_913 = vector.shape_cast %get3A_912 : vector<1x16xf32> to vector<16xf32>
        %mul3A_914 = vector.broadcast %squeeze3A_905 : f32 to vector<16xf32>
        %mul3A_915 = arith.mulf %get3A_913, %mul3A_914 : vector<16xf32>
        %swap3A_916 = arith.index_cast %add3A_909 : i32 to index
        %swap3A_917 = arith.constant 0 : index
        %swap3A_918 = tpu.vector_load %arg10[%swap3A_916, %swap3A_917] {strides = array<i32>} : memref<128x128xf32, #tpu.memory_space<vmem>>, vector<1x16xf32>,
        %swap3A_919 = vector.shape_cast %swap3A_918 : vector<1x16xf32> to vector<16xf32>
        %swap3A_920 = vector.shape_cast %mul3A_915 : vector<16xf32> to vector<1x16xf32>
        tpu.vector_store %arg10[%swap3A_916, %swap3A_917], %swap3A_920 {strides = array<i32>} : memref<128x128xf32, #tpu.memory_space<vmem>>, vector<1x16xf32>,
        %get3A_921 = arith.index_cast %add3A_909 : i32 to index
        %get3A_922 = arith.constant 16 : index
        %get3A_923 = tpu.vector_load %arg10[%get3A_921, %get3A_922] {strides = array<i32>} : memref<128x128xf32, #tpu.memory_space<vmem>>, vector<1x16xf32>,
        %get3A_924 = vector.shape_cast %get3A_923 : vector<1x16xf32> to vector<16xf32>
        %mul3A_925 = vector.broadcast %squeeze3A_905 : f32 to vector<16xf32>
        %mul3A_926 = arith.mulf %get3A_924, %mul3A_925 : vector<16xf32>
        %swap3A_927 = arith.index_cast %add3A_909 : i32 to index
        %swap3A_928 = arith.constant 16 : index
        %swap3A_929 = tpu.vector_load %arg10[%swap3A_927, %swap3A_928] {strides = array<i32>} : memref<128x128xf32, #tpu.memory_space<vmem>>, vector<1x16xf32>,
        %swap3A_930 = vector.shape_cast %swap3A_929 : vector<1x16xf32> to vector<16xf32>
        %swap3A_931 = vector.shape_cast %mul3A_926 : vector<16xf32> to vector<1x16xf32>
        tpu.vector_store %arg10[%swap3A_927, %swap3A_928], %swap3A_931 {strides = array<i32>} : memref<128x128xf32, #tpu.memory_space<vmem>>, vector<1x16xf32>,
        %get3A_932 = arith.index_cast %add3A_909 : i32 to index
        %get3A_933 = arith.constant 32 : index
        %get3A_934 = tpu.vector_load %arg10[%get3A_932, %get3A_933] {strides = array<i32>} : memref<128x128xf32, #tpu.memory_space<vmem>>, vector<1x16xf32>,
        %get3A_935 = vector.shape_cast %get3A_934 : vector<1x16xf32> to vector<16xf32>
        %mul3A_936 = vector.broadcast %squeeze3A_905 : f32 to vector<16xf32>
        %mul3A_937 = arith.mulf %get3A_935, %mul3A_936 : vector<16xf32>
        %swap3A_938 = arith.index_cast %add3A_909 : i32 to index
        %swap3A_939 = arith.constant 32 : index
        %swap3A_940 = tpu.vector_load %arg10[%swap3A_938, %swap3A_939] {strides = array<i32>} : memref<128x128xf32, #tpu.memory_space<vmem>>, vector<1x16xf32>,
        %swap3A_941 = vector.shape_cast %swap3A_940 : vector<1x16xf32> to vector<16xf32>
        %swap3A_942 = vector.shape_cast %mul3A_937 : vector<16xf32> to vector<1x16xf32>
        tpu.vector_store %arg10[%swap3A_938, %swap3A_939], %swap3A_942 {strides = array<i32>} : memref<128x128xf32, #tpu.memory_space<vmem>>, vector<1x16xf32>,
        %get3A_943 = arith.index_cast %add3A_909 : i32 to index
        %get3A_944 = arith.constant 48 : index
        %get3A_945 = tpu.vector_load %arg10[%get3A_943, %get3A_944] {strides = array<i32>} : memref<128x128xf32, #tpu.memory_space<vmem>>, vector<1x16xf32>,
        %get3A_946 = vector.shape_cast %get3A_945 : vector<1x16xf32> to vector<16xf32>
        %mul3A_947 = vector.broadcast %squeeze3A_905 : f32 to vector<16xf32>
        %mul3A_948 = arith.mulf %get3A_946, %mul3A_947 : vector<16xf32>
        %swap3A_949 = arith.index_cast %add3A_909 : i32 to index
        %swap3A_950 = arith.constant 48 : index
        %swap3A_951 = tpu.vector_load %arg10[%swap3A_949, %swap3A_950] {strides = array<i32>} : memref<128x128xf32, #tpu.memory_space<vmem>>, vector<1x16xf32>,
        %swap3A_952 = vector.shape_cast %swap3A_951 : vector<1x16xf32> to vector<16xf32>
        %swap3A_953 = vector.shape_cast %mul3A_948 : vector<16xf32> to vector<1x16xf32>
        tpu.vector_store %arg10[%swap3A_949, %swap3A_950], %swap3A_953 {strides = array<i32>} : memref<128x128xf32, #tpu.memory_space<vmem>>, vector<1x16xf32>,
        %get3A_954 = arith.index_cast %add3A_909 : i32 to index
        %get3A_955 = arith.constant 64 : index
        %get3A_956 = tpu.vector_load %arg10[%get3A_954, %get3A_955] {strides = array<i32>} : memref<128x128xf32, #tpu.memory_space<vmem>>, vector<1x16xf32>,
        %get3A_957 = vector.shape_cast %get3A_956 : vector<1x16xf32> to vector<16xf32>
        %mul3A_958 = vector.broadcast %squeeze3A_905 : f32 to vector<16xf32>
        %mul3A_959 = arith.mulf %get3A_957, %mul3A_958 : vector<16xf32>
        %swap3A_960 = arith.index_cast %add3A_909 : i32 to index
        %swap3A_961 = arith.constant 64 : index
        %swap3A_962 = tpu.vector_load %arg10[%swap3A_960, %swap3A_961] {strides = array<i32>} : memref<128x128xf32, #tpu.memory_space<vmem>>, vector<1x16xf32>,
        %swap3A_963 = vector.shape_cast %swap3A_962 : vector<1x16xf32> to vector<16xf32>
        %swap3A_964 = vector.shape_cast %mul3A_959 : vector<16xf32> to vector<1x16xf32>
        tpu.vector_store %arg10[%swap3A_960, %swap3A_961], %swap3A_964 {strides = array<i32>} : memref<128x128xf32, #tpu.memory_space<vmem>>, vector<1x16xf32>,
        %get3A_965 = arith.index_cast %add3A_909 : i32 to index
        %get3A_966 = arith.constant 80 : index
        %get3A_967 = tpu.vector_load %arg10[%get3A_965, %get3A_966] {strides = array<i32>} : memref<128x128xf32, #tpu.memory_space<vmem>>, vector<1x16xf32>,
        %get3A_968 = vector.shape_cast %get3A_967 : vector<1x16xf32> to vector<16xf32>
        %mul3A_969 = vector.broadcast %squeeze3A_905 : f32 to vector<16xf32>
        %mul3A_970 = arith.mulf %get3A_968, %mul3A_969 : vector<16xf32>
        %swap3A_971 = arith.index_cast %add3A_909 : i32 to index
        %swap3A_972 = arith.constant 80 : index
        %swap3A_973 = tpu.vector_load %arg10[%swap3A_971, %swap3A_972] {strides = array<i32>} : memref<128x128xf32, #tpu.memory_space<vmem>>, vector<1x16xf32>,
        %swap3A_974 = vector.shape_cast %swap3A_973 : vector<1x16xf32> to vector<16xf32>
        %swap3A_975 = vector.shape_cast %mul3A_970 : vector<16xf32> to vector<1x16xf32>
        tpu.vector_store %arg10[%swap3A_971, %swap3A_972], %swap3A_975 {strides = array<i32>} : memref<128x128xf32, #tpu.memory_space<vmem>>, vector<1x16xf32>,
        %get3A_976 = arith.index_cast %add3A_909 : i32 to index
        %get3A_977 = arith.constant 96 : index
        %get3A_978 = tpu.vector_load %arg10[%get3A_976, %get3A_977] {strides = array<i32>} : memref<128x128xf32, #tpu.memory_space<vmem>>, vector<1x16xf32>,
        %get3A_979 = vector.shape_cast %get3A_978 : vector<1x16xf32> to vector<16xf32>
        %mul3A_980 = vector.broadcast %squeeze3A_905 : f32 to vector<16xf32>
        %mul3A_981 = arith.mulf %get3A_979, %mul3A_980 : vector<16xf32>
        %swap3A_982 = arith.index_cast %add3A_909 : i32 to index
        %swap3A_983 = arith.constant 96 : index
        %swap3A_984 = tpu.vector_load %arg10[%swap3A_982, %swap3A_983] {strides = array<i32>} : memref<128x128xf32, #tpu.memory_space<vmem>>, vector<1x16xf32>,
        %swap3A_985 = vector.shape_cast %swap3A_984 : vector<1x16xf32> to vector<16xf32>
        %swap3A_986 = vector.shape_cast %mul3A_981 : vector<16xf32> to vector<1x16xf32>
        tpu.vector_store %arg10[%swap3A_982, %swap3A_983], %swap3A_986 {strides = array<i32>} : memref<128x128xf32, #tpu.memory_space<vmem>>, vector<1x16xf32>,
        %get3A_987 = arith.index_cast %add3A_909 : i32 to index
        %get3A_988 = arith.constant 112 : index
        %get3A_989 = tpu.vector_load %arg10[%get3A_987, %get3A_988] {strides = array<i32>} : memref<128x128xf32, #tpu.memory_space<vmem>>, vector<1x16xf32>,
        %get3A_990 = vector.shape_cast %get3A_989 : vector<1x16xf32> to vector<16xf32>
        %mul3A_991 = vector.broadcast %squeeze3A_905 : f32 to vector<16xf32>
        %mul3A_992 = arith.mulf %get3A_990, %mul3A_991 : vector<16xf32>
        %swap3A_993 = arith.index_cast %add3A_909 : i32 to index
        %swap3A_994 = arith.constant 112 : index
        %swap3A_995 = tpu.vector_load %arg10[%swap3A_993, %swap3A_994] {strides = array<i32>} : memref<128x128xf32, #tpu.memory_space<vmem>>, vector<1x16xf32>,
        %swap3A_996 = vector.shape_cast %swap3A_995 : vector<1x16xf32> to vector<16xf32>
        %swap3A_997 = vector.shape_cast %mul3A_992 : vector<16xf32> to vector<1x16xf32>
        tpu.vector_store %arg10[%swap3A_993, %swap3A_994], %swap3A_997 {strides = array<i32>} : memref<128x128xf32, #tpu.memory_space<vmem>>, vector<1x16xf32>,
        %slice3A_998 = vector.extract_strided_slice %get3A_60 {offsets = [10], sizes = [1], strides = [1]} : vector<16xf32> to vector<1xf32>
        %squeeze3A_999 = vector.extract %slice3A_998[0] : f32 from vector<1xf32>
        %mul3A_1000 = arith.constant 16 : i32
        %mul3A_1001 = arith.muli %scan3A_55, %mul3A_1000 : i32
        %add3A_1002 = arith.constant 10 : i32
        %add3A_1003 = arith.addi %mul3A_1001, %add3A_1002 : i32
        %get3A_1004 = arith.index_cast %add3A_1003 : i32 to index
        %get3A_1005 = arith.constant 0 : index
        %get3A_1006 = tpu.vector_load %arg10[%get3A_1004, %get3A_1005] {strides = array<i32>} : memref<128x128xf32, #tpu.memory_space<vmem>>, vector<1x16xf32>,
        %get3A_1007 = vector.shape_cast %get3A_1006 : vector<1x16xf32> to vector<16xf32>
        %mul3A_1008 = vector.broadcast %squeeze3A_999 : f32 to vector<16xf32>
        %mul3A_1009 = arith.mulf %get3A_1007, %mul3A_1008 : vector<16xf32>
        %swap3A_1010 = arith.index_cast %add3A_1003 : i32 to index
        %swap3A_1011 = arith.constant 0 : index
        %swap3A_1012 = tpu.vector_load %arg10[%swap3A_1010, %swap3A_1011] {strides = array<i32>} : memref<128x128xf32, #tpu.memory_space<vmem>>, vector<1x16xf32>,
        %swap3A_1013 = vector.shape_cast %swap3A_1012 : vector<1x16xf32> to vector<16xf32>
        %swap3A_1014 = vector.shape_cast %mul3A_1009 : vector<16xf32> to vector<1x16xf32>
        tpu.vector_store %arg10[%swap3A_1010, %swap3A_1011], %swap3A_1014 {strides = array<i32>} : memref<128x128xf32, #tpu.memory_space<vmem>>, vector<1x16xf32>,
        %get3A_1015 = arith.index_cast %add3A_1003 : i32 to index
        %get3A_1016 = arith.constant 16 : index
        %get3A_1017 = tpu.vector_load %arg10[%get3A_1015, %get3A_1016] {strides = array<i32>} : memref<128x128xf32, #tpu.memory_space<vmem>>, vector<1x16xf32>,
        %get3A_1018 = vector.shape_cast %get3A_1017 : vector<1x16xf32> to vector<16xf32>
        %mul3A_1019 = vector.broadcast %squeeze3A_999 : f32 to vector<16xf32>
        %mul3A_1020 = arith.mulf %get3A_1018, %mul3A_1019 : vector<16xf32>
        %swap3A_1021 = arith.index_cast %add3A_1003 : i32 to index
        %swap3A_1022 = arith.constant 16 : index
        %swap3A_1023 = tpu.vector_load %arg10[%swap3A_1021, %swap3A_1022] {strides = array<i32>} : memref<128x128xf32, #tpu.memory_space<vmem>>, vector<1x16xf32>,
        %swap3A_1024 = vector.shape_cast %swap3A_1023 : vector<1x16xf32> to vector<16xf32>
        %swap3A_1025 = vector.shape_cast %mul3A_1020 : vector<16xf32> to vector<1x16xf32>
        tpu.vector_store %arg10[%swap3A_1021, %swap3A_1022], %swap3A_1025 {strides = array<i32>} : memref<128x128xf32, #tpu.memory_space<vmem>>, vector<1x16xf32>,
        %get3A_1026 = arith.index_cast %add3A_1003 : i32 to index
        %get3A_1027 = arith.constant 32 : index
        %get3A_1028 = tpu.vector_load %arg10[%get3A_1026, %get3A_1027] {strides = array<i32>} : memref<128x128xf32, #tpu.memory_space<vmem>>, vector<1x16xf32>,
        %get3A_1029 = vector.shape_cast %get3A_1028 : vector<1x16xf32> to vector<16xf32>
        %mul3A_1030 = vector.broadcast %squeeze3A_999 : f32 to vector<16xf32>
        %mul3A_1031 = arith.mulf %get3A_1029, %mul3A_1030 : vector<16xf32>
        %swap3A_1032 = arith.index_cast %add3A_1003 : i32 to index
        %swap3A_1033 = arith.constant 32 : index
        %swap3A_1034 = tpu.vector_load %arg10[%swap3A_1032, %swap3A_1033] {strides = array<i32>} : memref<128x128xf32, #tpu.memory_space<vmem>>, vector<1x16xf32>,
        %swap3A_1035 = vector.shape_cast %swap3A_1034 : vector<1x16xf32> to vector<16xf32>
        %swap3A_1036 = vector.shape_cast %mul3A_1031 : vector<16xf32> to vector<1x16xf32>
        tpu.vector_store %arg10[%swap3A_1032, %swap3A_1033], %swap3A_1036 {strides = array<i32>} : memref<128x128xf32, #tpu.memory_space<vmem>>, vector<1x16xf32>,
        %get3A_1037 = arith.index_cast %add3A_1003 : i32 to index
        %get3A_1038 = arith.constant 48 : index
        %get3A_1039 = tpu.vector_load %arg10[%get3A_1037, %get3A_1038] {strides = array<i32>} : memref<128x128xf32, #tpu.memory_space<vmem>>, vector<1x16xf32>,
        %get3A_1040 = vector.shape_cast %get3A_1039 : vector<1x16xf32> to vector<16xf32>
        %mul3A_1041 = vector.broadcast %squeeze3A_999 : f32 to vector<16xf32>
        %mul3A_1042 = arith.mulf %get3A_1040, %mul3A_1041 : vector<16xf32>
        %swap3A_1043 = arith.index_cast %add3A_1003 : i32 to index
        %swap3A_1044 = arith.constant 48 : index
        %swap3A_1045 = tpu.vector_load %arg10[%swap3A_1043, %swap3A_1044] {strides = array<i32>} : memref<128x128xf32, #tpu.memory_space<vmem>>, vector<1x16xf32>,
        %swap3A_1046 = vector.shape_cast %swap3A_1045 : vector<1x16xf32> to vector<16xf32>
        %swap3A_1047 = vector.shape_cast %mul3A_1042 : vector<16xf32> to vector<1x16xf32>
        tpu.vector_store %arg10[%swap3A_1043, %swap3A_1044], %swap3A_1047 {strides = array<i32>} : memref<128x128xf32, #tpu.memory_space<vmem>>, vector<1x16xf32>,
        %get3A_1048 = arith.index_cast %add3A_1003 : i32 to index
        %get3A_1049 = arith.constant 64 : index
        %get3A_1050 = tpu.vector_load %arg10[%get3A_1048, %get3A_1049] {strides = array<i32>} : memref<128x128xf32, #tpu.memory_space<vmem>>, vector<1x16xf32>,
        %get3A_1051 = vector.shape_cast %get3A_1050 : vector<1x16xf32> to vector<16xf32>
        %mul3A_1052 = vector.broadcast %squeeze3A_999 : f32 to vector<16xf32>
        %mul3A_1053 = arith.mulf %get3A_1051, %mul3A_1052 : vector<16xf32>
        %swap3A_1054 = arith.index_cast %add3A_1003 : i32 to index
        %swap3A_1055 = arith.constant 64 : index
        %swap3A_1056 = tpu.vector_load %arg10[%swap3A_1054, %swap3A_1055] {strides = array<i32>} : memref<128x128xf32, #tpu.memory_space<vmem>>, vector<1x16xf32>,
        %swap3A_1057 = vector.shape_cast %swap3A_1056 : vector<1x16xf32> to vector<16xf32>
        %swap3A_1058 = vector.shape_cast %mul3A_1053 : vector<16xf32> to vector<1x16xf32>
        tpu.vector_store %arg10[%swap3A_1054, %swap3A_1055], %swap3A_1058 {strides = array<i32>} : memref<128x128xf32, #tpu.memory_space<vmem>>, vector<1x16xf32>,
        %get3A_1059 = arith.index_cast %add3A_1003 : i32 to index
        %get3A_1060 = arith.constant 80 : index
        %get3A_1061 = tpu.vector_load %arg10[%get3A_1059, %get3A_1060] {strides = array<i32>} : memref<128x128xf32, #tpu.memory_space<vmem>>, vector<1x16xf32>,
        %get3A_1062 = vector.shape_cast %get3A_1061 : vector<1x16xf32> to vector<16xf32>
        %mul3A_1063 = vector.broadcast %squeeze3A_999 : f32 to vector<16xf32>
        %mul3A_1064 = arith.mulf %get3A_1062, %mul3A_1063 : vector<16xf32>
        %swap3A_1065 = arith.index_cast %add3A_1003 : i32 to index
        %swap3A_1066 = arith.constant 80 : index
        %swap3A_1067 = tpu.vector_load %arg10[%swap3A_1065, %swap3A_1066] {strides = array<i32>} : memref<128x128xf32, #tpu.memory_space<vmem>>, vector<1x16xf32>,
        %swap3A_1068 = vector.shape_cast %swap3A_1067 : vector<1x16xf32> to vector<16xf32>
        %swap3A_1069 = vector.shape_cast %mul3A_1064 : vector<16xf32> to vector<1x16xf32>
        tpu.vector_store %arg10[%swap3A_1065, %swap3A_1066], %swap3A_1069 {strides = array<i32>} : memref<128x128xf32, #tpu.memory_space<vmem>>, vector<1x16xf32>,
        %get3A_1070 = arith.index_cast %add3A_1003 : i32 to index
        %get3A_1071 = arith.constant 96 : index
        %get3A_1072 = tpu.vector_load %arg10[%get3A_1070, %get3A_1071] {strides = array<i32>} : memref<128x128xf32, #tpu.memory_space<vmem>>, vector<1x16xf32>,
        %get3A_1073 = vector.shape_cast %get3A_1072 : vector<1x16xf32> to vector<16xf32>
        %mul3A_1074 = vector.broadcast %squeeze3A_999 : f32 to vector<16xf32>
        %mul3A_1075 = arith.mulf %get3A_1073, %mul3A_1074 : vector<16xf32>
        %swap3A_1076 = arith.index_cast %add3A_1003 : i32 to index
        %swap3A_1077 = arith.constant 96 : index
        %swap3A_1078 = tpu.vector_load %arg10[%swap3A_1076, %swap3A_1077] {strides = array<i32>} : memref<128x128xf32, #tpu.memory_space<vmem>>, vector<1x16xf32>,
        %swap3A_1079 = vector.shape_cast %swap3A_1078 : vector<1x16xf32> to vector<16xf32>
        %swap3A_1080 = vector.shape_cast %mul3A_1075 : vector<16xf32> to vector<1x16xf32>
        tpu.vector_store %arg10[%swap3A_1076, %swap3A_1077], %swap3A_1080 {strides = array<i32>} : memref<128x128xf32, #tpu.memory_space<vmem>>, vector<1x16xf32>,
        %get3A_1081 = arith.index_cast %add3A_1003 : i32 to index
        %get3A_1082 = arith.constant 112 : index
        %get3A_1083 = tpu.vector_load %arg10[%get3A_1081, %get3A_1082] {strides = array<i32>} : memref<128x128xf32, #tpu.memory_space<vmem>>, vector<1x16xf32>,
        %get3A_1084 = vector.shape_cast %get3A_1083 : vector<1x16xf32> to vector<16xf32>
        %mul3A_1085 = vector.broadcast %squeeze3A_999 : f32 to vector<16xf32>
        %mul3A_1086 = arith.mulf %get3A_1084, %mul3A_1085 : vector<16xf32>
        %swap3A_1087 = arith.index_cast %add3A_1003 : i32 to index
        %swap3A_1088 = arith.constant 112 : index
        %swap3A_1089 = tpu.vector_load %arg10[%swap3A_1087, %swap3A_1088] {strides = array<i32>} : memref<128x128xf32, #tpu.memory_space<vmem>>, vector<1x16xf32>,
        %swap3A_1090 = vector.shape_cast %swap3A_1089 : vector<1x16xf32> to vector<16xf32>
        %swap3A_1091 = vector.shape_cast %mul3A_1086 : vector<16xf32> to vector<1x16xf32>
        tpu.vector_store %arg10[%swap3A_1087, %swap3A_1088], %swap3A_1091 {strides = array<i32>} : memref<128x128xf32, #tpu.memory_space<vmem>>, vector<1x16xf32>,
        %slice3A_1092 = vector.extract_strided_slice %get3A_60 {offsets = [11], sizes = [1], strides = [1]} : vector<16xf32> to vector<1xf32>
        %squeeze3A_1093 = vector.extract %slice3A_1092[0] : f32 from vector<1xf32>
        %mul3A_1094 = arith.constant 16 : i32
        %mul3A_1095 = arith.muli %scan3A_55, %mul3A_1094 : i32
        %add3A_1096 = arith.constant 11 : i32
        %add3A_1097 = arith.addi %mul3A_1095, %add3A_1096 : i32
        %get3A_1098 = arith.index_cast %add3A_1097 : i32 to index
        %get3A_1099 = arith.constant 0 : index
        %get3A_1100 = tpu.vector_load %arg10[%get3A_1098, %get3A_1099] {strides = array<i32>} : memref<128x128xf32, #tpu.memory_space<vmem>>, vector<1x16xf32>,
        %get3A_1101 = vector.shape_cast %get3A_1100 : vector<1x16xf32> to vector<16xf32>
        %mul3A_1102 = vector.broadcast %squeeze3A_1093 : f32 to vector<16xf32>
        %mul3A_1103 = arith.mulf %get3A_1101, %mul3A_1102 : vector<16xf32>
        %swap3A_1104 = arith.index_cast %add3A_1097 : i32 to index
        %swap3A_1105 = arith.constant 0 : index
        %swap3A_1106 = tpu.vector_load %arg10[%swap3A_1104, %swap3A_1105] {strides = array<i32>} : memref<128x128xf32, #tpu.memory_space<vmem>>, vector<1x16xf32>,
        %swap3A_1107 = vector.shape_cast %swap3A_1106 : vector<1x16xf32> to vector<16xf32>
        %swap3A_1108 = vector.shape_cast %mul3A_1103 : vector<16xf32> to vector<1x16xf32>
        tpu.vector_store %arg10[%swap3A_1104, %swap3A_1105], %swap3A_1108 {strides = array<i32>} : memref<128x128xf32, #tpu.memory_space<vmem>>, vector<1x16xf32>,
        %get3A_1109 = arith.index_cast %add3A_1097 : i32 to index
        %get3A_1110 = arith.constant 16 : index
        %get3A_1111 = tpu.vector_load %arg10[%get3A_1109, %get3A_1110] {strides = array<i32>} : memref<128x128xf32, #tpu.memory_space<vmem>>, vector<1x16xf32>,
        %get3A_1112 = vector.shape_cast %get3A_1111 : vector<1x16xf32> to vector<16xf32>
        %mul3A_1113 = vector.broadcast %squeeze3A_1093 : f32 to vector<16xf32>
        %mul3A_1114 = arith.mulf %get3A_1112, %mul3A_1113 : vector<16xf32>
        %swap3A_1115 = arith.index_cast %add3A_1097 : i32 to index
        %swap3A_1116 = arith.constant 16 : index
        %swap3A_1117 = tpu.vector_load %arg10[%swap3A_1115, %swap3A_1116] {strides = array<i32>} : memref<128x128xf32, #tpu.memory_space<vmem>>, vector<1x16xf32>,
        %swap3A_1118 = vector.shape_cast %swap3A_1117 : vector<1x16xf32> to vector<16xf32>
        %swap3A_1119 = vector.shape_cast %mul3A_1114 : vector<16xf32> to vector<1x16xf32>
        tpu.vector_store %arg10[%swap3A_1115, %swap3A_1116], %swap3A_1119 {strides = array<i32>} : memref<128x128xf32, #tpu.memory_space<vmem>>, vector<1x16xf32>,
        %get3A_1120 = arith.index_cast %add3A_1097 : i32 to index
        %get3A_1121 = arith.constant 32 : index
        %get3A_1122 = tpu.vector_load %arg10[%get3A_1120, %get3A_1121] {strides = array<i32>} : memref<128x128xf32, #tpu.memory_space<vmem>>, vector<1x16xf32>,
        %get3A_1123 = vector.shape_cast %get3A_1122 : vector<1x16xf32> to vector<16xf32>
        %mul3A_1124 = vector.broadcast %squeeze3A_1093 : f32 to vector<16xf32>
        %mul3A_1125 = arith.mulf %get3A_1123, %mul3A_1124 : vector<16xf32>
        %swap3A_1126 = arith.index_cast %add3A_1097 : i32 to index
        %swap3A_1127 = arith.constant 32 : index
        %swap3A_1128 = tpu.vector_load %arg10[%swap3A_1126, %swap3A_1127] {strides = array<i32>} : memref<128x128xf32, #tpu.memory_space<vmem>>, vector<1x16xf32>,
        %swap3A_1129 = vector.shape_cast %swap3A_1128 : vector<1x16xf32> to vector<16xf32>
        %swap3A_1130 = vector.shape_cast %mul3A_1125 : vector<16xf32> to vector<1x16xf32>
        tpu.vector_store %arg10[%swap3A_1126, %swap3A_1127], %swap3A_1130 {strides = array<i32>} : memref<128x128xf32, #tpu.memory_space<vmem>>, vector<1x16xf32>,
        %get3A_1131 = arith.index_cast %add3A_1097 : i32 to index
        %get3A_1132 = arith.constant 48 : index
        %get3A_1133 = tpu.vector_load %arg10[%get3A_1131, %get3A_1132] {strides = array<i32>} : memref<128x128xf32, #tpu.memory_space<vmem>>, vector<1x16xf32>,
        %get3A_1134 = vector.shape_cast %get3A_1133 : vector<1x16xf32> to vector<16xf32>
        %mul3A_1135 = vector.broadcast %squeeze3A_1093 : f32 to vector<16xf32>
        %mul3A_1136 = arith.mulf %get3A_1134, %mul3A_1135 : vector<16xf32>
        %swap3A_1137 = arith.index_cast %add3A_1097 : i32 to index
        %swap3A_1138 = arith.constant 48 : index
        %swap3A_1139 = tpu.vector_load %arg10[%swap3A_1137, %swap3A_1138] {strides = array<i32>} : memref<128x128xf32, #tpu.memory_space<vmem>>, vector<1x16xf32>,
        %swap3A_1140 = vector.shape_cast %swap3A_1139 : vector<1x16xf32> to vector<16xf32>
        %swap3A_1141 = vector.shape_cast %mul3A_1136 : vector<16xf32> to vector<1x16xf32>
        tpu.vector_store %arg10[%swap3A_1137, %swap3A_1138], %swap3A_1141 {strides = array<i32>} : memref<128x128xf32, #tpu.memory_space<vmem>>, vector<1x16xf32>,
        %get3A_1142 = arith.index_cast %add3A_1097 : i32 to index
        %get3A_1143 = arith.constant 64 : index
        %get3A_1144 = tpu.vector_load %arg10[%get3A_1142, %get3A_1143] {strides = array<i32>} : memref<128x128xf32, #tpu.memory_space<vmem>>, vector<1x16xf32>,
        %get3A_1145 = vector.shape_cast %get3A_1144 : vector<1x16xf32> to vector<16xf32>
        %mul3A_1146 = vector.broadcast %squeeze3A_1093 : f32 to vector<16xf32>
        %mul3A_1147 = arith.mulf %get3A_1145, %mul3A_1146 : vector<16xf32>
        %swap3A_1148 = arith.index_cast %add3A_1097 : i32 to index
        %swap3A_1149 = arith.constant 64 : index
        %swap3A_1150 = tpu.vector_load %arg10[%swap3A_1148, %swap3A_1149] {strides = array<i32>} : memref<128x128xf32, #tpu.memory_space<vmem>>, vector<1x16xf32>,
        %swap3A_1151 = vector.shape_cast %swap3A_1150 : vector<1x16xf32> to vector<16xf32>
        %swap3A_1152 = vector.shape_cast %mul3A_1147 : vector<16xf32> to vector<1x16xf32>
        tpu.vector_store %arg10[%swap3A_1148, %swap3A_1149], %swap3A_1152 {strides = array<i32>} : memref<128x128xf32, #tpu.memory_space<vmem>>, vector<1x16xf32>,
        %get3A_1153 = arith.index_cast %add3A_1097 : i32 to index
        %get3A_1154 = arith.constant 80 : index
        %get3A_1155 = tpu.vector_load %arg10[%get3A_1153, %get3A_1154] {strides = array<i32>} : memref<128x128xf32, #tpu.memory_space<vmem>>, vector<1x16xf32>,
        %get3A_1156 = vector.shape_cast %get3A_1155 : vector<1x16xf32> to vector<16xf32>
        %mul3A_1157 = vector.broadcast %squeeze3A_1093 : f32 to vector<16xf32>
        %mul3A_1158 = arith.mulf %get3A_1156, %mul3A_1157 : vector<16xf32>
        %swap3A_1159 = arith.index_cast %add3A_1097 : i32 to index
        %swap3A_1160 = arith.constant 80 : index
        %swap3A_1161 = tpu.vector_load %arg10[%swap3A_1159, %swap3A_1160] {strides = array<i32>} : memref<128x128xf32, #tpu.memory_space<vmem>>, vector<1x16xf32>,
        %swap3A_1162 = vector.shape_cast %swap3A_1161 : vector<1x16xf32> to vector<16xf32>
        %swap3A_1163 = vector.shape_cast %mul3A_1158 : vector<16xf32> to vector<1x16xf32>
        tpu.vector_store %arg10[%swap3A_1159, %swap3A_1160], %swap3A_1163 {strides = array<i32>} : memref<128x128xf32, #tpu.memory_space<vmem>>, vector<1x16xf32>,
        %get3A_1164 = arith.index_cast %add3A_1097 : i32 to index
        %get3A_1165 = arith.constant 96 : index
        %get3A_1166 = tpu.vector_load %arg10[%get3A_1164, %get3A_1165] {strides = array<i32>} : memref<128x128xf32, #tpu.memory_space<vmem>>, vector<1x16xf32>,
        %get3A_1167 = vector.shape_cast %get3A_1166 : vector<1x16xf32> to vector<16xf32>
        %mul3A_1168 = vector.broadcast %squeeze3A_1093 : f32 to vector<16xf32>
        %mul3A_1169 = arith.mulf %get3A_1167, %mul3A_1168 : vector<16xf32>
        %swap3A_1170 = arith.index_cast %add3A_1097 : i32 to index
        %swap3A_1171 = arith.constant 96 : index
        %swap3A_1172 = tpu.vector_load %arg10[%swap3A_1170, %swap3A_1171] {strides = array<i32>} : memref<128x128xf32, #tpu.memory_space<vmem>>, vector<1x16xf32>,
        %swap3A_1173 = vector.shape_cast %swap3A_1172 : vector<1x16xf32> to vector<16xf32>
        %swap3A_1174 = vector.shape_cast %mul3A_1169 : vector<16xf32> to vector<1x16xf32>
        tpu.vector_store %arg10[%swap3A_1170, %swap3A_1171], %swap3A_1174 {strides = array<i32>} : memref<128x128xf32, #tpu.memory_space<vmem>>, vector<1x16xf32>,
        %get3A_1175 = arith.index_cast %add3A_1097 : i32 to index
        %get3A_1176 = arith.constant 112 : index
        %get3A_1177 = tpu.vector_load %arg10[%get3A_1175, %get3A_1176] {strides = array<i32>} : memref<128x128xf32, #tpu.memory_space<vmem>>, vector<1x16xf32>,
        %get3A_1178 = vector.shape_cast %get3A_1177 : vector<1x16xf32> to vector<16xf32>
        %mul3A_1179 = vector.broadcast %squeeze3A_1093 : f32 to vector<16xf32>
        %mul3A_1180 = arith.mulf %get3A_1178, %mul3A_1179 : vector<16xf32>
        %swap3A_1181 = arith.index_cast %add3A_1097 : i32 to index
        %swap3A_1182 = arith.constant 112 : index
        %swap3A_1183 = tpu.vector_load %arg10[%swap3A_1181, %swap3A_1182] {strides = array<i32>} : memref<128x128xf32, #tpu.memory_space<vmem>>, vector<1x16xf32>,
        %swap3A_1184 = vector.shape_cast %swap3A_1183 : vector<1x16xf32> to vector<16xf32>
        %swap3A_1185 = vector.shape_cast %mul3A_1180 : vector<16xf32> to vector<1x16xf32>
        tpu.vector_store %arg10[%swap3A_1181, %swap3A_1182], %swap3A_1185 {strides = array<i32>} : memref<128x128xf32, #tpu.memory_space<vmem>>, vector<1x16xf32>,
        %slice3A_1186 = vector.extract_strided_slice %get3A_60 {offsets = [12], sizes = [1], strides = [1]} : vector<16xf32> to vector<1xf32>
        %squeeze3A_1187 = vector.extract %slice3A_1186[0] : f32 from vector<1xf32>
        %mul3A_1188 = arith.constant 16 : i32
        %mul3A_1189 = arith.muli %scan3A_55, %mul3A_1188 : i32
        %add3A_1190 = arith.constant 12 : i32
        %add3A_1191 = arith.addi %mul3A_1189, %add3A_1190 : i32
        %get3A_1192 = arith.index_cast %add3A_1191 : i32 to index
        %get3A_1193 = arith.constant 0 : index
        %get3A_1194 = tpu.vector_load %arg10[%get3A_1192, %get3A_1193] {strides = array<i32>} : memref<128x128xf32, #tpu.memory_space<vmem>>, vector<1x16xf32>,
        %get3A_1195 = vector.shape_cast %get3A_1194 : vector<1x16xf32> to vector<16xf32>
        %mul3A_1196 = vector.broadcast %squeeze3A_1187 : f32 to vector<16xf32>
        %mul3A_1197 = arith.mulf %get3A_1195, %mul3A_1196 : vector<16xf32>
        %swap3A_1198 = arith.index_cast %add3A_1191 : i32 to index
        %swap3A_1199 = arith.constant 0 : index
        %swap3A_1200 = tpu.vector_load %arg10[%swap3A_1198, %swap3A_1199] {strides = array<i32>} : memref<128x128xf32, #tpu.memory_space<vmem>>, vector<1x16xf32>,
        %swap3A_1201 = vector.shape_cast %swap3A_1200 : vector<1x16xf32> to vector<16xf32>
        %swap3A_1202 = vector.shape_cast %mul3A_1197 : vector<16xf32> to vector<1x16xf32>
        tpu.vector_store %arg10[%swap3A_1198, %swap3A_1199], %swap3A_1202 {strides = array<i32>} : memref<128x128xf32, #tpu.memory_space<vmem>>, vector<1x16xf32>,
        %get3A_1203 = arith.index_cast %add3A_1191 : i32 to index
        %get3A_1204 = arith.constant 16 : index
        %get3A_1205 = tpu.vector_load %arg10[%get3A_1203, %get3A_1204] {strides = array<i32>} : memref<128x128xf32, #tpu.memory_space<vmem>>, vector<1x16xf32>,
        %get3A_1206 = vector.shape_cast %get3A_1205 : vector<1x16xf32> to vector<16xf32>
        %mul3A_1207 = vector.broadcast %squeeze3A_1187 : f32 to vector<16xf32>
        %mul3A_1208 = arith.mulf %get3A_1206, %mul3A_1207 : vector<16xf32>
        %swap3A_1209 = arith.index_cast %add3A_1191 : i32 to index
        %swap3A_1210 = arith.constant 16 : index
        %swap3A_1211 = tpu.vector_load %arg10[%swap3A_1209, %swap3A_1210] {strides = array<i32>} : memref<128x128xf32, #tpu.memory_space<vmem>>, vector<1x16xf32>,
        %swap3A_1212 = vector.shape_cast %swap3A_1211 : vector<1x16xf32> to vector<16xf32>
        %swap3A_1213 = vector.shape_cast %mul3A_1208 : vector<16xf32> to vector<1x16xf32>
        tpu.vector_store %arg10[%swap3A_1209, %swap3A_1210], %swap3A_1213 {strides = array<i32>} : memref<128x128xf32, #tpu.memory_space<vmem>>, vector<1x16xf32>,
        %get3A_1214 = arith.index_cast %add3A_1191 : i32 to index
        %get3A_1215 = arith.constant 32 : index
        %get3A_1216 = tpu.vector_load %arg10[%get3A_1214, %get3A_1215] {strides = array<i32>} : memref<128x128xf32, #tpu.memory_space<vmem>>, vector<1x16xf32>,
        %get3A_1217 = vector.shape_cast %get3A_1216 : vector<1x16xf32> to vector<16xf32>
        %mul3A_1218 = vector.broadcast %squeeze3A_1187 : f32 to vector<16xf32>
        %mul3A_1219 = arith.mulf %get3A_1217, %mul3A_1218 : vector<16xf32>
        %swap3A_1220 = arith.index_cast %add3A_1191 : i32 to index
        %swap3A_1221 = arith.constant 32 : index
        %swap3A_1222 = tpu.vector_load %arg10[%swap3A_1220, %swap3A_1221] {strides = array<i32>} : memref<128x128xf32, #tpu.memory_space<vmem>>, vector<1x16xf32>,
        %swap3A_1223 = vector.shape_cast %swap3A_1222 : vector<1x16xf32> to vector<16xf32>
        %swap3A_1224 = vector.shape_cast %mul3A_1219 : vector<16xf32> to vector<1x16xf32>
        tpu.vector_store %arg10[%swap3A_1220, %swap3A_1221], %swap3A_1224 {strides = array<i32>} : memref<128x128xf32, #tpu.memory_space<vmem>>, vector<1x16xf32>,
        %get3A_1225 = arith.index_cast %add3A_1191 : i32 to index
        %get3A_1226 = arith.constant 48 : index
        %get3A_1227 = tpu.vector_load %arg10[%get3A_1225, %get3A_1226] {strides = array<i32>} : memref<128x128xf32, #tpu.memory_space<vmem>>, vector<1x16xf32>,
        %get3A_1228 = vector.shape_cast %get3A_1227 : vector<1x16xf32> to vector<16xf32>
        %mul3A_1229 = vector.broadcast %squeeze3A_1187 : f32 to vector<16xf32>
        %mul3A_1230 = arith.mulf %get3A_1228, %mul3A_1229 : vector<16xf32>
        %swap3A_1231 = arith.index_cast %add3A_1191 : i32 to index
        %swap3A_1232 = arith.constant 48 : index
        %swap3A_1233 = tpu.vector_load %arg10[%swap3A_1231, %swap3A_1232] {strides = array<i32>} : memref<128x128xf32, #tpu.memory_space<vmem>>, vector<1x16xf32>,
        %swap3A_1234 = vector.shape_cast %swap3A_1233 : vector<1x16xf32> to vector<16xf32>
        %swap3A_1235 = vector.shape_cast %mul3A_1230 : vector<16xf32> to vector<1x16xf32>
        tpu.vector_store %arg10[%swap3A_1231, %swap3A_1232], %swap3A_1235 {strides = array<i32>} : memref<128x128xf32, #tpu.memory_space<vmem>>, vector<1x16xf32>,
        %get3A_1236 = arith.index_cast %add3A_1191 : i32 to index
        %get3A_1237 = arith.constant 64 : index
        %get3A_1238 = tpu.vector_load %arg10[%get3A_1236, %get3A_1237] {strides = array<i32>} : memref<128x128xf32, #tpu.memory_space<vmem>>, vector<1x16xf32>,
        %get3A_1239 = vector.shape_cast %get3A_1238 : vector<1x16xf32> to vector<16xf32>
        %mul3A_1240 = vector.broadcast %squeeze3A_1187 : f32 to vector<16xf32>
        %mul3A_1241 = arith.mulf %get3A_1239, %mul3A_1240 : vector<16xf32>
        %swap3A_1242 = arith.index_cast %add3A_1191 : i32 to index
        %swap3A_1243 = arith.constant 64 : index
        %swap3A_1244 = tpu.vector_load %arg10[%swap3A_1242, %swap3A_1243] {strides = array<i32>} : memref<128x128xf32, #tpu.memory_space<vmem>>, vector<1x16xf32>,
        %swap3A_1245 = vector.shape_cast %swap3A_1244 : vector<1x16xf32> to vector<16xf32>
        %swap3A_1246 = vector.shape_cast %mul3A_1241 : vector<16xf32> to vector<1x16xf32>
        tpu.vector_store %arg10[%swap3A_1242, %swap3A_1243], %swap3A_1246 {strides = array<i32>} : memref<128x128xf32, #tpu.memory_space<vmem>>, vector<1x16xf32>,
        %get3A_1247 = arith.index_cast %add3A_1191 : i32 to index
        %get3A_1248 = arith.constant 80 : index
        %get3A_1249 = tpu.vector_load %arg10[%get3A_1247, %get3A_1248] {strides = array<i32>} : memref<128x128xf32, #tpu.memory_space<vmem>>, vector<1x16xf32>,
        %get3A_1250 = vector.shape_cast %get3A_1249 : vector<1x16xf32> to vector<16xf32>
        %mul3A_1251 = vector.broadcast %squeeze3A_1187 : f32 to vector<16xf32>
        %mul3A_1252 = arith.mulf %get3A_1250, %mul3A_1251 : vector<16xf32>
        %swap3A_1253 = arith.index_cast %add3A_1191 : i32 to index
        %swap3A_1254 = arith.constant 80 : index
        %swap3A_1255 = tpu.vector_load %arg10[%swap3A_1253, %swap3A_1254] {strides = array<i32>} : memref<128x128xf32, #tpu.memory_space<vmem>>, vector<1x16xf32>,
        %swap3A_1256 = vector.shape_cast %swap3A_1255 : vector<1x16xf32> to vector<16xf32>
        %swap3A_1257 = vector.shape_cast %mul3A_1252 : vector<16xf32> to vector<1x16xf32>
        tpu.vector_store %arg10[%swap3A_1253, %swap3A_1254], %swap3A_1257 {strides = array<i32>} : memref<128x128xf32, #tpu.memory_space<vmem>>, vector<1x16xf32>,
        %get3A_1258 = arith.index_cast %add3A_1191 : i32 to index
        %get3A_1259 = arith.constant 96 : index
        %get3A_1260 = tpu.vector_load %arg10[%get3A_1258, %get3A_1259] {strides = array<i32>} : memref<128x128xf32, #tpu.memory_space<vmem>>, vector<1x16xf32>,
        %get3A_1261 = vector.shape_cast %get3A_1260 : vector<1x16xf32> to vector<16xf32>
        %mul3A_1262 = vector.broadcast %squeeze3A_1187 : f32 to vector<16xf32>
        %mul3A_1263 = arith.mulf %get3A_1261, %mul3A_1262 : vector<16xf32>
        %swap3A_1264 = arith.index_cast %add3A_1191 : i32 to index
        %swap3A_1265 = arith.constant 96 : index
        %swap3A_1266 = tpu.vector_load %arg10[%swap3A_1264, %swap3A_1265] {strides = array<i32>} : memref<128x128xf32, #tpu.memory_space<vmem>>, vector<1x16xf32>,
        %swap3A_1267 = vector.shape_cast %swap3A_1266 : vector<1x16xf32> to vector<16xf32>
        %swap3A_1268 = vector.shape_cast %mul3A_1263 : vector<16xf32> to vector<1x16xf32>
        tpu.vector_store %arg10[%swap3A_1264, %swap3A_1265], %swap3A_1268 {strides = array<i32>} : memref<128x128xf32, #tpu.memory_space<vmem>>, vector<1x16xf32>,
        %get3A_1269 = arith.index_cast %add3A_1191 : i32 to index
        %get3A_1270 = arith.constant 112 : index
        %get3A_1271 = tpu.vector_load %arg10[%get3A_1269, %get3A_1270] {strides = array<i32>} : memref<128x128xf32, #tpu.memory_space<vmem>>, vector<1x16xf32>,
        %get3A_1272 = vector.shape_cast %get3A_1271 : vector<1x16xf32> to vector<16xf32>
        %mul3A_1273 = vector.broadcast %squeeze3A_1187 : f32 to vector<16xf32>
        %mul3A_1274 = arith.mulf %get3A_1272, %mul3A_1273 : vector<16xf32>
        %swap3A_1275 = arith.index_cast %add3A_1191 : i32 to index
        %swap3A_1276 = arith.constant 112 : index
        %swap3A_1277 = tpu.vector_load %arg10[%swap3A_1275, %swap3A_1276] {strides = array<i32>} : memref<128x128xf32, #tpu.memory_space<vmem>>, vector<1x16xf32>,
        %swap3A_1278 = vector.shape_cast %swap3A_1277 : vector<1x16xf32> to vector<16xf32>
        %swap3A_1279 = vector.shape_cast %mul3A_1274 : vector<16xf32> to vector<1x16xf32>
        tpu.vector_store %arg10[%swap3A_1275, %swap3A_1276], %swap3A_1279 {strides = array<i32>} : memref<128x128xf32, #tpu.memory_space<vmem>>, vector<1x16xf32>,
        %slice3A_1280 = vector.extract_strided_slice %get3A_60 {offsets = [13], sizes = [1], strides = [1]} : vector<16xf32> to vector<1xf32>
        %squeeze3A_1281 = vector.extract %slice3A_1280[0] : f32 from vector<1xf32>
        %mul3A_1282 = arith.constant 16 : i32
        %mul3A_1283 = arith.muli %scan3A_55, %mul3A_1282 : i32
        %add3A_1284 = arith.constant 13 : i32
        %add3A_1285 = arith.addi %mul3A_1283, %add3A_1284 : i32
        %get3A_1286 = arith.index_cast %add3A_1285 : i32 to index
        %get3A_1287 = arith.constant 0 : index
        %get3A_1288 = tpu.vector_load %arg10[%get3A_1286, %get3A_1287] {strides = array<i32>} : memref<128x128xf32, #tpu.memory_space<vmem>>, vector<1x16xf32>,
        %get3A_1289 = vector.shape_cast %get3A_1288 : vector<1x16xf32> to vector<16xf32>
        %mul3A_1290 = vector.broadcast %squeeze3A_1281 : f32 to vector<16xf32>
        %mul3A_1291 = arith.mulf %get3A_1289, %mul3A_1290 : vector<16xf32>
        %swap3A_1292 = arith.index_cast %add3A_1285 : i32 to index
        %swap3A_1293 = arith.constant 0 : index
        %swap3A_1294 = tpu.vector_load %arg10[%swap3A_1292, %swap3A_1293] {strides = array<i32>} : memref<128x128xf32, #tpu.memory_space<vmem>>, vector<1x16xf32>,
        %swap3A_1295 = vector.shape_cast %swap3A_1294 : vector<1x16xf32> to vector<16xf32>
        %swap3A_1296 = vector.shape_cast %mul3A_1291 : vector<16xf32> to vector<1x16xf32>
        tpu.vector_store %arg10[%swap3A_1292, %swap3A_1293], %swap3A_1296 {strides = array<i32>} : memref<128x128xf32, #tpu.memory_space<vmem>>, vector<1x16xf32>,
        %get3A_1297 = arith.index_cast %add3A_1285 : i32 to index
        %get3A_1298 = arith.constant 16 : index
        %get3A_1299 = tpu.vector_load %arg10[%get3A_1297, %get3A_1298] {strides = array<i32>} : memref<128x128xf32, #tpu.memory_space<vmem>>, vector<1x16xf32>,
        %get3A_1300 = vector.shape_cast %get3A_1299 : vector<1x16xf32> to vector<16xf32>
        %mul3A_1301 = vector.broadcast %squeeze3A_1281 : f32 to vector<16xf32>
        %mul3A_1302 = arith.mulf %get3A_1300, %mul3A_1301 : vector<16xf32>
        %swap3A_1303 = arith.index_cast %add3A_1285 : i32 to index
        %swap3A_1304 = arith.constant 16 : index
        %swap3A_1305 = tpu.vector_load %arg10[%swap3A_1303, %swap3A_1304] {strides = array<i32>} : memref<128x128xf32, #tpu.memory_space<vmem>>, vector<1x16xf32>,
        %swap3A_1306 = vector.shape_cast %swap3A_1305 : vector<1x16xf32> to vector<16xf32>
        %swap3A_1307 = vector.shape_cast %mul3A_1302 : vector<16xf32> to vector<1x16xf32>
        tpu.vector_store %arg10[%swap3A_1303, %swap3A_1304], %swap3A_1307 {strides = array<i32>} : memref<128x128xf32, #tpu.memory_space<vmem>>, vector<1x16xf32>,
        %get3A_1308 = arith.index_cast %add3A_1285 : i32 to index
        %get3A_1309 = arith.constant 32 : index
        %get3A_1310 = tpu.vector_load %arg10[%get3A_1308, %get3A_1309] {strides = array<i32>} : memref<128x128xf32, #tpu.memory_space<vmem>>, vector<1x16xf32>,
        %get3A_1311 = vector.shape_cast %get3A_1310 : vector<1x16xf32> to vector<16xf32>
        %mul3A_1312 = vector.broadcast %squeeze3A_1281 : f32 to vector<16xf32>
        %mul3A_1313 = arith.mulf %get3A_1311, %mul3A_1312 : vector<16xf32>
        %swap3A_1314 = arith.index_cast %add3A_1285 : i32 to index
        %swap3A_1315 = arith.constant 32 : index
        %swap3A_1316 = tpu.vector_load %arg10[%swap3A_1314, %swap3A_1315] {strides = array<i32>} : memref<128x128xf32, #tpu.memory_space<vmem>>, vector<1x16xf32>,
        %swap3A_1317 = vector.shape_cast %swap3A_1316 : vector<1x16xf32> to vector<16xf32>
        %swap3A_1318 = vector.shape_cast %mul3A_1313 : vector<16xf32> to vector<1x16xf32>
        tpu.vector_store %arg10[%swap3A_1314, %swap3A_1315], %swap3A_1318 {strides = array<i32>} : memref<128x128xf32, #tpu.memory_space<vmem>>, vector<1x16xf32>,
        %get3A_1319 = arith.index_cast %add3A_1285 : i32 to index
        %get3A_1320 = arith.constant 48 : index
        %get3A_1321 = tpu.vector_load %arg10[%get3A_1319, %get3A_1320] {strides = array<i32>} : memref<128x128xf32, #tpu.memory_space<vmem>>, vector<1x16xf32>,
        %get3A_1322 = vector.shape_cast %get3A_1321 : vector<1x16xf32> to vector<16xf32>
        %mul3A_1323 = vector.broadcast %squeeze3A_1281 : f32 to vector<16xf32>
        %mul3A_1324 = arith.mulf %get3A_1322, %mul3A_1323 : vector<16xf32>
        %swap3A_1325 = arith.index_cast %add3A_1285 : i32 to index
        %swap3A_1326 = arith.constant 48 : index
        %swap3A_1327 = tpu.vector_load %arg10[%swap3A_1325, %swap3A_1326] {strides = array<i32>} : memref<128x128xf32, #tpu.memory_space<vmem>>, vector<1x16xf32>,
        %swap3A_1328 = vector.shape_cast %swap3A_1327 : vector<1x16xf32> to vector<16xf32>
        %swap3A_1329 = vector.shape_cast %mul3A_1324 : vector<16xf32> to vector<1x16xf32>
        tpu.vector_store %arg10[%swap3A_1325, %swap3A_1326], %swap3A_1329 {strides = array<i32>} : memref<128x128xf32, #tpu.memory_space<vmem>>, vector<1x16xf32>,
        %get3A_1330 = arith.index_cast %add3A_1285 : i32 to index
        %get3A_1331 = arith.constant 64 : index
        %get3A_1332 = tpu.vector_load %arg10[%get3A_1330, %get3A_1331] {strides = array<i32>} : memref<128x128xf32, #tpu.memory_space<vmem>>, vector<1x16xf32>,
        %get3A_1333 = vector.shape_cast %get3A_1332 : vector<1x16xf32> to vector<16xf32>
        %mul3A_1334 = vector.broadcast %squeeze3A_1281 : f32 to vector<16xf32>
        %mul3A_1335 = arith.mulf %get3A_1333, %mul3A_1334 : vector<16xf32>
        %swap3A_1336 = arith.index_cast %add3A_1285 : i32 to index
        %swap3A_1337 = arith.constant 64 : index
        %swap3A_1338 = tpu.vector_load %arg10[%swap3A_1336, %swap3A_1337] {strides = array<i32>} : memref<128x128xf32, #tpu.memory_space<vmem>>, vector<1x16xf32>,
        %swap3A_1339 = vector.shape_cast %swap3A_1338 : vector<1x16xf32> to vector<16xf32>
        %swap3A_1340 = vector.shape_cast %mul3A_1335 : vector<16xf32> to vector<1x16xf32>
        tpu.vector_store %arg10[%swap3A_1336, %swap3A_1337], %swap3A_1340 {strides = array<i32>} : memref<128x128xf32, #tpu.memory_space<vmem>>, vector<1x16xf32>,
        %get3A_1341 = arith.index_cast %add3A_1285 : i32 to index
        %get3A_1342 = arith.constant 80 : index
        %get3A_1343 = tpu.vector_load %arg10[%get3A_1341, %get3A_1342] {strides = array<i32>} : memref<128x128xf32, #tpu.memory_space<vmem>>, vector<1x16xf32>,
        %get3A_1344 = vector.shape_cast %get3A_1343 : vector<1x16xf32> to vector<16xf32>
        %mul3A_1345 = vector.broadcast %squeeze3A_1281 : f32 to vector<16xf32>
        %mul3A_1346 = arith.mulf %get3A_1344, %mul3A_1345 : vector<16xf32>
        %swap3A_1347 = arith.index_cast %add3A_1285 : i32 to index
        %swap3A_1348 = arith.constant 80 : index
        %swap3A_1349 = tpu.vector_load %arg10[%swap3A_1347, %swap3A_1348] {strides = array<i32>} : memref<128x128xf32, #tpu.memory_space<vmem>>, vector<1x16xf32>,
        %swap3A_1350 = vector.shape_cast %swap3A_1349 : vector<1x16xf32> to vector<16xf32>
        %swap3A_1351 = vector.shape_cast %mul3A_1346 : vector<16xf32> to vector<1x16xf32>
        tpu.vector_store %arg10[%swap3A_1347, %swap3A_1348], %swap3A_1351 {strides = array<i32>} : memref<128x128xf32, #tpu.memory_space<vmem>>, vector<1x16xf32>,
        %get3A_1352 = arith.index_cast %add3A_1285 : i32 to index
        %get3A_1353 = arith.constant 96 : index
        %get3A_1354 = tpu.vector_load %arg10[%get3A_1352, %get3A_1353] {strides = array<i32>} : memref<128x128xf32, #tpu.memory_space<vmem>>, vector<1x16xf32>,
        %get3A_1355 = vector.shape_cast %get3A_1354 : vector<1x16xf32> to vector<16xf32>
        %mul3A_1356 = vector.broadcast %squeeze3A_1281 : f32 to vector<16xf32>
        %mul3A_1357 = arith.mulf %get3A_1355, %mul3A_1356 : vector<16xf32>
        %swap3A_1358 = arith.index_cast %add3A_1285 : i32 to index
        %swap3A_1359 = arith.constant 96 : index
        %swap3A_1360 = tpu.vector_load %arg10[%swap3A_1358, %swap3A_1359] {strides = array<i32>} : memref<128x128xf32, #tpu.memory_space<vmem>>, vector<1x16xf32>,
        %swap3A_1361 = vector.shape_cast %swap3A_1360 : vector<1x16xf32> to vector<16xf32>
        %swap3A_1362 = vector.shape_cast %mul3A_1357 : vector<16xf32> to vector<1x16xf32>
        tpu.vector_store %arg10[%swap3A_1358, %swap3A_1359], %swap3A_1362 {strides = array<i32>} : memref<128x128xf32, #tpu.memory_space<vmem>>, vector<1x16xf32>,
        %get3A_1363 = arith.index_cast %add3A_1285 : i32 to index
        %get3A_1364 = arith.constant 112 : index
        %get3A_1365 = tpu.vector_load %arg10[%get3A_1363, %get3A_1364] {strides = array<i32>} : memref<128x128xf32, #tpu.memory_space<vmem>>, vector<1x16xf32>,
        %get3A_1366 = vector.shape_cast %get3A_1365 : vector<1x16xf32> to vector<16xf32>
        %mul3A_1367 = vector.broadcast %squeeze3A_1281 : f32 to vector<16xf32>
        %mul3A_1368 = arith.mulf %get3A_1366, %mul3A_1367 : vector<16xf32>
        %swap3A_1369 = arith.index_cast %add3A_1285 : i32 to index
        %swap3A_1370 = arith.constant 112 : index
        %swap3A_1371 = tpu.vector_load %arg10[%swap3A_1369, %swap3A_1370] {strides = array<i32>} : memref<128x128xf32, #tpu.memory_space<vmem>>, vector<1x16xf32>,
        %swap3A_1372 = vector.shape_cast %swap3A_1371 : vector<1x16xf32> to vector<16xf32>
        %swap3A_1373 = vector.shape_cast %mul3A_1368 : vector<16xf32> to vector<1x16xf32>
        tpu.vector_store %arg10[%swap3A_1369, %swap3A_1370], %swap3A_1373 {strides = array<i32>} : memref<128x128xf32, #tpu.memory_space<vmem>>, vector<1x16xf32>,
        %slice3A_1374 = vector.extract_strided_slice %get3A_60 {offsets = [14], sizes = [1], strides = [1]} : vector<16xf32> to vector<1xf32>
        %squeeze3A_1375 = vector.extract %slice3A_1374[0] : f32 from vector<1xf32>
        %mul3A_1376 = arith.constant 16 : i32
        %mul3A_1377 = arith.muli %scan3A_55, %mul3A_1376 : i32
        %add3A_1378 = arith.constant 14 : i32
        %add3A_1379 = arith.addi %mul3A_1377, %add3A_1378 : i32
        %get3A_1380 = arith.index_cast %add3A_1379 : i32 to index
        %get3A_1381 = arith.constant 0 : index
        %get3A_1382 = tpu.vector_load %arg10[%get3A_1380, %get3A_1381] {strides = array<i32>} : memref<128x128xf32, #tpu.memory_space<vmem>>, vector<1x16xf32>,
        %get3A_1383 = vector.shape_cast %get3A_1382 : vector<1x16xf32> to vector<16xf32>
        %mul3A_1384 = vector.broadcast %squeeze3A_1375 : f32 to vector<16xf32>
        %mul3A_1385 = arith.mulf %get3A_1383, %mul3A_1384 : vector<16xf32>
        %swap3A_1386 = arith.index_cast %add3A_1379 : i32 to index
        %swap3A_1387 = arith.constant 0 : index
        %swap3A_1388 = tpu.vector_load %arg10[%swap3A_1386, %swap3A_1387] {strides = array<i32>} : memref<128x128xf32, #tpu.memory_space<vmem>>, vector<1x16xf32>,
        %swap3A_1389 = vector.shape_cast %swap3A_1388 : vector<1x16xf32> to vector<16xf32>
        %swap3A_1390 = vector.shape_cast %mul3A_1385 : vector<16xf32> to vector<1x16xf32>
        tpu.vector_store %arg10[%swap3A_1386, %swap3A_1387], %swap3A_1390 {strides = array<i32>} : memref<128x128xf32, #tpu.memory_space<vmem>>, vector<1x16xf32>,
        %get3A_1391 = arith.index_cast %add3A_1379 : i32 to index
        %get3A_1392 = arith.constant 16 : index
        %get3A_1393 = tpu.vector_load %arg10[%get3A_1391, %get3A_1392] {strides = array<i32>} : memref<128x128xf32, #tpu.memory_space<vmem>>, vector<1x16xf32>,
        %get3A_1394 = vector.shape_cast %get3A_1393 : vector<1x16xf32> to vector<16xf32>
        %mul3A_1395 = vector.broadcast %squeeze3A_1375 : f32 to vector<16xf32>
        %mul3A_1396 = arith.mulf %get3A_1394, %mul3A_1395 : vector<16xf32>
        %swap3A_1397 = arith.index_cast %add3A_1379 : i32 to index
        %swap3A_1398 = arith.constant 16 : index
        %swap3A_1399 = tpu.vector_load %arg10[%swap3A_1397, %swap3A_1398] {strides = array<i32>} : memref<128x128xf32, #tpu.memory_space<vmem>>, vector<1x16xf32>,
        %swap3A_1400 = vector.shape_cast %swap3A_1399 : vector<1x16xf32> to vector<16xf32>
        %swap3A_1401 = vector.shape_cast %mul3A_1396 : vector<16xf32> to vector<1x16xf32>
        tpu.vector_store %arg10[%swap3A_1397, %swap3A_1398], %swap3A_1401 {strides = array<i32>} : memref<128x128xf32, #tpu.memory_space<vmem>>, vector<1x16xf32>,
        %get3A_1402 = arith.index_cast %add3A_1379 : i32 to index
        %get3A_1403 = arith.constant 32 : index
        %get3A_1404 = tpu.vector_load %arg10[%get3A_1402, %get3A_1403] {strides = array<i32>} : memref<128x128xf32, #tpu.memory_space<vmem>>, vector<1x16xf32>,
        %get3A_1405 = vector.shape_cast %get3A_1404 : vector<1x16xf32> to vector<16xf32>
        %mul3A_1406 = vector.broadcast %squeeze3A_1375 : f32 to vector<16xf32>
        %mul3A_1407 = arith.mulf %get3A_1405, %mul3A_1406 : vector<16xf32>
        %swap3A_1408 = arith.index_cast %add3A_1379 : i32 to index
        %swap3A_1409 = arith.constant 32 : index
        %swap3A_1410 = tpu.vector_load %arg10[%swap3A_1408, %swap3A_1409] {strides = array<i32>} : memref<128x128xf32, #tpu.memory_space<vmem>>, vector<1x16xf32>,
        %swap3A_1411 = vector.shape_cast %swap3A_1410 : vector<1x16xf32> to vector<16xf32>
        %swap3A_1412 = vector.shape_cast %mul3A_1407 : vector<16xf32> to vector<1x16xf32>
        tpu.vector_store %arg10[%swap3A_1408, %swap3A_1409], %swap3A_1412 {strides = array<i32>} : memref<128x128xf32, #tpu.memory_space<vmem>>, vector<1x16xf32>,
        %get3A_1413 = arith.index_cast %add3A_1379 : i32 to index
        %get3A_1414 = arith.constant 48 : index
        %get3A_1415 = tpu.vector_load %arg10[%get3A_1413, %get3A_1414] {strides = array<i32>} : memref<128x128xf32, #tpu.memory_space<vmem>>, vector<1x16xf32>,
        %get3A_1416 = vector.shape_cast %get3A_1415 : vector<1x16xf32> to vector<16xf32>
        %mul3A_1417 = vector.broadcast %squeeze3A_1375 : f32 to vector<16xf32>
        %mul3A_1418 = arith.mulf %get3A_1416, %mul3A_1417 : vector<16xf32>
        %swap3A_1419 = arith.index_cast %add3A_1379 : i32 to index
        %swap3A_1420 = arith.constant 48 : index
        %swap3A_1421 = tpu.vector_load %arg10[%swap3A_1419, %swap3A_1420] {strides = array<i32>} : memref<128x128xf32, #tpu.memory_space<vmem>>, vector<1x16xf32>,
        %swap3A_1422 = vector.shape_cast %swap3A_1421 : vector<1x16xf32> to vector<16xf32>
        %swap3A_1423 = vector.shape_cast %mul3A_1418 : vector<16xf32> to vector<1x16xf32>
        tpu.vector_store %arg10[%swap3A_1419, %swap3A_1420], %swap3A_1423 {strides = array<i32>} : memref<128x128xf32, #tpu.memory_space<vmem>>, vector<1x16xf32>,
        %get3A_1424 = arith.index_cast %add3A_1379 : i32 to index
        %get3A_1425 = arith.constant 64 : index
        %get3A_1426 = tpu.vector_load %arg10[%get3A_1424, %get3A_1425] {strides = array<i32>} : memref<128x128xf32, #tpu.memory_space<vmem>>, vector<1x16xf32>,
        %get3A_1427 = vector.shape_cast %get3A_1426 : vector<1x16xf32> to vector<16xf32>
        %mul3A_1428 = vector.broadcast %squeeze3A_1375 : f32 to vector<16xf32>
        %mul3A_1429 = arith.mulf %get3A_1427, %mul3A_1428 : vector<16xf32>
        %swap3A_1430 = arith.index_cast %add3A_1379 : i32 to index
        %swap3A_1431 = arith.constant 64 : index
        %swap3A_1432 = tpu.vector_load %arg10[%swap3A_1430, %swap3A_1431] {strides = array<i32>} : memref<128x128xf32, #tpu.memory_space<vmem>>, vector<1x16xf32>,
        %swap3A_1433 = vector.shape_cast %swap3A_1432 : vector<1x16xf32> to vector<16xf32>
        %swap3A_1434 = vector.shape_cast %mul3A_1429 : vector<16xf32> to vector<1x16xf32>
        tpu.vector_store %arg10[%swap3A_1430, %swap3A_1431], %swap3A_1434 {strides = array<i32>} : memref<128x128xf32, #tpu.memory_space<vmem>>, vector<1x16xf32>,
        %get3A_1435 = arith.index_cast %add3A_1379 : i32 to index
        %get3A_1436 = arith.constant 80 : index
        %get3A_1437 = tpu.vector_load %arg10[%get3A_1435, %get3A_1436] {strides = array<i32>} : memref<128x128xf32, #tpu.memory_space<vmem>>, vector<1x16xf32>,
        %get3A_1438 = vector.shape_cast %get3A_1437 : vector<1x16xf32> to vector<16xf32>
        %mul3A_1439 = vector.broadcast %squeeze3A_1375 : f32 to vector<16xf32>
        %mul3A_1440 = arith.mulf %get3A_1438, %mul3A_1439 : vector<16xf32>
        %swap3A_1441 = arith.index_cast %add3A_1379 : i32 to index
        %swap3A_1442 = arith.constant 80 : index
        %swap3A_1443 = tpu.vector_load %arg10[%swap3A_1441, %swap3A_1442] {strides = array<i32>} : memref<128x128xf32, #tpu.memory_space<vmem>>, vector<1x16xf32>,
        %swap3A_1444 = vector.shape_cast %swap3A_1443 : vector<1x16xf32> to vector<16xf32>
        %swap3A_1445 = vector.shape_cast %mul3A_1440 : vector<16xf32> to vector<1x16xf32>
        tpu.vector_store %arg10[%swap3A_1441, %swap3A_1442], %swap3A_1445 {strides = array<i32>} : memref<128x128xf32, #tpu.memory_space<vmem>>, vector<1x16xf32>,
        %get3A_1446 = arith.index_cast %add3A_1379 : i32 to index
        %get3A_1447 = arith.constant 96 : index
        %get3A_1448 = tpu.vector_load %arg10[%get3A_1446, %get3A_1447] {strides = array<i32>} : memref<128x128xf32, #tpu.memory_space<vmem>>, vector<1x16xf32>,
        %get3A_1449 = vector.shape_cast %get3A_1448 : vector<1x16xf32> to vector<16xf32>
        %mul3A_1450 = vector.broadcast %squeeze3A_1375 : f32 to vector<16xf32>
        %mul3A_1451 = arith.mulf %get3A_1449, %mul3A_1450 : vector<16xf32>
        %swap3A_1452 = arith.index_cast %add3A_1379 : i32 to index
        %swap3A_1453 = arith.constant 96 : index
        %swap3A_1454 = tpu.vector_load %arg10[%swap3A_1452, %swap3A_1453] {strides = array<i32>} : memref<128x128xf32, #tpu.memory_space<vmem>>, vector<1x16xf32>,
        %swap3A_1455 = vector.shape_cast %swap3A_1454 : vector<1x16xf32> to vector<16xf32>
        %swap3A_1456 = vector.shape_cast %mul3A_1451 : vector<16xf32> to vector<1x16xf32>
        tpu.vector_store %arg10[%swap3A_1452, %swap3A_1453], %swap3A_1456 {strides = array<i32>} : memref<128x128xf32, #tpu.memory_space<vmem>>, vector<1x16xf32>,
        %get3A_1457 = arith.index_cast %add3A_1379 : i32 to index
        %get3A_1458 = arith.constant 112 : index
        %get3A_1459 = tpu.vector_load %arg10[%get3A_1457, %get3A_1458] {strides = array<i32>} : memref<128x128xf32, #tpu.memory_space<vmem>>, vector<1x16xf32>,
        %get3A_1460 = vector.shape_cast %get3A_1459 : vector<1x16xf32> to vector<16xf32>
        %mul3A_1461 = vector.broadcast %squeeze3A_1375 : f32 to vector<16xf32>
        %mul3A_1462 = arith.mulf %get3A_1460, %mul3A_1461 : vector<16xf32>
        %swap3A_1463 = arith.index_cast %add3A_1379 : i32 to index
        %swap3A_1464 = arith.constant 112 : index
        %swap3A_1465 = tpu.vector_load %arg10[%swap3A_1463, %swap3A_1464] {strides = array<i32>} : memref<128x128xf32, #tpu.memory_space<vmem>>, vector<1x16xf32>,
        %swap3A_1466 = vector.shape_cast %swap3A_1465 : vector<1x16xf32> to vector<16xf32>
        %swap3A_1467 = vector.shape_cast %mul3A_1462 : vector<16xf32> to vector<1x16xf32>
        tpu.vector_store %arg10[%swap3A_1463, %swap3A_1464], %swap3A_1467 {strides = array<i32>} : memref<128x128xf32, #tpu.memory_space<vmem>>, vector<1x16xf32>,
        %slice3A_1468 = vector.extract_strided_slice %get3A_60 {offsets = [15], sizes = [1], strides = [1]} : vector<16xf32> to vector<1xf32>
        %squeeze3A_1469 = vector.extract %slice3A_1468[0] : f32 from vector<1xf32>
        %mul3A_1470 = arith.constant 16 : i32
        %mul3A_1471 = arith.muli %scan3A_55, %mul3A_1470 : i32
        %add3A_1472 = arith.constant 15 : i32
        %add3A_1473 = arith.addi %mul3A_1471, %add3A_1472 : i32
        %get3A_1474 = arith.index_cast %add3A_1473 : i32 to index
        %get3A_1475 = arith.constant 0 : index
        %get3A_1476 = tpu.vector_load %arg10[%get3A_1474, %get3A_1475] {strides = array<i32>} : memref<128x128xf32, #tpu.memory_space<vmem>>, vector<1x16xf32>,
        %get3A_1477 = vector.shape_cast %get3A_1476 : vector<1x16xf32> to vector<16xf32>
        %mul3A_1478 = vector.broadcast %squeeze3A_1469 : f32 to vector<16xf32>
        %mul3A_1479 = arith.mulf %get3A_1477, %mul3A_1478 : vector<16xf32>
        %swap3A_1480 = arith.index_cast %add3A_1473 : i32 to index
        %swap3A_1481 = arith.constant 0 : index
        %swap3A_1482 = tpu.vector_load %arg10[%swap3A_1480, %swap3A_1481] {strides = array<i32>} : memref<128x128xf32, #tpu.memory_space<vmem>>, vector<1x16xf32>,
        %swap3A_1483 = vector.shape_cast %swap3A_1482 : vector<1x16xf32> to vector<16xf32>
        %swap3A_1484 = vector.shape_cast %mul3A_1479 : vector<16xf32> to vector<1x16xf32>
        tpu.vector_store %arg10[%swap3A_1480, %swap3A_1481], %swap3A_1484 {strides = array<i32>} : memref<128x128xf32, #tpu.memory_space<vmem>>, vector<1x16xf32>,
        %get3A_1485 = arith.index_cast %add3A_1473 : i32 to index
        %get3A_1486 = arith.constant 16 : index
        %get3A_1487 = tpu.vector_load %arg10[%get3A_1485, %get3A_1486] {strides = array<i32>} : memref<128x128xf32, #tpu.memory_space<vmem>>, vector<1x16xf32>,
        %get3A_1488 = vector.shape_cast %get3A_1487 : vector<1x16xf32> to vector<16xf32>
        %mul3A_1489 = vector.broadcast %squeeze3A_1469 : f32 to vector<16xf32>
        %mul3A_1490 = arith.mulf %get3A_1488, %mul3A_1489 : vector<16xf32>
        %swap3A_1491 = arith.index_cast %add3A_1473 : i32 to index
        %swap3A_1492 = arith.constant 16 : index
        %swap3A_1493 = tpu.vector_load %arg10[%swap3A_1491, %swap3A_1492] {strides = array<i32>} : memref<128x128xf32, #tpu.memory_space<vmem>>, vector<1x16xf32>,
        %swap3A_1494 = vector.shape_cast %swap3A_1493 : vector<1x16xf32> to vector<16xf32>
        %swap3A_1495 = vector.shape_cast %mul3A_1490 : vector<16xf32> to vector<1x16xf32>
        tpu.vector_store %arg10[%swap3A_1491, %swap3A_1492], %swap3A_1495 {strides = array<i32>} : memref<128x128xf32, #tpu.memory_space<vmem>>, vector<1x16xf32>,
        %get3A_1496 = arith.index_cast %add3A_1473 : i32 to index
        %get3A_1497 = arith.constant 32 : index
        %get3A_1498 = tpu.vector_load %arg10[%get3A_1496, %get3A_1497] {strides = array<i32>} : memref<128x128xf32, #tpu.memory_space<vmem>>, vector<1x16xf32>,
        %get3A_1499 = vector.shape_cast %get3A_1498 : vector<1x16xf32> to vector<16xf32>
        %mul3A_1500 = vector.broadcast %squeeze3A_1469 : f32 to vector<16xf32>
        %mul3A_1501 = arith.mulf %get3A_1499, %mul3A_1500 : vector<16xf32>
        %swap3A_1502 = arith.index_cast %add3A_1473 : i32 to index
        %swap3A_1503 = arith.constant 32 : index
        %swap3A_1504 = tpu.vector_load %arg10[%swap3A_1502, %swap3A_1503] {strides = array<i32>} : memref<128x128xf32, #tpu.memory_space<vmem>>, vector<1x16xf32>,
        %swap3A_1505 = vector.shape_cast %swap3A_1504 : vector<1x16xf32> to vector<16xf32>
        %swap3A_1506 = vector.shape_cast %mul3A_1501 : vector<16xf32> to vector<1x16xf32>
        tpu.vector_store %arg10[%swap3A_1502, %swap3A_1503], %swap3A_1506 {strides = array<i32>} : memref<128x128xf32, #tpu.memory_space<vmem>>, vector<1x16xf32>,
        %get3A_1507 = arith.index_cast %add3A_1473 : i32 to index
        %get3A_1508 = arith.constant 48 : index
        %get3A_1509 = tpu.vector_load %arg10[%get3A_1507, %get3A_1508] {strides = array<i32>} : memref<128x128xf32, #tpu.memory_space<vmem>>, vector<1x16xf32>,
        %get3A_1510 = vector.shape_cast %get3A_1509 : vector<1x16xf32> to vector<16xf32>
        %mul3A_1511 = vector.broadcast %squeeze3A_1469 : f32 to vector<16xf32>
        %mul3A_1512 = arith.mulf %get3A_1510, %mul3A_1511 : vector<16xf32>
        %swap3A_1513 = arith.index_cast %add3A_1473 : i32 to index
        %swap3A_1514 = arith.constant 48 : index
        %swap3A_1515 = tpu.vector_load %arg10[%swap3A_1513, %swap3A_1514] {strides = array<i32>} : memref<128x128xf32, #tpu.memory_space<vmem>>, vector<1x16xf32>,
        %swap3A_1516 = vector.shape_cast %swap3A_1515 : vector<1x16xf32> to vector<16xf32>
        %swap3A_1517 = vector.shape_cast %mul3A_1512 : vector<16xf32> to vector<1x16xf32>
        tpu.vector_store %arg10[%swap3A_1513, %swap3A_1514], %swap3A_1517 {strides = array<i32>} : memref<128x128xf32, #tpu.memory_space<vmem>>, vector<1x16xf32>,
        %get3A_1518 = arith.index_cast %add3A_1473 : i32 to index
        %get3A_1519 = arith.constant 64 : index
        %get3A_1520 = tpu.vector_load %arg10[%get3A_1518, %get3A_1519] {strides = array<i32>} : memref<128x128xf32, #tpu.memory_space<vmem>>, vector<1x16xf32>,
        %get3A_1521 = vector.shape_cast %get3A_1520 : vector<1x16xf32> to vector<16xf32>
        %mul3A_1522 = vector.broadcast %squeeze3A_1469 : f32 to vector<16xf32>
        %mul3A_1523 = arith.mulf %get3A_1521, %mul3A_1522 : vector<16xf32>
        %swap3A_1524 = arith.index_cast %add3A_1473 : i32 to index
        %swap3A_1525 = arith.constant 64 : index
        %swap3A_1526 = tpu.vector_load %arg10[%swap3A_1524, %swap3A_1525] {strides = array<i32>} : memref<128x128xf32, #tpu.memory_space<vmem>>, vector<1x16xf32>,
        %swap3A_1527 = vector.shape_cast %swap3A_1526 : vector<1x16xf32> to vector<16xf32>
        %swap3A_1528 = vector.shape_cast %mul3A_1523 : vector<16xf32> to vector<1x16xf32>
        tpu.vector_store %arg10[%swap3A_1524, %swap3A_1525], %swap3A_1528 {strides = array<i32>} : memref<128x128xf32, #tpu.memory_space<vmem>>, vector<1x16xf32>,
        %get3A_1529 = arith.index_cast %add3A_1473 : i32 to index
        %get3A_1530 = arith.constant 80 : index
        %get3A_1531 = tpu.vector_load %arg10[%get3A_1529, %get3A_1530] {strides = array<i32>} : memref<128x128xf32, #tpu.memory_space<vmem>>, vector<1x16xf32>,
        %get3A_1532 = vector.shape_cast %get3A_1531 : vector<1x16xf32> to vector<16xf32>
        %mul3A_1533 = vector.broadcast %squeeze3A_1469 : f32 to vector<16xf32>
        %mul3A_1534 = arith.mulf %get3A_1532, %mul3A_1533 : vector<16xf32>
        %swap3A_1535 = arith.index_cast %add3A_1473 : i32 to index
        %swap3A_1536 = arith.constant 80 : index
        %swap3A_1537 = tpu.vector_load %arg10[%swap3A_1535, %swap3A_1536] {strides = array<i32>} : memref<128x128xf32, #tpu.memory_space<vmem>>, vector<1x16xf32>,
        %swap3A_1538 = vector.shape_cast %swap3A_1537 : vector<1x16xf32> to vector<16xf32>
        %swap3A_1539 = vector.shape_cast %mul3A_1534 : vector<16xf32> to vector<1x16xf32>
        tpu.vector_store %arg10[%swap3A_1535, %swap3A_1536], %swap3A_1539 {strides = array<i32>} : memref<128x128xf32, #tpu.memory_space<vmem>>, vector<1x16xf32>,
        %get3A_1540 = arith.index_cast %add3A_1473 : i32 to index
        %get3A_1541 = arith.constant 96 : index
        %get3A_1542 = tpu.vector_load %arg10[%get3A_1540, %get3A_1541] {strides = array<i32>} : memref<128x128xf32, #tpu.memory_space<vmem>>, vector<1x16xf32>,
        %get3A_1543 = vector.shape_cast %get3A_1542 : vector<1x16xf32> to vector<16xf32>
        %mul3A_1544 = vector.broadcast %squeeze3A_1469 : f32 to vector<16xf32>
        %mul3A_1545 = arith.mulf %get3A_1543, %mul3A_1544 : vector<16xf32>
        %swap3A_1546 = arith.index_cast %add3A_1473 : i32 to index
        %swap3A_1547 = arith.constant 96 : index
        %swap3A_1548 = tpu.vector_load %arg10[%swap3A_1546, %swap3A_1547] {strides = array<i32>} : memref<128x128xf32, #tpu.memory_space<vmem>>, vector<1x16xf32>,
        %swap3A_1549 = vector.shape_cast %swap3A_1548 : vector<1x16xf32> to vector<16xf32>
        %swap3A_1550 = vector.shape_cast %mul3A_1545 : vector<16xf32> to vector<1x16xf32>
        tpu.vector_store %arg10[%swap3A_1546, %swap3A_1547], %swap3A_1550 {strides = array<i32>} : memref<128x128xf32, #tpu.memory_space<vmem>>, vector<1x16xf32>,
        %get3A_1551 = arith.index_cast %add3A_1473 : i32 to index
        %get3A_1552 = arith.constant 112 : index
        %get3A_1553 = tpu.vector_load %arg10[%get3A_1551, %get3A_1552] {strides = array<i32>} : memref<128x128xf32, #tpu.memory_space<vmem>>, vector<1x16xf32>,
        %get3A_1554 = vector.shape_cast %get3A_1553 : vector<1x16xf32> to vector<16xf32>
        %mul3A_1555 = vector.broadcast %squeeze3A_1469 : f32 to vector<16xf32>
        %mul3A_1556 = arith.mulf %get3A_1554, %mul3A_1555 : vector<16xf32>
        %swap3A_1557 = arith.index_cast %add3A_1473 : i32 to index
        %swap3A_1558 = arith.constant 112 : index
        %swap3A_1559 = tpu.vector_load %arg10[%swap3A_1557, %swap3A_1558] {strides = array<i32>} : memref<128x128xf32, #tpu.memory_space<vmem>>, vector<1x16xf32>,
        %swap3A_1560 = vector.shape_cast %swap3A_1559 : vector<1x16xf32> to vector<16xf32>
        %swap3A_1561 = vector.shape_cast %mul3A_1556 : vector<16xf32> to vector<1x16xf32>
        tpu.vector_store %arg10[%swap3A_1557, %swap3A_1558], %swap3A_1561 {strides = array<i32>} : memref<128x128xf32, #tpu.memory_space<vmem>>, vector<1x16xf32>,
      }
      %scan3A_54 = arith.constant 8 : i32
      "tpu.region"() ({
        %run_scoped3A = tpu.sem_alloc : memref<!tpu.dma_semaphore, #tpu.memory_space<semaphore_mem>>
        %dma_start3A_55 = arith.constant 0 : i32
        %dma_start3A_56 = tpu.memref_slice %arg8[%scan3A_38, %dma_start3A_55] : memref<80x128xi32, #tpu.memory_space<vmem>> -> memref<1x128xi32, #tpu.memory_space<vmem>>
        %dma_start3A_57 = tpu.memref_squeeze %dma_start3A_56 : memref<1x128xi32, #tpu.memory_space<vmem>> -> memref<128xi32, #tpu.memory_space<vmem>>
        %dma_start3A_58 = arith.constant 0 : i32
        %dma_start3A_59 = arith.constant 0 : i32
        %dma_start3A_60 = tpu.memref_slice %arg12[%dma_start3A_58, %dma_start3A_59] : memref<10112x128xf32, #tpu.memory_space<vmem_shared>> -> memref<10112x128xf32, #tpu.memory_space<vmem_shared>>
        tpu.enqueue_indirect_dma source(%arg10 : memref<128x128xf32, #tpu.memory_space<vmem>>) target(%dma_start3A_60 : memref<10112x128xf32, #tpu.memory_space<vmem_shared>>) offsets(%dma_start3A_57 : memref<128xi32, #tpu.memory_space<vmem>>) semaphore(%run_scoped3A : memref<!tpu.dma_semaphore, #tpu.memory_space<semaphore_mem>>) {add = true}
        %dma_wait3A_61 = arith.constant 0 : i32
        %dma_wait3A_62 = tpu.memref_slice %arg8[%scan3A_38, %dma_wait3A_61] : memref<80x128xi32, #tpu.memory_space<vmem>> -> memref<1x128xi32, #tpu.memory_space<vmem>>
        %dma_wait3A_63 = tpu.memref_squeeze %dma_wait3A_62 : memref<1x128xi32, #tpu.memory_space<vmem>> -> memref<128xi32, #tpu.memory_space<vmem>>
        %dma_wait3A_64 = arith.constant 0 : i32
        %dma_wait3A_65 = arith.constant 0 : i32
        %dma_wait3A_66 = tpu.memref_slice %arg12[%dma_wait3A_64, %dma_wait3A_65] : memref<10112x128xf32, #tpu.memory_space<vmem_shared>> -> memref<10112x128xf32, #tpu.memory_space<vmem_shared>>
        tpu.wait_indirect_dma semaphore(%run_scoped3A : memref<!tpu.dma_semaphore, #tpu.memory_space<semaphore_mem>>) src(%arg10 : memref<128x128xf32, #tpu.memory_space<vmem>>) dst(%dma_wait3A_66 : memref<10112x128xf32, #tpu.memory_space<vmem_shared>>)
        tpu.yield
      }) : () -> ()
    }
    %scan3A_26 = arith.constant 80 : i32
    %barrier3A_27 = arith.constant 0 : index
    tpu.barrier barrier_id(%barrier3A_27)
    %add3A_28 = arith.constant 0 : i32
    %add3A_29 = arith.addi %mul3A_8, %add3A_28 : i32
    "tpu.region"() ({
      %run_scoped3A = tpu.sem_alloc : memref<!tpu.dma_semaphore, #tpu.memory_space<semaphore_mem>>
      %dma_start3A = arith.constant 0 : i32
      %dma_start3A_38 = arith.constant 0 : i32
      %dma_start3A_39 = tpu.memref_slice %arg10[%dma_start3A, %dma_start3A_38] : memref<128x128xf32, #tpu.memory_space<vmem>> -> memref<128x128xf32, #tpu.memory_space<vmem>>
      %dma_start3A_40 = arith.constant 0 : i32
      %dma_start3A_41 = tpu.memref_slice %arg12[%add3A_29, %dma_start3A_40] : memref<10112x128xf32, #tpu.memory_space<vmem_shared>> -> memref<128x128xf32, #tpu.memory_space<vmem_shared>>
      %dma_start3A_42 = arith.constant 0 : i32
      %dma_start3A_43 = arith.constant 0 : i32
      %dma_start3A_44 = tpu.memref_slice %arg10[%dma_start3A_42, %dma_start3A_43] : memref<128x128xf32, #tpu.memory_space<vmem>> -> memref<128x128xf32, #tpu.memory_space<vmem>>
      %dma_start3A_45 = arith.constant 0 : i32
      %dma_start3A_46 = tpu.memref_slice %arg12[%add3A_29, %dma_start3A_45] : memref<10112x128xf32, #tpu.memory_space<vmem_shared>> -> memref<128x128xf32, #tpu.memory_space<vmem_shared>>
      tpu.enqueue_dma source(%dma_start3A_46 : memref<128x128xf32, #tpu.memory_space<vmem_shared>>) target(%dma_start3A_44 : memref<128x128xf32, #tpu.memory_space<vmem>>) target_semaphore(%run_scoped3A : memref<!tpu.dma_semaphore, #tpu.memory_space<semaphore_mem>>)
      %dma_wait3A = arith.constant 0 : i32
      %dma_wait3A_47 = arith.constant 0 : i32
      %dma_wait3A_48 = tpu.memref_slice %arg10[%dma_wait3A, %dma_wait3A_47] : memref<128x128xf32, #tpu.memory_space<vmem>> -> memref<128x128xf32, #tpu.memory_space<vmem>>
      %dma_wait3A_49 = arith.constant 0 : i32
      %dma_wait3A_50 = tpu.memref_slice %arg12[%add3A_29, %dma_wait3A_49] : memref<10112x128xf32, #tpu.memory_space<vmem_shared>> -> memref<128x128xf32, #tpu.memory_space<vmem_shared>>
      %dma_wait3A_51 = arith.constant 0 : i32
      %dma_wait3A_52 = arith.constant 0 : i32
      %dma_wait3A_53 = tpu.memref_slice %arg10[%dma_wait3A_51, %dma_wait3A_52] : memref<128x128xf32, #tpu.memory_space<vmem>> -> memref<128x128xf32, #tpu.memory_space<vmem>>
      %dma_wait3A_54 = arith.constant 0 : i32
      %dma_wait3A_55 = tpu.memref_slice %arg12[%add3A_29, %dma_wait3A_54] : memref<10112x128xf32, #tpu.memory_space<vmem_shared>> -> memref<128x128xf32, #tpu.memory_space<vmem_shared>>
      tpu.wait_dma2 semaphore(%run_scoped3A : memref<!tpu.dma_semaphore, #tpu.memory_space<semaphore_mem>>) src(%dma_wait3A_55 : memref<128x128xf32, #tpu.memory_space<vmem_shared>>) dst(%dma_wait3A_53 : memref<128x128xf32, #tpu.memory_space<vmem>>)
      tpu.yield
    }) : () -> ()
    "tpu.region"() ({
      %run_scoped3A = tpu.sem_alloc : memref<!tpu.dma_semaphore, #tpu.memory_space<semaphore_mem>>
      %dma_start3A = arith.constant 0 : i32
      %dma_start3A_38 = arith.constant 0 : i32
      %dma_start3A_39 = tpu.memref_slice %arg10[%dma_start3A, %dma_start3A_38] : memref<128x128xf32, #tpu.memory_space<vmem>> -> memref<128x128xf32, #tpu.memory_space<vmem>>
      %dma_start3A_40 = arith.constant 0 : i32
      %dma_start3A_41 = arith.constant 0 : i32
      %dma_start3A_42 = tpu.memref_slice %arg6[%arg0, %dma_start3A_40, %dma_start3A_41] : memref<2x10112x128xf32, #tpu.memory_space<hbm>> -> memref<1x10112x128xf32, #tpu.memory_space<hbm>>
      %dma_start3A_43 = tpu.memref_squeeze %dma_start3A_42 : memref<1x10112x128xf32, #tpu.memory_space<hbm>> -> memref<10112x128xf32, #tpu.memory_space<hbm>>
      %dma_start3A_44 = arith.constant 0 : i32
      %dma_start3A_45 = tpu.memref_slice %dma_start3A_43[%add3A_29, %dma_start3A_44] : memref<10112x128xf32, #tpu.memory_space<hbm>> -> memref<128x128xf32, #tpu.memory_space<hbm>>
      %dma_start3A_46 = arith.constant 0 : i32
      %dma_start3A_47 = arith.constant 0 : i32
      %dma_start3A_48 = tpu.memref_slice %arg6[%arg0, %dma_start3A_46, %dma_start3A_47] : memref<2x10112x128xf32, #tpu.memory_space<hbm>> -> memref<1x10112x128xf32, #tpu.memory_space<hbm>>
      %dma_start3A_49 = tpu.memref_squeeze %dma_start3A_48 : memref<1x10112x128xf32, #tpu.memory_space<hbm>> -> memref<10112x128xf32, #tpu.memory_space<hbm>>
      %dma_start3A_50 = arith.constant 0 : i32
      %dma_start3A_51 = tpu.memref_slice %dma_start3A_49[%add3A_29, %dma_start3A_50] : memref<10112x128xf32, #tpu.memory_space<hbm>> -> memref<128x128xf32, #tpu.memory_space<hbm>>
      %dma_start3A_52 = arith.constant 0 : i32
      %dma_start3A_53 = arith.constant 0 : i32
      %dma_start3A_54 = tpu.memref_slice %arg10[%dma_start3A_52, %dma_start3A_53] : memref<128x128xf32, #tpu.memory_space<vmem>> -> memref<128x128xf32, #tpu.memory_space<vmem>>
      tpu.enqueue_dma source(%dma_start3A_54 : memref<128x128xf32, #tpu.memory_space<vmem>>) target(%dma_start3A_51 : memref<128x128xf32, #tpu.memory_space<hbm>>) target_semaphore(%run_scoped3A : memref<!tpu.dma_semaphore, #tpu.memory_space<semaphore_mem>>)
      %dma_wait3A = arith.constant 0 : i32
      %dma_wait3A_55 = arith.constant 0 : i32
      %dma_wait3A_56 = tpu.memref_slice %arg10[%dma_wait3A, %dma_wait3A_55] : memref<128x128xf32, #tpu.memory_space<vmem>> -> memref<128x128xf32, #tpu.memory_space<vmem>>
      %dma_wait3A_57 = arith.constant 0 : i32
      %dma_wait3A_58 = arith.constant 0 : i32
      %dma_wait3A_59 = tpu.memref_slice %arg6[%arg0, %dma_wait3A_57, %dma_wait3A_58] : memref<2x10112x128xf32, #tpu.memory_space<hbm>> -> memref<1x10112x128xf32, #tpu.memory_space<hbm>>
      %dma_wait3A_60 = tpu.memref_squeeze %dma_wait3A_59 : memref<1x10112x128xf32, #tpu.memory_space<hbm>> -> memref<10112x128xf32, #tpu.memory_space<hbm>>
      %dma_wait3A_61 = arith.constant 0 : i32
      %dma_wait3A_62 = tpu.memref_slice %dma_wait3A_60[%add3A_29, %dma_wait3A_61] : memref<10112x128xf32, #tpu.memory_space<hbm>> -> memref<128x128xf32, #tpu.memory_space<hbm>>
      %dma_wait3A_63 = arith.constant 0 : i32
      %dma_wait3A_64 = arith.constant 0 : i32
      %dma_wait3A_65 = tpu.memref_slice %arg6[%arg0, %dma_wait3A_63, %dma_wait3A_64] : memref<2x10112x128xf32, #tpu.memory_space<hbm>> -> memref<1x10112x128xf32, #tpu.memory_space<hbm>>
      %dma_wait3A_66 = tpu.memref_squeeze %dma_wait3A_65 : memref<1x10112x128xf32, #tpu.memory_space<hbm>> -> memref<10112x128xf32, #tpu.memory_space<hbm>>
      %dma_wait3A_67 = arith.constant 0 : i32
      %dma_wait3A_68 = tpu.memref_slice %dma_wait3A_66[%add3A_29, %dma_wait3A_67] : memref<10112x128xf32, #tpu.memory_space<hbm>> -> memref<128x128xf32, #tpu.memory_space<hbm>>
      %dma_wait3A_69 = arith.constant 0 : i32
      %dma_wait3A_70 = arith.constant 0 : i32
      %dma_wait3A_71 = tpu.memref_slice %arg10[%dma_wait3A_69, %dma_wait3A_70] : memref<128x128xf32, #tpu.memory_space<vmem>> -> memref<128x128xf32, #tpu.memory_space<vmem>>
      tpu.wait_dma2 semaphore(%run_scoped3A : memref<!tpu.dma_semaphore, #tpu.memory_space<semaphore_mem>>) src(%dma_wait3A_71 : memref<128x128xf32, #tpu.memory_space<vmem>>) dst(%dma_wait3A_68 : memref<128x128xf32, #tpu.memory_space<hbm>>)
      tpu.yield
    }) : () -> ()
    %add3A_30 = arith.constant 128 : i32
    %add3A_31 = arith.addi %mul3A_8, %add3A_30 : i32
    "tpu.region"() ({
      %run_scoped3A = tpu.sem_alloc : memref<!tpu.dma_semaphore, #tpu.memory_space<semaphore_mem>>
      %dma_start3A = arith.constant 0 : i32
      %dma_start3A_38 = arith.constant 0 : i32
      %dma_start3A_39 = tpu.memref_slice %arg10[%dma_start3A, %dma_start3A_38] : memref<128x128xf32, #tpu.memory_space<vmem>> -> memref<128x128xf32, #tpu.memory_space<vmem>>
      %dma_start3A_40 = arith.constant 0 : i32
      %dma_start3A_41 = tpu.memref_slice %arg12[%add3A_31, %dma_start3A_40] : memref<10112x128xf32, #tpu.memory_space<vmem_shared>> -> memref<128x128xf32, #tpu.memory_space<vmem_shared>>
      %dma_start3A_42 = arith.constant 0 : i32
      %dma_start3A_43 = arith.constant 0 : i32
      %dma_start3A_44 = tpu.memref_slice %arg10[%dma_start3A_42, %dma_start3A_43] : memref<128x128xf32, #tpu.memory_space<vmem>> -> memref<128x128xf32, #tpu.memory_space<vmem>>
      %dma_start3A_45 = arith.constant 0 : i32
      %dma_start3A_46 = tpu.memref_slice %arg12[%add3A_31, %dma_start3A_45] : memref<10112x128xf32, #tpu.memory_space<vmem_shared>> -> memref<128x128xf32, #tpu.memory_space<vmem_shared>>
      tpu.enqueue_dma source(%dma_start3A_46 : memref<128x128xf32, #tpu.memory_space<vmem_shared>>) target(%dma_start3A_44 : memref<128x128xf32, #tpu.memory_space<vmem>>) target_semaphore(%run_scoped3A : memref<!tpu.dma_semaphore, #tpu.memory_space<semaphore_mem>>)
      %dma_wait3A = arith.constant 0 : i32
      %dma_wait3A_47 = arith.constant 0 : i32
      %dma_wait3A_48 = tpu.memref_slice %arg10[%dma_wait3A, %dma_wait3A_47] : memref<128x128xf32, #tpu.memory_space<vmem>> -> memref<128x128xf32, #tpu.memory_space<vmem>>
      %dma_wait3A_49 = arith.constant 0 : i32
      %dma_wait3A_50 = tpu.memref_slice %arg12[%add3A_31, %dma_wait3A_49] : memref<10112x128xf32, #tpu.memory_space<vmem_shared>> -> memref<128x128xf32, #tpu.memory_space<vmem_shared>>
      %dma_wait3A_51 = arith.constant 0 : i32
      %dma_wait3A_52 = arith.constant 0 : i32
      %dma_wait3A_53 = tpu.memref_slice %arg10[%dma_wait3A_51, %dma_wait3A_52] : memref<128x128xf32, #tpu.memory_space<vmem>> -> memref<128x128xf32, #tpu.memory_space<vmem>>
      %dma_wait3A_54 = arith.constant 0 : i32
      %dma_wait3A_55 = tpu.memref_slice %arg12[%add3A_31, %dma_wait3A_54] : memref<10112x128xf32, #tpu.memory_space<vmem_shared>> -> memref<128x128xf32, #tpu.memory_space<vmem_shared>>
      tpu.wait_dma2 semaphore(%run_scoped3A : memref<!tpu.dma_semaphore, #tpu.memory_space<semaphore_mem>>) src(%dma_wait3A_55 : memref<128x128xf32, #tpu.memory_space<vmem_shared>>) dst(%dma_wait3A_53 : memref<128x128xf32, #tpu.memory_space<vmem>>)
      tpu.yield
    }) : () -> ()
    "tpu.region"() ({
      %run_scoped3A = tpu.sem_alloc : memref<!tpu.dma_semaphore, #tpu.memory_space<semaphore_mem>>
      %dma_start3A = arith.constant 0 : i32
      %dma_start3A_38 = arith.constant 0 : i32
      %dma_start3A_39 = tpu.memref_slice %arg10[%dma_start3A, %dma_start3A_38] : memref<128x128xf32, #tpu.memory_space<vmem>> -> memref<128x128xf32, #tpu.memory_space<vmem>>
      %dma_start3A_40 = arith.constant 0 : i32
      %dma_start3A_41 = arith.constant 0 : i32
      %dma_start3A_42 = tpu.memref_slice %arg6[%arg0, %dma_start3A_40, %dma_start3A_41] : memref<2x10112x128xf32, #tpu.memory_space<hbm>> -> memref<1x10112x128xf32, #tpu.memory_space<hbm>>
      %dma_start3A_43 = tpu.memref_squeeze %dma_start3A_42 : memref<1x10112x128xf32, #tpu.memory_space<hbm>> -> memref<10112x128xf32, #tpu.memory_space<hbm>>
      %dma_start3A_44 = arith.constant 0 : i32
      %dma_start3A_45 = tpu.memref_slice %dma_start3A_43[%add3A_31, %dma_start3A_44] : memref<10112x128xf32, #tpu.memory_space<hbm>> -> memref<128x128xf32, #tpu.memory_space<hbm>>
      %dma_start3A_46 = arith.constant 0 : i32
      %dma_start3A_47 = arith.constant 0 : i32
      %dma_start3A_48 = tpu.memref_slice %arg6[%arg0, %dma_start3A_46, %dma_start3A_47] : memref<2x10112x128xf32, #tpu.memory_space<hbm>> -> memref<1x10112x128xf32, #tpu.memory_space<hbm>>
      %dma_start3A_49 = tpu.memref_squeeze %dma_start3A_48 : memref<1x10112x128xf32, #tpu.memory_space<hbm>> -> memref<10112x128xf32, #tpu.memory_space<hbm>>
      %dma_start3A_50 = arith.constant 0 : i32
      %dma_start3A_51 = tpu.memref_slice %dma_start3A_49[%add3A_31, %dma_start3A_50] : memref<10112x128xf32, #tpu.memory_space<hbm>> -> memref<128x128xf32, #tpu.memory_space<hbm>>
      %dma_start3A_52 = arith.constant 0 : i32
      %dma_start3A_53 = arith.constant 0 : i32
      %dma_start3A_54 = tpu.memref_slice %arg10[%dma_start3A_52, %dma_start3A_53] : memref<128x128xf32, #tpu.memory_space<vmem>> -> memref<128x128xf32, #tpu.memory_space<vmem>>
      tpu.enqueue_dma source(%dma_start3A_54 : memref<128x128xf32, #tpu.memory_space<vmem>>) target(%dma_start3A_51 : memref<128x128xf32, #tpu.memory_space<hbm>>) target_semaphore(%run_scoped3A : memref<!tpu.dma_semaphore, #tpu.memory_space<semaphore_mem>>)
      %dma_wait3A = arith.constant 0 : i32
      %dma_wait3A_55 = arith.constant 0 : i32
      %dma_wait3A_56 = tpu.memref_slice %arg10[%dma_wait3A, %dma_wait3A_55] : memref<128x128xf32, #tpu.memory_space<vmem>> -> memref<128x128xf32, #tpu.memory_space<vmem>>
      %dma_wait3A_57 = arith.constant 0 : i32
      %dma_wait3A_58 = arith.constant 0 : i32
      %dma_wait3A_59 = tpu.memref_slice %arg6[%arg0, %dma_wait3A_57, %dma_wait3A_58] : memref<2x10112x128xf32, #tpu.memory_space<hbm>> -> memref<1x10112x128xf32, #tpu.memory_space<hbm>>
      %dma_wait3A_60 = tpu.memref_squeeze %dma_wait3A_59 : memref<1x10112x128xf32, #tpu.memory_space<hbm>> -> memref<10112x128xf32, #tpu.memory_space<hbm>>
      %dma_wait3A_61 = arith.constant 0 : i32
      %dma_wait3A_62 = tpu.memref_slice %dma_wait3A_60[%add3A_31, %dma_wait3A_61] : memref<10112x128xf32, #tpu.memory_space<hbm>> -> memref<128x128xf32, #tpu.memory_space<hbm>>
      %dma_wait3A_63 = arith.constant 0 : i32
      %dma_wait3A_64 = arith.constant 0 : i32
      %dma_wait3A_65 = tpu.memref_slice %arg6[%arg0, %dma_wait3A_63, %dma_wait3A_64] : memref<2x10112x128xf32, #tpu.memory_space<hbm>> -> memref<1x10112x128xf32, #tpu.memory_space<hbm>>
      %dma_wait3A_66 = tpu.memref_squeeze %dma_wait3A_65 : memref<1x10112x128xf32, #tpu.memory_space<hbm>> -> memref<10112x128xf32, #tpu.memory_space<hbm>>
      %dma_wait3A_67 = arith.constant 0 : i32
      %dma_wait3A_68 = tpu.memref_slice %dma_wait3A_66[%add3A_31, %dma_wait3A_67] : memref<10112x128xf32, #tpu.memory_space<hbm>> -> memref<128x128xf32, #tpu.memory_space<hbm>>
      %dma_wait3A_69 = arith.constant 0 : i32
      %dma_wait3A_70 = arith.constant 0 : i32
      %dma_wait3A_71 = tpu.memref_slice %arg10[%dma_wait3A_69, %dma_wait3A_70] : memref<128x128xf32, #tpu.memory_space<vmem>> -> memref<128x128xf32, #tpu.memory_space<vmem>>
      tpu.wait_dma2 semaphore(%run_scoped3A : memref<!tpu.dma_semaphore, #tpu.memory_space<semaphore_mem>>) src(%dma_wait3A_71 : memref<128x128xf32, #tpu.memory_space<vmem>>) dst(%dma_wait3A_68 : memref<128x128xf32, #tpu.memory_space<hbm>>)
      tpu.yield
    }) : () -> ()
    %add3A_32 = arith.constant 256 : i32
    %add3A_33 = arith.addi %mul3A_8, %add3A_32 : i32
    "tpu.region"() ({
      %run_scoped3A = tpu.sem_alloc : memref<!tpu.dma_semaphore, #tpu.memory_space<semaphore_mem>>
      %dma_start3A = arith.constant 0 : i32
      %dma_start3A_38 = arith.constant 0 : i32
      %dma_start3A_39 = tpu.memref_slice %arg10[%dma_start3A, %dma_start3A_38] : memref<128x128xf32, #tpu.memory_space<vmem>> -> memref<128x128xf32, #tpu.memory_space<vmem>>
      %dma_start3A_40 = arith.constant 0 : i32
      %dma_start3A_41 = tpu.memref_slice %arg12[%add3A_33, %dma_start3A_40] : memref<10112x128xf32, #tpu.memory_space<vmem_shared>> -> memref<128x128xf32, #tpu.memory_space<vmem_shared>>
      %dma_start3A_42 = arith.constant 0 : i32
      %dma_start3A_43 = arith.constant 0 : i32
      %dma_start3A_44 = tpu.memref_slice %arg10[%dma_start3A_42, %dma_start3A_43] : memref<128x128xf32, #tpu.memory_space<vmem>> -> memref<128x128xf32, #tpu.memory_space<vmem>>
      %dma_start3A_45 = arith.constant 0 : i32
      %dma_start3A_46 = tpu.memref_slice %arg12[%add3A_33, %dma_start3A_45] : memref<10112x128xf32, #tpu.memory_space<vmem_shared>> -> memref<128x128xf32, #tpu.memory_space<vmem_shared>>
      tpu.enqueue_dma source(%dma_start3A_46 : memref<128x128xf32, #tpu.memory_space<vmem_shared>>) target(%dma_start3A_44 : memref<128x128xf32, #tpu.memory_space<vmem>>) target_semaphore(%run_scoped3A : memref<!tpu.dma_semaphore, #tpu.memory_space<semaphore_mem>>)
      %dma_wait3A = arith.constant 0 : i32
      %dma_wait3A_47 = arith.constant 0 : i32
      %dma_wait3A_48 = tpu.memref_slice %arg10[%dma_wait3A, %dma_wait3A_47] : memref<128x128xf32, #tpu.memory_space<vmem>> -> memref<128x128xf32, #tpu.memory_space<vmem>>
      %dma_wait3A_49 = arith.constant 0 : i32
      %dma_wait3A_50 = tpu.memref_slice %arg12[%add3A_33, %dma_wait3A_49] : memref<10112x128xf32, #tpu.memory_space<vmem_shared>> -> memref<128x128xf32, #tpu.memory_space<vmem_shared>>
      %dma_wait3A_51 = arith.constant 0 : i32
      %dma_wait3A_52 = arith.constant 0 : i32
      %dma_wait3A_53 = tpu.memref_slice %arg10[%dma_wait3A_51, %dma_wait3A_52] : memref<128x128xf32, #tpu.memory_space<vmem>> -> memref<128x128xf32, #tpu.memory_space<vmem>>
      %dma_wait3A_54 = arith.constant 0 : i32
      %dma_wait3A_55 = tpu.memref_slice %arg12[%add3A_33, %dma_wait3A_54] : memref<10112x128xf32, #tpu.memory_space<vmem_shared>> -> memref<128x128xf32, #tpu.memory_space<vmem_shared>>
      tpu.wait_dma2 semaphore(%run_scoped3A : memref<!tpu.dma_semaphore, #tpu.memory_space<semaphore_mem>>) src(%dma_wait3A_55 : memref<128x128xf32, #tpu.memory_space<vmem_shared>>) dst(%dma_wait3A_53 : memref<128x128xf32, #tpu.memory_space<vmem>>)
      tpu.yield
    }) : () -> ()
    "tpu.region"() ({
      %run_scoped3A = tpu.sem_alloc : memref<!tpu.dma_semaphore, #tpu.memory_space<semaphore_mem>>
      %dma_start3A = arith.constant 0 : i32
      %dma_start3A_38 = arith.constant 0 : i32
      %dma_start3A_39 = tpu.memref_slice %arg10[%dma_start3A, %dma_start3A_38] : memref<128x128xf32, #tpu.memory_space<vmem>> -> memref<128x128xf32, #tpu.memory_space<vmem>>
      %dma_start3A_40 = arith.constant 0 : i32
      %dma_start3A_41 = arith.constant 0 : i32
      %dma_start3A_42 = tpu.memref_slice %arg6[%arg0, %dma_start3A_40, %dma_start3A_41] : memref<2x10112x128xf32, #tpu.memory_space<hbm>> -> memref<1x10112x128xf32, #tpu.memory_space<hbm>>
      %dma_start3A_43 = tpu.memref_squeeze %dma_start3A_42 : memref<1x10112x128xf32, #tpu.memory_space<hbm>> -> memref<10112x128xf32, #tpu.memory_space<hbm>>
      %dma_start3A_44 = arith.constant 0 : i32
      %dma_start3A_45 = tpu.memref_slice %dma_start3A_43[%add3A_33, %dma_start3A_44] : memref<10112x128xf32, #tpu.memory_space<hbm>> -> memref<128x128xf32, #tpu.memory_space<hbm>>
      %dma_start3A_46 = arith.constant 0 : i32
      %dma_start3A_47 = arith.constant 0 : i32
      %dma_start3A_48 = tpu.memref_slice %arg6[%arg0, %dma_start3A_46, %dma_start3A_47] : memref<2x10112x128xf32, #tpu.memory_space<hbm>> -> memref<1x10112x128xf32, #tpu.memory_space<hbm>>
      %dma_start3A_49 = tpu.memref_squeeze %dma_start3A_48 : memref<1x10112x128xf32, #tpu.memory_space<hbm>> -> memref<10112x128xf32, #tpu.memory_space<hbm>>
      %dma_start3A_50 = arith.constant 0 : i32
      %dma_start3A_51 = tpu.memref_slice %dma_start3A_49[%add3A_33, %dma_start3A_50] : memref<10112x128xf32, #tpu.memory_space<hbm>> -> memref<128x128xf32, #tpu.memory_space<hbm>>
      %dma_start3A_52 = arith.constant 0 : i32
      %dma_start3A_53 = arith.constant 0 : i32
      %dma_start3A_54 = tpu.memref_slice %arg10[%dma_start3A_52, %dma_start3A_53] : memref<128x128xf32, #tpu.memory_space<vmem>> -> memref<128x128xf32, #tpu.memory_space<vmem>>
      tpu.enqueue_dma source(%dma_start3A_54 : memref<128x128xf32, #tpu.memory_space<vmem>>) target(%dma_start3A_51 : memref<128x128xf32, #tpu.memory_space<hbm>>) target_semaphore(%run_scoped3A : memref<!tpu.dma_semaphore, #tpu.memory_space<semaphore_mem>>)
      %dma_wait3A = arith.constant 0 : i32
      %dma_wait3A_55 = arith.constant 0 : i32
      %dma_wait3A_56 = tpu.memref_slice %arg10[%dma_wait3A, %dma_wait3A_55] : memref<128x128xf32, #tpu.memory_space<vmem>> -> memref<128x128xf32, #tpu.memory_space<vmem>>
      %dma_wait3A_57 = arith.constant 0 : i32
      %dma_wait3A_58 = arith.constant 0 : i32
      %dma_wait3A_59 = tpu.memref_slice %arg6[%arg0, %dma_wait3A_57, %dma_wait3A_58] : memref<2x10112x128xf32, #tpu.memory_space<hbm>> -> memref<1x10112x128xf32, #tpu.memory_space<hbm>>
      %dma_wait3A_60 = tpu.memref_squeeze %dma_wait3A_59 : memref<1x10112x128xf32, #tpu.memory_space<hbm>> -> memref<10112x128xf32, #tpu.memory_space<hbm>>
      %dma_wait3A_61 = arith.constant 0 : i32
      %dma_wait3A_62 = tpu.memref_slice %dma_wait3A_60[%add3A_33, %dma_wait3A_61] : memref<10112x128xf32, #tpu.memory_space<hbm>> -> memref<128x128xf32, #tpu.memory_space<hbm>>
      %dma_wait3A_63 = arith.constant 0 : i32
      %dma_wait3A_64 = arith.constant 0 : i32
      %dma_wait3A_65 = tpu.memref_slice %arg6[%arg0, %dma_wait3A_63, %dma_wait3A_64] : memref<2x10112x128xf32, #tpu.memory_space<hbm>> -> memref<1x10112x128xf32, #tpu.memory_space<hbm>>
      %dma_wait3A_66 = tpu.memref_squeeze %dma_wait3A_65 : memref<1x10112x128xf32, #tpu.memory_space<hbm>> -> memref<10112x128xf32, #tpu.memory_space<hbm>>
      %dma_wait3A_67 = arith.constant 0 : i32
      %dma_wait3A_68 = tpu.memref_slice %dma_wait3A_66[%add3A_33, %dma_wait3A_67] : memref<10112x128xf32, #tpu.memory_space<hbm>> -> memref<128x128xf32, #tpu.memory_space<hbm>>
      %dma_wait3A_69 = arith.constant 0 : i32
      %dma_wait3A_70 = arith.constant 0 : i32
      %dma_wait3A_71 = tpu.memref_slice %arg10[%dma_wait3A_69, %dma_wait3A_70] : memref<128x128xf32, #tpu.memory_space<vmem>> -> memref<128x128xf32, #tpu.memory_space<vmem>>
      tpu.wait_dma2 semaphore(%run_scoped3A : memref<!tpu.dma_semaphore, #tpu.memory_space<semaphore_mem>>) src(%dma_wait3A_71 : memref<128x128xf32, #tpu.memory_space<vmem>>) dst(%dma_wait3A_68 : memref<128x128xf32, #tpu.memory_space<hbm>>)
      tpu.yield
    }) : () -> ()
    %add3A_34 = arith.constant 384 : i32
    %add3A_35 = arith.addi %mul3A_8, %add3A_34 : i32
    "tpu.region"() ({
      %run_scoped3A = tpu.sem_alloc : memref<!tpu.dma_semaphore, #tpu.memory_space<semaphore_mem>>
      %dma_start3A = arith.constant 0 : i32
      %dma_start3A_38 = arith.constant 0 : i32
      %dma_start3A_39 = tpu.memref_slice %arg10[%dma_start3A, %dma_start3A_38] : memref<128x128xf32, #tpu.memory_space<vmem>> -> memref<128x128xf32, #tpu.memory_space<vmem>>
      %dma_start3A_40 = arith.constant 0 : i32
      %dma_start3A_41 = tpu.memref_slice %arg12[%add3A_35, %dma_start3A_40] : memref<10112x128xf32, #tpu.memory_space<vmem_shared>> -> memref<128x128xf32, #tpu.memory_space<vmem_shared>>
      %dma_start3A_42 = arith.constant 0 : i32
      %dma_start3A_43 = arith.constant 0 : i32
      %dma_start3A_44 = tpu.memref_slice %arg10[%dma_start3A_42, %dma_start3A_43] : memref<128x128xf32, #tpu.memory_space<vmem>> -> memref<128x128xf32, #tpu.memory_space<vmem>>
      %dma_start3A_45 = arith.constant 0 : i32
      %dma_start3A_46 = tpu.memref_slice %arg12[%add3A_35, %dma_start3A_45] : memref<10112x128xf32, #tpu.memory_space<vmem_shared>> -> memref<128x128xf32, #tpu.memory_space<vmem_shared>>
      tpu.enqueue_dma source(%dma_start3A_46 : memref<128x128xf32, #tpu.memory_space<vmem_shared>>) target(%dma_start3A_44 : memref<128x128xf32, #tpu.memory_space<vmem>>) target_semaphore(%run_scoped3A : memref<!tpu.dma_semaphore, #tpu.memory_space<semaphore_mem>>)
      %dma_wait3A = arith.constant 0 : i32
      %dma_wait3A_47 = arith.constant 0 : i32
      %dma_wait3A_48 = tpu.memref_slice %arg10[%dma_wait3A, %dma_wait3A_47] : memref<128x128xf32, #tpu.memory_space<vmem>> -> memref<128x128xf32, #tpu.memory_space<vmem>>
      %dma_wait3A_49 = arith.constant 0 : i32
      %dma_wait3A_50 = tpu.memref_slice %arg12[%add3A_35, %dma_wait3A_49] : memref<10112x128xf32, #tpu.memory_space<vmem_shared>> -> memref<128x128xf32, #tpu.memory_space<vmem_shared>>
      %dma_wait3A_51 = arith.constant 0 : i32
      %dma_wait3A_52 = arith.constant 0 : i32
      %dma_wait3A_53 = tpu.memref_slice %arg10[%dma_wait3A_51, %dma_wait3A_52] : memref<128x128xf32, #tpu.memory_space<vmem>> -> memref<128x128xf32, #tpu.memory_space<vmem>>
      %dma_wait3A_54 = arith.constant 0 : i32
      %dma_wait3A_55 = tpu.memref_slice %arg12[%add3A_35, %dma_wait3A_54] : memref<10112x128xf32, #tpu.memory_space<vmem_shared>> -> memref<128x128xf32, #tpu.memory_space<vmem_shared>>
      tpu.wait_dma2 semaphore(%run_scoped3A : memref<!tpu.dma_semaphore, #tpu.memory_space<semaphore_mem>>) src(%dma_wait3A_55 : memref<128x128xf32, #tpu.memory_space<vmem_shared>>) dst(%dma_wait3A_53 : memref<128x128xf32, #tpu.memory_space<vmem>>)
      tpu.yield
    }) : () -> ()
    "tpu.region"() ({
      %run_scoped3A = tpu.sem_alloc : memref<!tpu.dma_semaphore, #tpu.memory_space<semaphore_mem>>
      %dma_start3A = arith.constant 0 : i32
      %dma_start3A_38 = arith.constant 0 : i32
      %dma_start3A_39 = tpu.memref_slice %arg10[%dma_start3A, %dma_start3A_38] : memref<128x128xf32, #tpu.memory_space<vmem>> -> memref<128x128xf32, #tpu.memory_space<vmem>>
      %dma_start3A_40 = arith.constant 0 : i32
      %dma_start3A_41 = arith.constant 0 : i32
      %dma_start3A_42 = tpu.memref_slice %arg6[%arg0, %dma_start3A_40, %dma_start3A_41] : memref<2x10112x128xf32, #tpu.memory_space<hbm>> -> memref<1x10112x128xf32, #tpu.memory_space<hbm>>
      %dma_start3A_43 = tpu.memref_squeeze %dma_start3A_42 : memref<1x10112x128xf32, #tpu.memory_space<hbm>> -> memref<10112x128xf32, #tpu.memory_space<hbm>>
      %dma_start3A_44 = arith.constant 0 : i32
      %dma_start3A_45 = tpu.memref_slice %dma_start3A_43[%add3A_35, %dma_start3A_44] : memref<10112x128xf32, #tpu.memory_space<hbm>> -> memref<128x128xf32, #tpu.memory_space<hbm>>
      %dma_start3A_46 = arith.constant 0 : i32
      %dma_start3A_47 = arith.constant 0 : i32
      %dma_start3A_48 = tpu.memref_slice %arg6[%arg0, %dma_start3A_46, %dma_start3A_47] : memref<2x10112x128xf32, #tpu.memory_space<hbm>> -> memref<1x10112x128xf32, #tpu.memory_space<hbm>>
      %dma_start3A_49 = tpu.memref_squeeze %dma_start3A_48 : memref<1x10112x128xf32, #tpu.memory_space<hbm>> -> memref<10112x128xf32, #tpu.memory_space<hbm>>
      %dma_start3A_50 = arith.constant 0 : i32
      %dma_start3A_51 = tpu.memref_slice %dma_start3A_49[%add3A_35, %dma_start3A_50] : memref<10112x128xf32, #tpu.memory_space<hbm>> -> memref<128x128xf32, #tpu.memory_space<hbm>>
      %dma_start3A_52 = arith.constant 0 : i32
      %dma_start3A_53 = arith.constant 0 : i32
      %dma_start3A_54 = tpu.memref_slice %arg10[%dma_start3A_52, %dma_start3A_53] : memref<128x128xf32, #tpu.memory_space<vmem>> -> memref<128x128xf32, #tpu.memory_space<vmem>>
      tpu.enqueue_dma source(%dma_start3A_54 : memref<128x128xf32, #tpu.memory_space<vmem>>) target(%dma_start3A_51 : memref<128x128xf32, #tpu.memory_space<hbm>>) target_semaphore(%run_scoped3A : memref<!tpu.dma_semaphore, #tpu.memory_space<semaphore_mem>>)
      %dma_wait3A = arith.constant 0 : i32
      %dma_wait3A_55 = arith.constant 0 : i32
      %dma_wait3A_56 = tpu.memref_slice %arg10[%dma_wait3A, %dma_wait3A_55] : memref<128x128xf32, #tpu.memory_space<vmem>> -> memref<128x128xf32, #tpu.memory_space<vmem>>
      %dma_wait3A_57 = arith.constant 0 : i32
      %dma_wait3A_58 = arith.constant 0 : i32
      %dma_wait3A_59 = tpu.memref_slice %arg6[%arg0, %dma_wait3A_57, %dma_wait3A_58] : memref<2x10112x128xf32, #tpu.memory_space<hbm>> -> memref<1x10112x128xf32, #tpu.memory_space<hbm>>
      %dma_wait3A_60 = tpu.memref_squeeze %dma_wait3A_59 : memref<1x10112x128xf32, #tpu.memory_space<hbm>> -> memref<10112x128xf32, #tpu.memory_space<hbm>>
      %dma_wait3A_61 = arith.constant 0 : i32
      %dma_wait3A_62 = tpu.memref_slice %dma_wait3A_60[%add3A_35, %dma_wait3A_61] : memref<10112x128xf32, #tpu.memory_space<hbm>> -> memref<128x128xf32, #tpu.memory_space<hbm>>
      %dma_wait3A_63 = arith.constant 0 : i32
      %dma_wait3A_64 = arith.constant 0 : i32
      %dma_wait3A_65 = tpu.memref_slice %arg6[%arg0, %dma_wait3A_63, %dma_wait3A_64] : memref<2x10112x128xf32, #tpu.memory_space<hbm>> -> memref<1x10112x128xf32, #tpu.memory_space<hbm>>
      %dma_wait3A_66 = tpu.memref_squeeze %dma_wait3A_65 : memref<1x10112x128xf32, #tpu.memory_space<hbm>> -> memref<10112x128xf32, #tpu.memory_space<hbm>>
      %dma_wait3A_67 = arith.constant 0 : i32
      %dma_wait3A_68 = tpu.memref_slice %dma_wait3A_66[%add3A_35, %dma_wait3A_67] : memref<10112x128xf32, #tpu.memory_space<hbm>> -> memref<128x128xf32, #tpu.memory_space<hbm>>
      %dma_wait3A_69 = arith.constant 0 : i32
      %dma_wait3A_70 = arith.constant 0 : i32
      %dma_wait3A_71 = tpu.memref_slice %arg10[%dma_wait3A_69, %dma_wait3A_70] : memref<128x128xf32, #tpu.memory_space<vmem>> -> memref<128x128xf32, #tpu.memory_space<vmem>>
      tpu.wait_dma2 semaphore(%run_scoped3A : memref<!tpu.dma_semaphore, #tpu.memory_space<semaphore_mem>>) src(%dma_wait3A_71 : memref<128x128xf32, #tpu.memory_space<vmem>>) dst(%dma_wait3A_68 : memref<128x128xf32, #tpu.memory_space<hbm>>)
      tpu.yield
    }) : () -> ()
    %add3A_36 = arith.constant 512 : i32
    %add3A_37 = arith.addi %mul3A_8, %add3A_36 : i32
    "tpu.region"() ({
      %run_scoped3A = tpu.sem_alloc : memref<!tpu.dma_semaphore, #tpu.memory_space<semaphore_mem>>
      %dma_start3A = arith.constant 0 : i32
      %dma_start3A_38 = arith.constant 0 : i32
      %dma_start3A_39 = tpu.memref_slice %arg10[%dma_start3A, %dma_start3A_38] : memref<128x128xf32, #tpu.memory_space<vmem>> -> memref<120x128xf32, #tpu.memory_space<vmem>>
      %dma_start3A_40 = arith.constant 0 : i32
      %dma_start3A_41 = tpu.memref_slice %arg12[%add3A_37, %dma_start3A_40] : memref<10112x128xf32, #tpu.memory_space<vmem_shared>> -> memref<120x128xf32, #tpu.memory_space<vmem_shared>>
      %dma_start3A_42 = arith.constant 0 : i32
      %dma_start3A_43 = arith.constant 0 : i32
      %dma_start3A_44 = tpu.memref_slice %arg10[%dma_start3A_42, %dma_start3A_43] : memref<128x128xf32, #tpu.memory_space<vmem>> -> memref<120x128xf32, #tpu.memory_space<vmem>>
      %dma_start3A_45 = arith.constant 0 : i32
      %dma_start3A_46 = tpu.memref_slice %arg12[%add3A_37, %dma_start3A_45] : memref<10112x128xf32, #tpu.memory_space<vmem_shared>> -> memref<120x128xf32, #tpu.memory_space<vmem_shared>>
      tpu.enqueue_dma source(%dma_start3A_46 : memref<120x128xf32, #tpu.memory_space<vmem_shared>>) target(%dma_start3A_44 : memref<120x128xf32, #tpu.memory_space<vmem>>) target_semaphore(%run_scoped3A : memref<!tpu.dma_semaphore, #tpu.memory_space<semaphore_mem>>)
      %dma_wait3A = arith.constant 0 : i32
      %dma_wait3A_47 = arith.constant 0 : i32
      %dma_wait3A_48 = tpu.memref_slice %arg10[%dma_wait3A, %dma_wait3A_47] : memref<128x128xf32, #tpu.memory_space<vmem>> -> memref<120x128xf32, #tpu.memory_space<vmem>>
      %dma_wait3A_49 = arith.constant 0 : i32
      %dma_wait3A_50 = tpu.memref_slice %arg12[%add3A_37, %dma_wait3A_49] : memref<10112x128xf32, #tpu.memory_space<vmem_shared>> -> memref<120x128xf32, #tpu.memory_space<vmem_shared>>
      %dma_wait3A_51 = arith.constant 0 : i32
      %dma_wait3A_52 = arith.constant 0 : i32
      %dma_wait3A_53 = tpu.memref_slice %arg10[%dma_wait3A_51, %dma_wait3A_52] : memref<128x128xf32, #tpu.memory_space<vmem>> -> memref<120x128xf32, #tpu.memory_space<vmem>>
      %dma_wait3A_54 = arith.constant 0 : i32
      %dma_wait3A_55 = tpu.memref_slice %arg12[%add3A_37, %dma_wait3A_54] : memref<10112x128xf32, #tpu.memory_space<vmem_shared>> -> memref<120x128xf32, #tpu.memory_space<vmem_shared>>
      tpu.wait_dma2 semaphore(%run_scoped3A : memref<!tpu.dma_semaphore, #tpu.memory_space<semaphore_mem>>) src(%dma_wait3A_55 : memref<120x128xf32, #tpu.memory_space<vmem_shared>>) dst(%dma_wait3A_53 : memref<120x128xf32, #tpu.memory_space<vmem>>)
      tpu.yield
    }) : () -> ()
    "tpu.region"() ({
      %run_scoped3A = tpu.sem_alloc : memref<!tpu.dma_semaphore, #tpu.memory_space<semaphore_mem>>
      %dma_start3A = arith.constant 0 : i32
      %dma_start3A_38 = arith.constant 0 : i32
      %dma_start3A_39 = tpu.memref_slice %arg10[%dma_start3A, %dma_start3A_38] : memref<128x128xf32, #tpu.memory_space<vmem>> -> memref<120x128xf32, #tpu.memory_space<vmem>>
      %dma_start3A_40 = arith.constant 0 : i32
      %dma_start3A_41 = arith.constant 0 : i32
      %dma_start3A_42 = tpu.memref_slice %arg6[%arg0, %dma_start3A_40, %dma_start3A_41] : memref<2x10112x128xf32, #tpu.memory_space<hbm>> -> memref<1x10112x128xf32, #tpu.memory_space<hbm>>
      %dma_start3A_43 = tpu.memref_squeeze %dma_start3A_42 : memref<1x10112x128xf32, #tpu.memory_space<hbm>> -> memref<10112x128xf32, #tpu.memory_space<hbm>>
      %dma_start3A_44 = arith.constant 0 : i32
      %dma_start3A_45 = tpu.memref_slice %dma_start3A_43[%add3A_37, %dma_start3A_44] : memref<10112x128xf32, #tpu.memory_space<hbm>> -> memref<120x128xf32, #tpu.memory_space<hbm>>
      %dma_start3A_46 = arith.constant 0 : i32
      %dma_start3A_47 = arith.constant 0 : i32
      %dma_start3A_48 = tpu.memref_slice %arg6[%arg0, %dma_start3A_46, %dma_start3A_47] : memref<2x10112x128xf32, #tpu.memory_space<hbm>> -> memref<1x10112x128xf32, #tpu.memory_space<hbm>>
      %dma_start3A_49 = tpu.memref_squeeze %dma_start3A_48 : memref<1x10112x128xf32, #tpu.memory_space<hbm>> -> memref<10112x128xf32, #tpu.memory_space<hbm>>
      %dma_start3A_50 = arith.constant 0 : i32
      %dma_start3A_51 = tpu.memref_slice %dma_start3A_49[%add3A_37, %dma_start3A_50] : memref<10112x128xf32, #tpu.memory_space<hbm>> -> memref<120x128xf32, #tpu.memory_space<hbm>>
      %dma_start3A_52 = arith.constant 0 : i32
      %dma_start3A_53 = arith.constant 0 : i32
      %dma_start3A_54 = tpu.memref_slice %arg10[%dma_start3A_52, %dma_start3A_53] : memref<128x128xf32, #tpu.memory_space<vmem>> -> memref<120x128xf32, #tpu.memory_space<vmem>>
      tpu.enqueue_dma source(%dma_start3A_54 : memref<120x128xf32, #tpu.memory_space<vmem>>) target(%dma_start3A_51 : memref<120x128xf32, #tpu.memory_space<hbm>>) target_semaphore(%run_scoped3A : memref<!tpu.dma_semaphore, #tpu.memory_space<semaphore_mem>>)
      %dma_wait3A = arith.constant 0 : i32
      %dma_wait3A_55 = arith.constant 0 : i32
      %dma_wait3A_56 = tpu.memref_slice %arg10[%dma_wait3A, %dma_wait3A_55] : memref<128x128xf32, #tpu.memory_space<vmem>> -> memref<120x128xf32, #tpu.memory_space<vmem>>
      %dma_wait3A_57 = arith.constant 0 : i32
      %dma_wait3A_58 = arith.constant 0 : i32
      %dma_wait3A_59 = tpu.memref_slice %arg6[%arg0, %dma_wait3A_57, %dma_wait3A_58] : memref<2x10112x128xf32, #tpu.memory_space<hbm>> -> memref<1x10112x128xf32, #tpu.memory_space<hbm>>
      %dma_wait3A_60 = tpu.memref_squeeze %dma_wait3A_59 : memref<1x10112x128xf32, #tpu.memory_space<hbm>> -> memref<10112x128xf32, #tpu.memory_space<hbm>>
      %dma_wait3A_61 = arith.constant 0 : i32
      %dma_wait3A_62 = tpu.memref_slice %dma_wait3A_60[%add3A_37, %dma_wait3A_61] : memref<10112x128xf32, #tpu.memory_space<hbm>> -> memref<120x128xf32, #tpu.memory_space<hbm>>
      %dma_wait3A_63 = arith.constant 0 : i32
      %dma_wait3A_64 = arith.constant 0 : i32
      %dma_wait3A_65 = tpu.memref_slice %arg6[%arg0, %dma_wait3A_63, %dma_wait3A_64] : memref<2x10112x128xf32, #tpu.memory_space<hbm>> -> memref<1x10112x128xf32, #tpu.memory_space<hbm>>
      %dma_wait3A_66 = tpu.memref_squeeze %dma_wait3A_65 : memref<1x10112x128xf32, #tpu.memory_space<hbm>> -> memref<10112x128xf32, #tpu.memory_space<hbm>>
      %dma_wait3A_67 = arith.constant 0 : i32
      %dma_wait3A_68 = tpu.memref_slice %dma_wait3A_66[%add3A_37, %dma_wait3A_67] : memref<10112x128xf32, #tpu.memory_space<hbm>> -> memref<120x128xf32, #tpu.memory_space<hbm>>
      %dma_wait3A_69 = arith.constant 0 : i32
      %dma_wait3A_70 = arith.constant 0 : i32
      %dma_wait3A_71 = tpu.memref_slice %arg10[%dma_wait3A_69, %dma_wait3A_70] : memref<128x128xf32, #tpu.memory_space<vmem>> -> memref<120x128xf32, #tpu.memory_space<vmem>>
      tpu.wait_dma2 semaphore(%run_scoped3A : memref<!tpu.dma_semaphore, #tpu.memory_space<semaphore_mem>>) src(%dma_wait3A_71 : memref<120x128xf32, #tpu.memory_space<vmem>>) dst(%dma_wait3A_68 : memref<120x128xf32, #tpu.memory_space<hbm>>)
      tpu.yield
    }) : () -> ()
    return
  }
}

module attributes {stable_mosaic.version = 14 : i64} {
  func.func @body(%arg0: memref<2x10112x128xf32, #tpu.memory_space<vmem>>, %arg1: memref<128x128xf32, #tpu.memory_space<vmem>>, %arg2: memref<1x128xf32, #tpu.memory_space<vmem>>, %arg3: memref<1x128xf32, #tpu.memory_space<vmem>>, %arg4: memref<1x128xf32, #tpu.memory_space<vmem>>, %arg5: memref<10000x128xf32, #tpu.memory_space<vmem>>) attributes {dimension_semantics = [], scalar_prefetch = 0 : i64, scratch_operands = 0 : i64, tpu.core_type = #tpu.core_type<tc>} {
    %get3A = arith.constant 0 : index
    %get3A_0 = arith.constant 0 : index
    %get3A_1 = arith.constant 0 : index
    %get3A_2 = vector.load %arg0[%get3A, %get3A_0, %get3A_1] : memref<2x10112x128xf32, #tpu.memory_space<vmem>>, vector<1x10000x128xf32>
    %get3A_3 = vector.shape_cast %get3A_2 : vector<1x10000x128xf32> to vector<10000x128xf32>
    %get3A_4 = arith.constant 1 : index
    %get3A_5 = arith.constant 0 : index
    %get3A_6 = arith.constant 0 : index
    %get3A_7 = vector.load %arg0[%get3A_4, %get3A_5, %get3A_6] : memref<2x10112x128xf32, #tpu.memory_space<vmem>>, vector<1x10000x128xf32>
    %get3A_8 = vector.shape_cast %get3A_7 : vector<1x10000x128xf32> to vector<10000x128xf32>
    %add3A = arith.addf %get3A_3, %get3A_8 : vector<10000x128xf32>
    %get3A_9 = arith.constant 0 : index
    %get3A_10 = arith.constant 0 : index
    %get3A_11 = vector.load %arg1[%get3A_9, %get3A_10] : memref<128x128xf32, #tpu.memory_space<vmem>>, vector<128x128xf32>
    %dot_general3A = arith.constant dense<0.000000e+00> : vector<10000x128xf32>
    %dot_general3A_12 = tpu.matmul %add3A, %get3A_11, %dot_general3A {dimension_numbers = #tpu.dot_dimension_numbers<[1], [1], [0], [0], [0, 0, 1, 0], [], []>, transpose_lhs_hint = false} : vector<10000x128xf32>, vector<128x128xf32>, vector<10000x128xf32> -> vector<10000x128xf32>
    %get3A_13 = arith.constant 0 : index
    %get3A_14 = arith.constant 0 : index
    %get3A_15 = vector.load %arg2[%get3A_13, %get3A_14] : memref<1x128xf32, #tpu.memory_space<vmem>>, vector<1x128xf32>
    %add3A_16 = vector.broadcast %get3A_15 : vector<1x128xf32> to vector<10000x128xf32>
    %add3A_17 = arith.addf %dot_general3A_12, %add3A_16 : vector<10000x128xf32>
    %gt3A = arith.constant 0.000000e+00 : f32
    %gt3A_18 = vector.broadcast %gt3A : f32 to vector<10000x128xf32>
    %gt3A_19 = arith.cmpf ogt, %add3A_17, %gt3A_18 : vector<10000x128xf32>
    %exp3A = math.exp %add3A_17 : vector<10000x128xf32>
    %sub3A = arith.constant 1.000000e+00 : f32
    %sub3A_20 = vector.broadcast %sub3A : f32 to vector<10000x128xf32>
    %sub3A_21 = arith.subf %exp3A, %sub3A_20 : vector<10000x128xf32>
    %select_n3A = arith.select %gt3A_19, %add3A_17, %sub3A_21 : vector<10000x128xi1>, vector<10000x128xf32>
    %reduce_sum3A = arith.constant dense<0.000000e+00> : vector<10000xf32>
    %reduce_sum3A_22 = vector.multi_reduction <add>, %select_n3A, %reduce_sum3A [1] : vector<10000x128xf32> to vector<10000xf32>
    %broadcast_in_dim3A = vector.shape_cast %reduce_sum3A_22 : vector<10000xf32> to vector<10000x1xf32>
    %div3A = arith.constant 1.280000e+02 : f32
    %div3A_23 = vector.broadcast %div3A : f32 to vector<10000x1xf32>
    %div3A_24 = arith.divf %broadcast_in_dim3A, %div3A_23 : vector<10000x1xf32>
    %sub3A_25 = vector.broadcast %div3A_24 : vector<10000x1xf32> to vector<10000x128xf32>
    %sub3A_26 = arith.subf %select_n3A, %sub3A_25 : vector<10000x128xf32>
    %mul3A = arith.mulf %sub3A_26, %sub3A_26 : vector<10000x128xf32>
    %reduce_sum3A_27 = arith.constant dense<0.000000e+00> : vector<10000xf32>
    %reduce_sum3A_28 = vector.multi_reduction <add>, %mul3A, %reduce_sum3A_27 [1] : vector<10000x128xf32> to vector<10000xf32>
    %broadcast_in_dim3A_29 = vector.shape_cast %reduce_sum3A_28 : vector<10000xf32> to vector<10000x1xf32>
    %div3A_30 = arith.constant 1.280000e+02 : f32
    %div3A_31 = vector.broadcast %div3A_30 : f32 to vector<10000x1xf32>
    %div3A_32 = arith.divf %broadcast_in_dim3A_29, %div3A_31 : vector<10000x1xf32>
    %add3A_33 = arith.constant 9.99999971E-10 : f32
    %add3A_34 = vector.broadcast %add3A_33 : f32 to vector<10000x1xf32>
    %add3A_35 = arith.addf %div3A_32, %add3A_34 : vector<10000x1xf32>
    %get3A_36 = arith.constant 0 : index
    %get3A_37 = arith.constant 0 : index
    %get3A_38 = vector.load %arg3[%get3A_36, %get3A_37] : memref<1x128xf32, #tpu.memory_space<vmem>>, vector<1x128xf32>
    %mul3A_39 = vector.broadcast %get3A_38 : vector<1x128xf32> to vector<10000x128xf32>
    %mul3A_40 = arith.mulf %sub3A_26, %mul3A_39 : vector<10000x128xf32>
    %rsqrt3A = math.rsqrt %add3A_35 : vector<10000x1xf32>
    %mul3A_41 = vector.broadcast %rsqrt3A : vector<10000x1xf32> to vector<10000x128xf32>
    %mul3A_42 = arith.mulf %mul3A_40, %mul3A_41 : vector<10000x128xf32>
    %get3A_43 = arith.constant 0 : index
    %get3A_44 = arith.constant 0 : index
    %get3A_45 = vector.load %arg4[%get3A_43, %get3A_44] : memref<1x128xf32, #tpu.memory_space<vmem>>, vector<1x128xf32>
    %add3A_46 = vector.broadcast %get3A_45 : vector<1x128xf32> to vector<10000x128xf32>
    %add3A_47 = arith.addf %mul3A_42, %add3A_46 : vector<10000x128xf32>
    %swap3A = arith.constant 0 : index
    %swap3A_48 = arith.constant 0 : index
    %swap3A_49 = vector.load %arg5[%swap3A, %swap3A_48] : memref<10000x128xf32, #tpu.memory_space<vmem>>, vector<10000x128xf32>
    tpu.vector_store %arg5[%swap3A, %swap3A_48], %add3A_47 {strides = array<i32>} : memref<10000x128xf32, #tpu.memory_space<vmem>>, vector<10000x128xf32>,
    return
  }
}

</mosaic_0001>

<sc_bundles>
// kernel: kernel.4.cloned.1.call-start
scs
__scs_entry_jumppad:
0x0: {  	(pc) =	sbr.rel $0x88, $3  }
0x1: {  	(tag) =	ssettag $0x0;
	lr =	simm.s32 $0x1  }
0x2: {  	[smem:$0x3F9A] =	sst lr;
	_ =	strace $0xD0000000  }
0x3: {  	_ = 	snop  }
0x4: {  	_ = 	snop  }
0x5: {  	_ = 	snop  }
0x6: {  	_ = 	snop  }
0x7: {  	_ = 	snop  }
__scs_overlays_trampoline_lowered:
0x8: {  	[smem:$0x3FA9] =	sst s0  }
0x9: {  	[smem:$0x3FAA] =	sst s1  }
0xa: {  	[smem:$0x3FAB] =	sst s2  }
0xb: {  	[smem:$0x3FAC] =	sst s3  }
0xc: {  	[smem:$0x3FAD] =	sst s4  }
0xd: {  	[smem:$0x3FAE] =	sst s5  }
0xe: {  	[smem:$0x3FAF] =	sst s6  }
0xf: {  	[smem:$0x3FB0] =	sst s7  }
0x10: {  	[smem:$0x3FB1] =	sst s8  }
0x11: {  	[smem:$0x3FB2] =	sst s9;
	s0 =	simm.s32 @!p0 $0x0  }
0x12: {  	s1 =	sld [smem:$0x3F98];
	s0 =	simm.s32 @p0 $0x1  }
0x13: {  	[smem:$0x3FB3] =	sst s0;
	s0 =	simm.s32 @!p1 $0x0  }
0x14: {  	s2 =	sld [smem:$0x3F97];
	s0 =	simm.s32 @p1 $0x1  }
0x15: {  	[smem:$0x3FB4] =	sst s0;
	s0 =	simm.s32 @!p2 $0x0  }
0x16: {  	s3 =	sld [smem:$0x3FDB];
	s0 =	simm.s32 @p2 $0x1  }
0x17: {  	s4 =	simm.s32 $0x1BF5;
	[smem:$0x3FB6] =	sst s0  }
0x18: {  	s0 =	sld [smem:$0x3F99];
	_ =	swait.ge [sflag:s4], $0x0  }
0x19: {  	s7 =	sld [smem:$0x3F9A]  }
0x1a: {  	s8 =	sadd.s32 $0xFFFFE003, lr  }
0x1b: {  	s9 =	sadd.s32 $0xFFFFFEF7, lr;
	s5 =	simm.s32 $0xFFFFFFFF;
	p2 =	slt.u32 s8, $0xFFFFF086  }
0x1c: {  	p1 =	slt.u32 s9, $0xF7A;
	s5 =	simm.s32 @!p2 $0x0  }
0x1d: {  	s5 =	simm.s32 @p1 $0x1;
	p0 =	seq.s32 s7, s2  }
0x1e: {  	s7 =	smul.u32 @!p0 $0xF7A, s2;
	p2 =	seq.s32 @!p0 s5, $0x0  }
0x1f: {  	s9 =	smul.u32 $0xF7A, s1;
	s8 =	simm.s32 @!p0 $0x1BF5;
	p2 =	por !p2, p0  }
0x20: {  	[sflag:s8] =	ssyncset.s32 @!p0 $0xFFFFF086;
	s6 =	sadd.s32 @!p0 s3, s7;
	s7 =	simm.s32 @!p0 $0x108  }
0x21: {  	s3 =	sadd.s32 s3, s9;
	s6 =	sadd.s32 @!p0 $0x88, s6;
	s7 =	simm.s32 @p2 $0x1082  }
0x22: {  	[simem:s7], [sflag:s8] =	dma.local @!p0 [hbm:s6], $0xF7A  }
0x23: {  	s9 =	sor.u32 $0xD0000000, s2;
	s6 =	simm.s32 $0x108;
	_ =	swait.ge @!p0 [sflag:s8], $0x0  }
0x24: {  	s3 =	sadd.s32 $0x88, s3;
	s6 =	simm.s32 @!p1 $0x1082;
	[sflag:s4] =	ssyncset.s32 $0xFFFFF086  }
0x25: {  	[simem:s6], [sflag:s4] =	dma.local [hbm:s3], $0xF7A  }
0x26: {  	[smem:$0x3F9A] =	sst s1;
	(tag) =	ssettag s2;
	_ =	strace s9  }
0x27: {  	s1 =	sld [smem:$0x3FAA]  }
0x28: {  	s2 =	sld [smem:$0x3FAB]  }
0x29: {  	s4 =	sld [smem:$0x3FAD]  }
0x2a: {  	p0 =	seq.s32 s5, $0x0;
	s5 =	sld [smem:$0x3FAE]  }
0x2b: {  	s6 =	sld [smem:$0x3FAF]  }
0x2c: {  	s7 =	sld [smem:$0x3FB0]  }
0x2d: {  	s3 =	simm.s32 $0x108;
	s8 =	sld [smem:$0x3FB1]  }
0x2e: {  	s3 =	simm.s32 @!p0 $0x1082;
	s9 =	sld [smem:$0x3FB2]  }
0x2f: {  	lr =	sadd.s32 s0, s3;
	s0 =	sld [smem:$0x3FA9]  }
0x30: {  	s3 =	sld [smem:$0x3FAC]  }
0x31: {  	[smem:$0x3FB5] =	sst s10  }
0x32: {  	s10 =	sld [smem:$0x3FB3];
	_ =	sdelay $0x3  }
0x33: {  	p0 =	seq.s32 s10, $0x1;
	s10 =	sld [smem:$0x3FB5];
	_ =	sdelay $0x3  }
0x34: {  	[smem:$0x3FB5] =	sst s10  }
0x35: {  	s10 =	sld [smem:$0x3FB4];
	_ =	sdelay $0x3  }
0x36: {  	p1 =	seq.s32 s10, $0x1;
	s10 =	sld [smem:$0x3FB5];
	_ =	sdelay $0x3  }
0x37: {  	[smem:$0x3FB5] =	sst s10  }
0x38: {  	s10 =	sld [smem:$0x3FB6]  }
0x39: {  	_ = 	snop;
	(pc) =	sbr.ind lr, $3  }
0x3a: {  	_ = 	snop  }
0x3b: {  	_ = 	snop  }
0x3c: {  	p2 =	seq.s32 s10, $0x1;
	s10 =	sld [smem:$0x3FB5]  }
0x3d: {  	_ =	shalt  }
0x3e: {  	_ =	shalt  }
0x3f: {  	_ =	shalt  }
0x40: {  	_ =	shalt  }
0x41: {  	_ =	shalt  }
0x42: {  	_ =	shalt  }
0x43: {  	_ =	shalt  }
0x44: {  	_ =	shalt  }
0x45: {  	_ =	shalt  }
0x46: {  	_ =	shalt  }
0x47: {  	_ =	shalt  }
0x48: {  	_ =	shalt  }
0x49: {  	_ =	shalt  }
0x4a: {  	_ =	shalt  }
0x4b: {  	_ =	shalt  }
0x4c: {  	_ =	shalt  }
0x4d: {  	_ =	shalt  }
0x4e: {  	_ =	shalt  }
0x4f: {  	_ =	shalt  }
0x50: {  	_ =	shalt  }
0x51: {  	_ =	shalt  }
0x52: {  	_ =	shalt  }
0x53: {  	_ =	shalt  }
0x54: {  	_ =	shalt  }
0x55: {  	_ =	shalt  }
0x56: {  	_ =	shalt  }
0x57: {  	_ =	shalt  }
0x58: {  	_ =	shalt  }
0x59: {  	_ =	shalt  }
0x5a: {  	_ =	shalt  }
0x5b: {  	_ =	shalt  }
0x5c: {  	_ =	shalt  }
0x5d: {  	_ =	shalt  }
0x5e: {  	_ =	shalt  }
0x5f: {  	_ =	shalt  }
0x60: {  	_ =	shalt  }
0x61: {  	_ =	shalt  }
0x62: {  	_ =	shalt  }
0x63: {  	_ =	shalt  }
0x64: {  	_ =	shalt  }
0x65: {  	_ =	shalt  }
0x66: {  	_ =	shalt  }
0x67: {  	_ =	shalt  }
0x68: {  	_ =	shalt  }
0x69: {  	_ =	shalt  }
0x6a: {  	_ =	shalt  }
0x6b: {  	_ =	shalt  }
0x6c: {  	_ =	shalt  }
0x6d: {  	_ =	shalt  }
0x6e: {  	_ =	shalt  }
0x6f: {  	_ =	shalt  }
0x70: {  	_ =	shalt  }
0x71: {  	_ =	shalt  }
0x72: {  	_ =	shalt  }
0x73: {  	_ =	shalt  }
0x74: {  	_ =	shalt  }
0x75: {  	_ =	shalt  }
0x76: {  	_ =	shalt  }
0x77: {  	_ =	shalt  }
0x78: {  	_ =	shalt  }
0x79: {  	_ =	shalt  }
0x7a: {  	_ =	shalt  }
0x7b: {  	_ =	shalt  }
0x7c: {  	_ =	shalt  }
0x7d: {  	_ =	shalt  }
0x7e: {  	_ =	shalt  }
0x7f: {  	_ =	shalt  }
0x80: {  	_ =	shalt  }
0x81: {  	_ =	shalt  }
0x82: {  	_ =	shalt  }
0x83: {  	_ =	shalt  }
0x84: {  	_ =	shalt  }
0x85: {  	_ =	shalt  }
0x86: {  	_ =	shalt  }
0x87: {  	_ =	shalt  }
.Lfunc_end0:
.L_simem_size_0:
called_computation_lowered:
.L_overlay_start_0:
0x88: {  	s2 =	sld [smem:$0x3FD9]  }
0x89: {  	s3 =	sld [smem:$0x3FFE];
	_ =	sdelay $0x1  }
0x8a: {  	s1 =	srdreg.scid  }
0x8b: {  	s0 =	sand.u32 $0x1, s1  }
0x8c: {  	s17 =	sshll.u32 s0, $0xA;
	s2 =	sadd.s32 s3, s2  }
0x8d: {  	s2 =	sadd.s32 s2, s17  }
0x8e: {  	[smem:$0x3FC1] =	sst s2  }
0x8f: {  	_ = 	snop  }
0x90: {  	s2 =	sld [smem:$0x3FC9]  }
0x91: {  	s18 =	sld [smem:$0x3FD0];
	(tm) =	ssettm $0x1  }
0x92: {  	s4 =	sld [smem:$0x3FFB];
	_ =	sdelay $0x3  }
0x93: {  	_ =	strace s4  }
0x94: {  	s4 =	sld [smem:$0x3FFC];
	_ =	sdelay $0x3  }
0x95: {  	_ =	strace s4  }
0x96: {  	s4 =	sld [smem:$0x3FFD];
	_ =	sdelay $0x3  }
0x97: {  	_ =	strace s4  }
0x98: {  	_ =	strace $0x8FFFFFFF  }
0x99: {  	s19 =	sld [smem:$0x3FDB];
	_ =	sdelay $0x1  }
0x9a: {  	s5 =	simm.s32 $_scs_section_size  }
0x9b: {  	s6 =	simm.s32 $_size__tile_overlayer_lowered;
	s7 =	simm.s32 $_tile_overlayer_lowered  }
0x9c: {  	s22 =	simm.s32 $0x1BFF;
	s21 =	sshll.u32 s7, $0x1;
	s4 =	sadd.s32 s5, s19  }
0x9d: {  	s8 =	simm.s32 $0x0;
	s20 =	sshll.u32 s6, $0x1;
	s6 =	sadd.s32 s21, s4  }
0x9e: {  	[timem:s8], [sflag:s22] =	dma.local [hbm:s6], s20  }
0x9f: {  	_ =	swait.ge [sflag:s22], s20  }
0xa0: {  	s5 =	ssub.s32 $0x0, s20;
	[sflag:s22] =	ssyncset.done $0x0  }
0xa1: {  	[sflag:s22] =	ssyncadd.s32 s5;
	_ =	sdelay $0x1  }
0xa2: {  	s23 =	simm.s32 $0x1B8B  }
0xa3: {  	_ =	swait.ge [sflag:s23], $0x1  }
0xa4: {  	[sflag:s23] =	ssyncset.done $0x0  }
0xa5: {  	s25 =	simm.s32 $0x1B8E;
	s24 =	sld [smem:$0x3FFE];
	[sflag:s23] =	ssyncadd.s32 $0xFFFFFFFF  }
0xa6: {  	s26 =	simm.s32 $execute0_lowered;
	[smem:$0x3FD2] =	sst s25  }
0xa7: {  	s6 =	sshll.u32 s26, $0x1;
	_ =	strace $0x80000046;
	[dreg:$0x1] =	wrdreg $0xFFFFFFFF  }
0xa8: {  	s28 =	simm.s32 $_size_execute0_lowered;
	s4 =	sadd.s32 s4, s6;
	[dreg:$0x0] =	wrdreg $0x0  }
0xa9: {  	s6 =	sshll.u32 s28, $0x1;
	[dreg:$0x2] =	wrdreg s4  }
0xaa: {  	[dreg:$0x3] =	wrdreg s6  }
0xab: {  	[dreg:$0x4] =	wrdreg $0xC0  }
0xac: {  	_ =	task [dreg:s8], $0x5FFFF  }
0xad: {  	[dreg:$0x1] =	wrdreg $0xFFFFFFFF  }
0xae: {  	[dreg:$0x0] =	wrdreg $0x60  }
0xaf: {  	[dreg:$0x2] =	wrdreg s2  }
0xb0: {  	[dreg:$0x3] =	wrdreg s24  }
0xb1: {  	[dreg:$0x4] =	wrdreg s18  }
0xb2: {  	[dreg:$0x5] =	wrdreg $0xB8000  }
0xb3: {  	[dreg:$0x6] =	wrdreg $0x9  }
0xb4: {  	_ =	task.clear_ibuf [dreg:s8], $0x7FFFF;
	_ =	strace $0x90000046  }
0xb5: {  	s29 =	simm.s32 $0x9;
	_ =	strace $0x80000048  }
0xb6: {  	_ =	swait.ge [sflag:s29], $0x1  }
0xb7: {  	[sflag:s29] =	ssyncadd.s32 $0xFFFFFFFF  }
0xb8: {  	_ =	strace $0x90000048  }
0xb9: {  	_ =	sfence  }
0xba: {  	s30 =	sld [smem:$0x0];
	_ =	sdelay $0x2  }
0xbb: {  	s31 =	sshll.u32 s1, $0xD;
	s1 =	sshrl.u32 s1, $0x2  }
0xbc: {  	s3 =	sand.u32 $0x4000, s31;
	s1 =	sadd.s32 s1, s30  }
0xbd: {  	s0 =	sor.u32 s3, s0;
	s1 =	sshll.u32 s1, $0x11  }
0xbe: {  	s0 =	sor.u32 s1, s0  }
0xbf: {  	s0 =	sadd.s32 $0x8F2B, s0  }
0xc0: {  	[sflag:s0] =	ssyncadd.remote.s32 $0x1  }
0xc1: {  	_ =	sfence.sel $0xFFFF  }
0xc2: {  	[dreg:$0x0] =	wrdreg $0xFFFFFFFF;
	(pc) =	sbr.abs _section_cstart, $3  }
0xc3: {  	[dreg:$0x1] =	wrdreg $0xFFFFFFFF  }
0xc4: {  	_ =	task.clear_ibuf [dreg:s8], $0x2FFFF;
	_ =	strace $0x9FFFFFFF  }
0xc5: {  	(tm) =	ssettm $0x7FFFFFFF  }
tec
execute0_lowered:
.L_overlay_start_1:
0x0: {  	(tag) =	ssettag $0x1  }
0x1: {  	s1 =	rddreg [dreg:$0x0]  }
0x2: {  	s5 =	rddreg [dreg:$0x1];
	s2 =	srdreg.scid  }
0x3: {  	s0 =	stileid.u32;
	s11 =	rddreg [dreg:$0x2]  }
0x4: {  	s3 =	rddreg [dreg:$0x3];
	s8 =	smul.u32 $0x278, s0  }
0x5: {  	s4 =	simm.s32 $0x0;
	s6 =	sand.u32 $0x1, s2;
	s9 =	smul.u32 $0x4F000, s0  }
0x6: {  	s23 =	sshll.u32 s0, $0x1;
	s2 =	rddreg [dreg:$0x4];
	s20 =	smul.u32 $0x2780, s0  }
0x7: {  	[smem:$0x7FF] =	sst s4;
	s7 =	sor.u32 s6, s23;
	s24 =	smul.u32 $0x27800, s6  }
0x8: {  	_ =	strace $0x80000047;
	s6 =	ssub.s32 $0x2, s6;
	s12 =	smul.u32 $0x500, s7  }
0x9: {  	s25 =	sshrl.u32 s6, $0x1;
	s15 =	sadd.s32 $0x80, s8;
	s26 =	sshrl.u32 s9, $0x2  }
0xa: {  	s17 =	sadd.s32 $0x100, s8;
	s18 =	sadd.s32 $0x180, s8;
	s19 =	sadd.s32 $0x200, s8  }
0xb: {  	s14 =	sadd.s32 s24, s5;
	s16 =	ssub.s32 s6, s25;
	s28 =	sshll.u32 s15, $0x7  }
0xc: {  	s29 =	sshll.u32 s17, $0x7;
	s30 =	sshll.u32 s18, $0x7;
	s31 =	sshll.u32 s19, $0x7  }
0xd: {  	s21 =	sshll.u32 s15, $0x4;
	s22 =	sshll.u32 s17, $0x4;
	s23 =	sshll.u32 s18, $0x4  }
0xe: {  	s25 =	sshll.u32 s19, $0x4;
	s15 =	simm.s32 $0x2;
	s17 =	simm.s32 $0x5000  }
0xf: {  	s18 =	simm.s32 $0x80;
	s19 =	simm.s32 $0x1;
	s13 =	sadd.s32 s12, s5  }
0x10: {  	s5 =	sadd.s32 s26, s3;
	s6 =	sadd.s32 s28, s3;
	s7 =	sadd.s32 s29, s3  }
0x11: {  	s8 =	sadd.s32 s30, s3;
	s9 =	sadd.s32 s31, s3;
	s11 =	sadd.s32 s11, s12  }
0x12: {  	s24 =	sadd.s32 $0x14A00, s14;
	s14 =	simm.s32 $0x7800;
	s10 =	sadd.s32 $0xAA00, s13  }
0x13: {  	s12 =	sadd.s32 $0xA00, s13;
	s13 =	smax.u32 s16, $0x1;
	s16 =	simm.s32 $0x2800  }
0x14: {  	s20 =	sadd.s32 s20, s24;
	s21 =	sadd.s32 s21, s24;
	s22 =	sadd.s32 s22, s24  }
0x15: {  	v0 =	vimm.f32 $0.0e+00;
	s23 =	sadd.s32 s23, s24;
	s24 =	sadd.s32 s25, s24;
	s25 =	simm.s32 $0x0  }
.LBB2_1:
0x16: {  	s26 =	simm.s32 $0x0;
	s28 =	simm.s32 $0x200  }
.LBB2_2:
0x17: {  	p0 =	sne.s32 s28, $0xFE00;
	[tilespmem:s26+$0x7870] =	vst v0  }
0x18: {  	[tilespmem:s26+$0x7800] =	vst v0  }
0x19: {  	[tilespmem:s26+$0x7810] =	vst v0  }
.Ltmp0:
0x1a: {  	[tilespmem:s26+$0x7820] =	vst v0;
	(pc) =	sbr.rel @p0 .LBB2_2-.Ltmp0, $4  }
0x1b: {  	[tilespmem:s26+$0x7830] =	vst v0  }
0x1c: {  	[tilespmem:s26+$0x7840] =	vst v0  }
0x1d: {  	[tilespmem:s26+$0x7850] =	vst v0  }
0x1e: {  	[tilespmem:s26+$0x7860] =	vst v0;
	s26 =	sshra.s32 s28, $0x2;
	s28 =	sadd.s32 $0x200, s28  }
0x1f: {  	[tilespmem:s26+$0x7870] =	vst v0  }
0x20: {  	[tilespmem:s26+$0x7800] =	vst v0  }
0x21: {  	[tilespmem:s26+$0x7810] =	vst v0  }
0x22: {  	[tilespmem:s26+$0x7820] =	vst v0  }
0x23: {  	[tilespmem:s26+$0x7830] =	vst v0  }
0x24: {  	[tilespmem:s26+$0x7840] =	vst v0  }
0x25: {  	[tilespmem:s26+$0x7850] =	vst v0  }
0x26: {  	[tilespmem:s26+$0x7860] =	vst v0  }
0x27: {  	[spmem:s5] =	stream.linear.scatter [tilespmem:s14], [sflag:$0x2], $0x4000, $0x38;
	[tilespmem:$0x1F400] =	vst v63  }
0x28: {  	_ =	swait.ge [sflag:s15], $0x4000  }
0x29: {  	[sflag:s15] =	ssyncset.done $0x0  }
0x2a: {  	[sflag:s15] =	ssyncadd.s32 $0xFFFFC000  }
0x2b: {  	[spmem:s6] =	stream.linear.scatter [tilespmem:s14], [sflag:$0x2], $0x4000, $0x38;
	[tilespmem:$0x1F400] =	vst v63  }
0x2c: {  	_ =	swait.ge [sflag:s15], $0x4000  }
0x2d: {  	[sflag:s15] =	ssyncset.done $0x0  }
0x2e: {  	[sflag:s15] =	ssyncadd.s32 $0xFFFFC000  }
0x2f: {  	[spmem:s7] =	stream.linear.scatter [tilespmem:s14], [sflag:$0x2], $0x4000, $0x38;
	[tilespmem:$0x1F400] =	vst v63  }
0x30: {  	_ =	swait.ge [sflag:s15], $0x4000  }
0x31: {  	[sflag:s15] =	ssyncset.done $0x0  }
0x32: {  	[sflag:s15] =	ssyncadd.s32 $0xFFFFC000  }
0x33: {  	[spmem:s8] =	stream.linear.scatter [tilespmem:s14], [sflag:$0x2], $0x4000, $0x38;
	[tilespmem:$0x1F400] =	vst v63  }
0x34: {  	_ =	swait.ge [sflag:s15], $0x4000  }
0x35: {  	[sflag:s15] =	ssyncset.done $0x0  }
0x36: {  	[sflag:s15] =	ssyncadd.s32 $0xFFFFC000  }
0x37: {  	[spmem:s9] =	stream.linear.scatter [tilespmem:s14], [sflag:$0x2], $0x3C00, $0x38;
	[tilespmem:$0x1F400] =	vst v63  }
0x38: {  	_ =	swait.ge [sflag:s15], $0x3C00  }
0x39: {  	[sflag:s15] =	ssyncset.done $0x0  }
0x3a: {  	[sflag:s15] =	ssyncadd.s32 $0xFFFFC400  }
0x3b: {  	s26 =	simm.s32 $0x0;
	[bflag:$0x0] =	sbarrier.arrive $0xFFFF  }
0x3c: {  	[tilespmem:s26], [sflag:$0x2] =	stream.linear.gather [hbm4b:s10+s26], $0x2800, $0x38;
	[tilespmem:$0x1F400] =	vst v63  }
0x3d: {  	_ =	swait.ge [sflag:s15], $0x2800  }
0x3e: {  	[sflag:s15] =	ssyncset.done $0x0  }
0x3f: {  	[sflag:s15] =	ssyncadd.s32 $0xFFFFD800  }
0x40: {  	[tilespmem:s16], [sflag:$0x2] =	stream.linear.gather [hbm4b:s11+s26], $0x2800, $0x38;
	[tilespmem:$0x1F400] =	vst v63  }
0x41: {  	_ =	swait.ge [sflag:s15], $0x2800  }
0x42: {  	[sflag:s15] =	ssyncset.done $0x0  }
0x43: {  	[sflag:s15] =	ssyncadd.s32 $0xFFFFD800  }
0x44: {  	[tilespmem:s17], [sflag:$0x2] =	stream.linear.gather [hbm4b:s12+s26], $0x2800, $0x38;
	[tilespmem:$0x1F400] =	vst v63  }
0x45: {  	_ =	swait.ge [sflag:s15], $0x2800  }
0x46: {  	[sflag:s15] =	ssyncset.done $0x0  }
0x47: {  	[sflag:s15] =	ssyncadd.s32 $0xFFFFD800  }
.LBB2_4:
0x48: {  	s28 =	sshll.u32 s26, $0x7  }
0x49: {  	s29 =	sadd.s32 $0x5000, s28  }
0x4a: {  	v1 =	vmov s29  }
0x4b: {  	[tilespmem:s14], [sflag:$0x1] =	stream.indirect.gather [hbm4b:s1+s18], $0x80, s28, s18, $0xb8;
	[tilespmem:$0x1F400] =	vst v63  }
0x4c: {  	_ =	swait.ge [sflag:s19], $0x4000  }
0x4d: {  	s29 =	simm.s32 $0x0;
	[sflag:s19] =	ssyncset.done $0x0  }
0x4e: {  	s30 =	simm.s32 $0x0;
	s29 =	sand.u32 $0x3FFFFFF0, s29;
	[sflag:s19] =	ssyncadd.s32 $0xFFFFC000  }
0x4f: {  	v2 =	vld.idx.msk [tilespmem:v1+s29+$0x0 ss:$0x1], $0xffff;
	s29 =	sand.u32 $0x3FFFF800, s30  }
0x50: {  	v8 =	vld [tilespmem:s29+$0x78C0]  }
0x51: {  	v4 =	vld [tilespmem:s29+$0x7820]  }
0x52: {  	v5 =	vld [tilespmem:s29+$0x7830]  }
0x53: {  	v11 =	vld [tilespmem:s29+$0x7860]  }
0x54: {  	v12 =	vld [tilespmem:s29+$0x7870];
	v3 =	vbroadcast v2, $0x0  }
0x55: {  	v13 =	vld [tilespmem:s29+$0x7880]  }
0x56: {  	v14 =	vld [tilespmem:s29+$0x7890];
	v4 =	vmul.f32 v4, v3  }
0x57: {  	v15 =	vld [tilespmem:s29+$0x78A0];
	v5 =	vmul.f32 v5, v3  }
0x58: {  	v10 =	vld [tilespmem:s29+$0x78B0];
	v21 =	vbroadcast v2, $0x1;
	v20 =	vmul.f32 v11, v3;
	[tilespmem:s29+$0x7820] =	vst v4  }
0x59: {  	v9 =	vld [tilespmem:s29+$0x78D0];
	v12 =	vmul.f32 v12, v3;
	[tilespmem:s29+$0x7830] =	vst v5  }
0x5a: {  	v7 =	vld [tilespmem:s29+$0x7D70];
	v13 =	vmul.f32 v13, v21;
	[tilespmem:s29+$0x7860] =	vst v20  }
0x5b: {  	v23 =	vld [tilespmem:s29+$0x78F0];
	v14 =	vmul.f32 v14, v21;
	[tilespmem:s29+$0x7870] =	vst v12  }
0x5c: {  	v24 =	vld [tilespmem:s29+$0x7900];
	v15 =	vmul.f32 v15, v21;
	[tilespmem:s29+$0x7880] =	vst v13  }
0x5d: {  	v25 =	vld [tilespmem:s29+$0x7910];
	v10 =	vmul.f32 v10, v21;
	[tilespmem:s29+$0x7890] =	vst v14  }
0x5e: {  	v22 =	vld [tilespmem:s29+$0x78E0];
	v8 =	vmul.f32 v8, v21;
	[tilespmem:s29+$0x78A0] =	vst v15  }
0x5f: {  	v26 =	vld [tilespmem:s29+$0x7920];
	v16 =	vbroadcast v2, $0x2;
	v9 =	vmul.f32 v9, v21;
	[tilespmem:s29+$0x78B0] =	vst v10  }
0x60: {  	v27 =	vld [tilespmem:s29+$0x7930];
	v11 =	vmul.f32 v23, v21;
	[tilespmem:s29+$0x78C0] =	vst v8  }
0x61: {  	v28 =	vld [tilespmem:s29+$0x7940];
	v6 =	vbroadcast v2, $0xA;
	v30 =	vmul.f32 v24, v16;
	[tilespmem:s29+$0x78D0] =	vst v9  }
0x62: {  	v29 =	vld [tilespmem:s29+$0x7950];
	v32 =	vmul.f32 v25, v16;
	[tilespmem:s29+$0x78F0] =	vst v11  }
0x63: {  	v31 =	vld [tilespmem:s29+$0x7960];
	v4 =	vmul.f32 v7, v6;
	[tilespmem:s29+$0x7900] =	vst v30  }
0x64: {  	v33 =	vld [tilespmem:s29+$0x7970];
	v12 =	vmul.f32 v22, v21;
	[tilespmem:s29+$0x7910] =	vst v32  }
0x65: {  	v34 =	vld [tilespmem:s29+$0x7980];
	v10 =	vmul.f32 v26, v16;
	[tilespmem:s29+$0x7D70] =	vst v4  }
0x66: {  	v35 =	vld [tilespmem:s29+$0x7990];
	v8 =	vmul.f32 v27, v16;
	[tilespmem:s29+$0x78E0] =	vst v12  }
0x67: {  	v36 =	vld [tilespmem:s29+$0x79A0];
	v9 =	vmul.f32 v28, v16;
	[tilespmem:s29+$0x7920] =	vst v10  }
0x68: {  	v37 =	vld [tilespmem:s29+$0x79B0];
	v39 =	vbroadcast v2, $0x3;
	v11 =	vmul.f32 v31, v16;
	[tilespmem:s29+$0x7930] =	vst v8  }
0x69: {  	v38 =	vld [tilespmem:s29+$0x79C0];
	v13 =	vmul.f32 v33, v16;
	[tilespmem:s29+$0x7940] =	vst v9  }
0x6a: {  	v40 =	vld [tilespmem:s29+$0x79D0];
	v14 =	vmul.f32 v34, v39;
	[tilespmem:s29+$0x7960] =	vst v11  }
0x6b: {  	v41 =	vld [tilespmem:s29+$0x79E0];
	v12 =	vmul.f32 v29, v16;
	[tilespmem:s29+$0x7970] =	vst v13  }
0x6c: {  	v42 =	vld [tilespmem:s29+$0x79F0];
	v10 =	vmul.f32 v35, v39;
	[tilespmem:s29+$0x7980] =	vst v14  }
0x6d: {  	v43 =	vld [tilespmem:s29+$0x7A00];
	v8 =	vmul.f32 v36, v39;
	[tilespmem:s29+$0x7950] =	vst v12  }
0x6e: {  	v44 =	vld [tilespmem:s29+$0x7A10];
	v9 =	vmul.f32 v37, v39;
	[tilespmem:s29+$0x7990] =	vst v10  }
0x6f: {  	v45 =	vld [tilespmem:s29+$0x7A20];
	v11 =	vmul.f32 v40, v39;
	[tilespmem:s29+$0x79A0] =	vst v8  }
0x70: {  	v46 =	vld [tilespmem:s29+$0x7A30];
	v13 =	vmul.f32 v41, v39;
	[tilespmem:s29+$0x79B0] =	vst v9  }
0x71: {  	v47 =	vld [tilespmem:s29+$0x7A40];
	v48 =	vbroadcast v2, $0x4;
	v14 =	vmul.f32 v42, v39;
	[tilespmem:s29+$0x79D0] =	vst v11  }
0x72: {  	v49 =	vld [tilespmem:s29+$0x7A50];
	v12 =	vmul.f32 v38, v39;
	[tilespmem:s29+$0x79E0] =	vst v13  }
0x73: {  	v50 =	vld [tilespmem:s29+$0x7A60];
	v10 =	vmul.f32 v43, v48;
	[tilespmem:s29+$0x79F0] =	vst v14  }
0x74: {  	v51 =	vld [tilespmem:s29+$0x7A70];
	v8 =	vmul.f32 v44, v48;
	[tilespmem:s29+$0x79C0] =	vst v12  }
0x75: {  	v52 =	vld [tilespmem:s29+$0x7A80];
	v9 =	vmul.f32 v45, v48;
	[tilespmem:s29+$0x7A00] =	vst v10  }
0x76: {  	v53 =	vld [tilespmem:s29+$0x7A90];
	v11 =	vmul.f32 v47, v48;
	[tilespmem:s29+$0x7A10] =	vst v8  }
0x77: {  	v54 =	vld [tilespmem:s29+$0x7AA0];
	v13 =	vmul.f32 v49, v48;
	[tilespmem:s29+$0x7A20] =	vst v9  }
0x78: {  	v55 =	vld [tilespmem:s29+$0x7AB0];
	v14 =	vmul.f32 v50, v48;
	[tilespmem:s29+$0x7A40] =	vst v11  }
0x79: {  	v56 =	vld [tilespmem:s29+$0x7AC0];
	v57 =	vbroadcast v2, $0x5;
	v12 =	vmul.f32 v46, v48;
	[tilespmem:s29+$0x7A50] =	vst v13  }
0x7a: {  	v58 =	vld [tilespmem:s29+$0x7AD0];
	v10 =	vmul.f32 v51, v48;
	[tilespmem:s29+$0x7A60] =	vst v14  }
0x7b: {  	v59 =	vld [tilespmem:s29+$0x7AE0];
	v8 =	vmul.f32 v52, v57;
	[tilespmem:s29+$0x7A30] =	vst v12  }
0x7c: {  	v60 =	vld [tilespmem:s29+$0x7AF0];
	v9 =	vmul.f32 v53, v57;
	[tilespmem:s29+$0x7A70] =	vst v10  }
0x7d: {  	v61 =	vld [tilespmem:s29+$0x7B00];
	v11 =	vmul.f32 v55, v57;
	[tilespmem:s29+$0x7A80] =	vst v8  }
0x7e: {  	v62 =	vld [tilespmem:s29+$0x7B10];
	v13 =	vmul.f32 v56, v57;
	[tilespmem:s29+$0x7A90] =	vst v9  }
0x7f: {  	v63 =	vld [tilespmem:s29+$0x7B20];
	v14 =	vmul.f32 v58, v57;
	[tilespmem:s29+$0x7AB0] =	vst v11  }
0x80: {  	v20 =	vld [tilespmem:s29+$0x7B30];
	v12 =	vmul.f32 v54, v57;
	[tilespmem:s29+$0x7AC0] =	vst v13  }
0x81: {  	v21 =	vld [tilespmem:s29+$0x7B40];
	v22 =	vbroadcast v2, $0x6;
	v10 =	vmul.f32 v59, v57;
	[tilespmem:s29+$0x7AD0] =	vst v14  }
0x82: {  	v23 =	vld [tilespmem:s29+$0x7B50];
	v8 =	vmul.f32 v60, v57;
	[tilespmem:s29+$0x7AA0] =	vst v12  }
0x83: {  	v24 =	vld [tilespmem:s29+$0x7B60];
	v9 =	vmul.f32 v61, v22;
	[tilespmem:s29+$0x7AE0] =	vst v10  }
0x84: {  	v25 =	vld [tilespmem:s29+$0x7B70];
	v11 =	vmul.f32 v63, v22;
	[tilespmem:s29+$0x7AF0] =	vst v8  }
0x85: {  	v5 =	vld [tilespmem:s29+$0x7D80];
	v13 =	vmul.f32 v20, v22;
	[tilespmem:s29+$0x7B00] =	vst v9  }
0x86: {  	v27 =	vld [tilespmem:s29+$0x7B90];
	v14 =	vmul.f32 v21, v22;
	[tilespmem:s29+$0x7B20] =	vst v11  }
0x87: {  	v28 =	vld [tilespmem:s29+$0x7BA0];
	v12 =	vmul.f32 v62, v22;
	[tilespmem:s29+$0x7B30] =	vst v13  }
0x88: {  	v29 =	vld [tilespmem:s29+$0x7BB0];
	v10 =	vmul.f32 v23, v22;
	[tilespmem:s29+$0x7B40] =	vst v14  }
0x89: {  	v31 =	vbroadcast v2, $0x7;
	v53 =	vld [tilespmem:s29+$0x7D00];
	v8 =	vmul.f32 v24, v22;
	[tilespmem:s29+$0x7B10] =	vst v12  }
0x8a: {  	v58 =	vld [tilespmem:s29+$0x7D50];
	v9 =	vmul.f32 v25, v22;
	[tilespmem:s29+$0x7B50] =	vst v10  }
0x8b: {  	v26 =	vld [tilespmem:s29+$0x7B80];
	v11 =	vmul.f32 v27, v31;
	[tilespmem:s29+$0x7B60] =	vst v8  }
0x8c: {  	v30 =	vld [tilespmem:s29+$0x7BC0];
	v13 =	vmul.f32 v28, v31;
	[tilespmem:s29+$0x7B70] =	vst v9  }
0x8d: {  	v32 =	vld [tilespmem:s29+$0x7BD0];
	v14 =	vmul.f32 v29, v31;
	[tilespmem:s29+$0x7B90] =	vst v11  }
0x8e: {  	v33 =	vld [tilespmem:s29+$0x7BE0];
	v59 =	vmul.f32 v53, v6;
	[tilespmem:s29+$0x7BA0] =	vst v13  }
0x8f: {  	v35 =	vld [tilespmem:s29+$0x7C00];
	v21 =	vmul.f32 v58, v6;
	[tilespmem:s29+$0x7BB0] =	vst v14  }
0x90: {  	v36 =	vld [tilespmem:s29+$0x7C10];
	v12 =	vmul.f32 v26, v31;
	[tilespmem:s29+$0x7D00] =	vst v59  }
0x91: {  	v37 =	vld [tilespmem:s29+$0x7C20];
	v10 =	vmul.f32 v30, v31;
	[tilespmem:s29+$0x7D50] =	vst v21  }
0x92: {  	v7 =	vld [tilespmem:s29+$0x7D90];
	v40 =	vbroadcast v2, $0x8;
	v8 =	vmul.f32 v32, v31;
	[tilespmem:s29+$0x7B80] =	vst v12  }
0x93: {  	v34 =	vld [tilespmem:s29+$0x7BF0];
	v9 =	vmul.f32 v33, v31;
	[tilespmem:s29+$0x7BC0] =	vst v10  }
0x94: {  	v57 =	vld [tilespmem:s29+$0x7D40];
	v11 =	vmul.f32 v35, v40;
	[tilespmem:s29+$0x7BD0] =	vst v8  }
0x95: {  	v61 =	vld [tilespmem:s29+$0x7800];
	v24 =	vbroadcast v2, $0xB;
	v13 =	vmul.f32 v36, v40;
	[tilespmem:s29+$0x7BE0] =	vst v9  }
0x96: {  	v4 =	vld [tilespmem:s29+$0x7FD0];
	v14 =	vmul.f32 v37, v40;
	[tilespmem:s29+$0x7C00] =	vst v11  }
0x97: {  	v38 =	vld [tilespmem:s29+$0x7C30];
	v5 =	vmul.f32 v5, v24;
	[tilespmem:s29+$0x7C10] =	vst v13  }
0x98: {  	v39 =	vld [tilespmem:s29+$0x7C40];
	v7 =	vmul.f32 v7, v24;
	[tilespmem:s29+$0x7C20] =	vst v14  }
0x99: {  	v41 =	vld [tilespmem:s29+$0x7C50];
	v19 =	vmul.f32 v57, v6;
	[tilespmem:s29+$0x7D80] =	vst v5  }
0x9a: {  	v43 =	vld [tilespmem:s29+$0x7C70];
	v25 =	vmul.f32 v3, v61;
	[tilespmem:s29+$0x7D90] =	vst v7  }
0x9b: {  	v44 =	vld [tilespmem:s29+$0x7C80];
	v12 =	vmul.f32 v34, v31;
	[tilespmem:s29+$0x7D40] =	vst v19  }
0x9c: {  	v45 =	vld [tilespmem:s29+$0x7C90];
	v10 =	vmul.f32 v38, v40;
	[tilespmem:s29+$0x7800] =	vst v25  }
0x9d: {  	v27 =	vld [tilespmem:s29+$0x7DD0];
	v8 =	vmul.f32 v39, v40;
	[tilespmem:s29+$0x7BF0] =	vst v12  }
0x9e: {  	v49 =	vbroadcast v2, $0x9;
	v29 =	vld [tilespmem:s29+$0x7DF0];
	v9 =	vmul.f32 v41, v40;
	[tilespmem:s29+$0x7C30] =	vst v10  }
0x9f: {  	v42 =	vld [tilespmem:s29+$0x7C60];
	v11 =	vmul.f32 v43, v40;
	[tilespmem:s29+$0x7C40] =	vst v8  }
0xa0: {  	v46 =	vld [tilespmem:s29+$0x7CA0];
	v13 =	vmul.f32 v44, v49;
	[tilespmem:s29+$0x7C50] =	vst v9  }
0xa1: {  	v47 =	vld [tilespmem:s29+$0x7CB0];
	v14 =	vmul.f32 v45, v49;
	[tilespmem:s29+$0x7C70] =	vst v11  }
0xa2: {  	v48 =	vld [tilespmem:s29+$0x7CC0];
	v32 =	vmul.f32 v27, v24;
	[tilespmem:s29+$0x7C80] =	vst v13  }
0xa3: {  	v51 =	vld [tilespmem:s29+$0x7CE0];
	v7 =	vmul.f32 v29, v24;
	[tilespmem:s29+$0x7C90] =	vst v14  }
0xa4: {  	v52 =	vld [tilespmem:s29+$0x7CF0];
	v12 =	vmul.f32 v42, v40;
	[tilespmem:s29+$0x7DD0] =	vst v32  }
0xa5: {  	v10 =	vmul.f32 v46, v49;
	[tilespmem:s29+$0x7DF0] =	vst v7  }
0xa6: {  	v28 =	vld [tilespmem:s29+$0x7DE0];
	v8 =	vmul.f32 v47, v49;
	[tilespmem:s29+$0x7C60] =	vst v12  }
0xa7: {  	v30 =	vld [tilespmem:s29+$0x7E00];
	v9 =	vmul.f32 v48, v49;
	[tilespmem:s29+$0x7CA0] =	vst v10  }
0xa8: {  	v50 =	vld [tilespmem:s29+$0x7CD0];
	v5 =	vbroadcast v2, $0xF;
	v11 =	vmul.f32 v51, v49;
	[tilespmem:s29+$0x7CB0] =	vst v8  }
0xa9: {  	v54 =	vld [tilespmem:s29+$0x7D10];
	v13 =	vmul.f32 v52, v49;
	[tilespmem:s29+$0x7CC0] =	vst v9  }
0xaa: {  	v55 =	vld [tilespmem:s29+$0x7D20];
	v35 =	vbroadcast v2, $0xC;
	v4 =	vmul.f32 v4, v5;
	[tilespmem:s29+$0x7CE0] =	vst v11  }
0xab: {  	v56 =	vld [tilespmem:s29+$0x7D30];
	v40 =	vmul.f32 v28, v24;
	[tilespmem:s29+$0x7CF0] =	vst v13  }
0xac: {  	v60 =	vld [tilespmem:s29+$0x7D60];
	v16 =	vmul.f32 v30, v35;
	[tilespmem:s29+$0x7FD0] =	vst v4  }
0xad: {  	v62 =	vld [tilespmem:s29+$0x7810];
	v12 =	vmul.f32 v50, v49;
	[tilespmem:s29+$0x7DE0] =	vst v40  }
0xae: {  	v63 =	vld [tilespmem:s29+$0x7840];
	v10 =	vmul.f32 v54, v6;
	[tilespmem:s29+$0x7E00] =	vst v16  }
0xaf: {  	v20 =	vld [tilespmem:s29+$0x7850];
	v8 =	vmul.f32 v55, v6;
	[tilespmem:s29+$0x7CD0] =	vst v12  }
0xb0: {  	v33 =	vld [tilespmem:s29+$0x7E30];
	v9 =	vmul.f32 v56, v6;
	[tilespmem:s29+$0x7D10] =	vst v10  }
0xb1: {  	v61 =	vld [tilespmem:s29+$0x7FF0];
	v6 =	vmul.f32 v60, v6;
	[tilespmem:s29+$0x7D20] =	vst v8  }
0xb2: {  	v38 =	vld [tilespmem:s29+$0x7E70];
	v13 =	vmul.f32 v62, v3;
	[tilespmem:s29+$0x7D30] =	vst v9  }
0xb3: {  	v22 =	vld [tilespmem:s29+$0x7DA0];
	v4 =	vmul.f32 v63, v3;
	[tilespmem:s29+$0x7D60] =	vst v6  }
0xb4: {  	v23 =	vld [tilespmem:s29+$0x7DB0];
	v3 =	vmul.f32 v20, v3;
	[tilespmem:s29+$0x7810] =	vst v13  }
0xb5: {  	v26 =	vld [tilespmem:s29+$0x7DC0];
	v62 =	vmul.f32 v33, v35;
	[tilespmem:s29+$0x7840] =	vst v4  }
0xb6: {  	v31 =	vld [tilespmem:s29+$0x7E10];
	v63 =	vmul.f32 v61, v5;
	[tilespmem:s29+$0x7850] =	vst v3  }
0xb7: {  	v34 =	vld [tilespmem:s29+$0x7E40];
	v16 =	vmul.f32 v38, v35;
	[tilespmem:s29+$0x7E30] =	vst v62  }
0xb8: {  	v41 =	vld [tilespmem:s29+$0x7EA0];
	v8 =	vmul.f32 v22, v24;
	[tilespmem:s29+$0x7FF0] =	vst v63  }
0xb9: {  	v46 =	vld [tilespmem:s29+$0x7EE0];
	v9 =	vmul.f32 v23, v24;
	[tilespmem:s29+$0x7E70] =	vst v16  }
0xba: {  	v6 =	vmul.f32 v26, v24;
	v3 =	vld [tilespmem:s29+$0x7E90];
	[tilespmem:s29+$0x7DA0] =	vst v8  }
0xbb: {  	v36 =	vld [tilespmem:s29+$0x7E50];
	v44 =	vbroadcast v2, $0xD;
	v10 =	vmul.f32 v31, v35;
	[tilespmem:s29+$0x7DB0] =	vst v9  }
0xbc: {  	v37 =	vld [tilespmem:s29+$0x7E60];
	v13 =	vmul.f32 v34, v35;
	[tilespmem:s29+$0x7DC0] =	vst v6  }
0xbd: {  	v39 =	vld [tilespmem:s29+$0x7E80];
	v12 =	vmul.f32 v41, v44;
	[tilespmem:s29+$0x7E10] =	vst v10  }
0xbe: {  	v42 =	vld [tilespmem:s29+$0x7EB0];
	v51 =	vmul.f32 v46, v44;
	[tilespmem:s29+$0x7E40] =	vst v13  }
0xbf: {  	v48 =	vld [tilespmem:s29+$0x7F10];
	[tilespmem:s29+$0x7EA0] =	vst v12;
	v3 =	vmul.f32 v3, v44  }
0xc0: {  	v49 =	vld [tilespmem:s29+$0x7F20];
	v9 =	vmul.f32 v36, v35;
	[tilespmem:s29+$0x7EE0] =	vst v51  }
0xc1: {  	v6 =	vmul.f32 v37, v35;
	[tilespmem:s29+$0x7E90] =	vst v3;
	v3 =	vld [tilespmem:s29+$0x7F00]  }
0xc2: {  	v2 =	vbroadcast v2, $0xE;
	v50 =	vld [tilespmem:s29+$0x7F30];
	v10 =	vmul.f32 v39, v44;
	[tilespmem:s29+$0x7E50] =	vst v9  }
0xc3: {  	v45 =	vld [tilespmem:s29+$0x7ED0];
	v13 =	vmul.f32 v42, v44;
	[tilespmem:s29+$0x7E60] =	vst v6  }
0xc4: {  	v47 =	vld [tilespmem:s29+$0x7EF0];
	v12 =	vmul.f32 v48, v2;
	[tilespmem:s29+$0x7E80] =	vst v10  }
0xc5: {  	v43 =	vld [tilespmem:s29+$0x7EC0];
	v11 =	vmul.f32 v49, v2;
	[tilespmem:s29+$0x7EB0] =	vst v13  }
0xc6: {  	v55 =	vld [tilespmem:s29+$0x7F80];
	[tilespmem:s29+$0x7F10] =	vst v12;
	v3 =	vmul.f32 v3, v2  }
0xc7: {  	v57 =	vld [tilespmem:s29+$0x7FA0];
	v7 =	vmul.f32 v50, v2;
	[tilespmem:s29+$0x7F20] =	vst v11  }
0xc8: {  	v6 =	vmul.f32 v45, v44;
	[tilespmem:s29+$0x7F00] =	vst v3;
	v3 =	vld [tilespmem:s29+$0x7F70]  }
0xc9: {  	v52 =	vld [tilespmem:s29+$0x7F40];
	v10 =	vmul.f32 v47, v44;
	[tilespmem:s29+$0x7F30] =	vst v7  }
0xca: {  	v56 =	vld [tilespmem:s29+$0x7F90];
	v9 =	vmul.f32 v43, v44;
	[tilespmem:s29+$0x7ED0] =	vst v6  }
0xcb: {  	v54 =	vld [tilespmem:s29+$0x7F60];
	v12 =	vmul.f32 v55, v5;
	[tilespmem:s29+$0x7EF0] =	vst v10  }
0xcc: {  	v58 =	vld [tilespmem:s29+$0x7FB0];
	v7 =	vmul.f32 v57, v5;
	[tilespmem:s29+$0x7EC0] =	vst v9  }
0xcd: {  	v53 =	vld [tilespmem:s29+$0x7F50];
	[tilespmem:s29+$0x7F80] =	vst v12;
	v3 =	vmul.f32 v3, v2  }
0xce: {  	v59 =	vld [tilespmem:s29+$0x7FC0];
	v6 =	vmul.f32 v52, v2;
	[tilespmem:s29+$0x7FA0] =	vst v7  }
0xcf: {  	v60 =	vld [tilespmem:s29+$0x7FE0];
	[tilespmem:s29+$0x7F70] =	vst v3;
	v3 =	vmul.f32 v56, v5  }
0xd0: {  	v10 =	vmul.f32 v54, v2;
	[tilespmem:s29+$0x7F40] =	vst v6  }
0xd1: {  	v4 =	vld [tilespmem:s29+$0x7E20];
	[tilespmem:s29+$0x7F90] =	vst v3;
	v3 =	vmul.f32 v58, v5  }
0xd2: {  	[tilespmem:s29+$0x7F60] =	vst v10;
	v2 =	vmul.f32 v53, v2  }
0xd3: {  	[tilespmem:s29+$0x7FB0] =	vst v3;
	v3 =	vmul.f32 v59, v5  }
0xd4: {  	[tilespmem:s29+$0x7F50] =	vst v2;
	v5 =	vmul.f32 v60, v5  }
0xd5: {  	[tilespmem:s29+$0x7FC0] =	vst v3  }
0xd6: {  	s30 =	simm.s32 $0x1;
	v3 =	vmul.f32 v4, v35;
	[tilespmem:s29+$0x7FE0] =	vst v5  }
.LBB2_5:
0xd7: {  	s31 =	sshll.u32 s30, $0x4  }
0xd8: {  	p0 =	sne.s32 s30, $0x7;
	[tilespmem:s29+$0x7E20] =	vst v3;
	s29 =	smov.u32 s30;
	s30 =	sadd.s32 $0x1, s30  }
0xd9: {  	s31 =	sand.u32 $0x3FFFFFF0, s31  }
0xda: {  	v2 =	vld.idx.msk [tilespmem:v1+s31+$0x0 ss:$0x1], $0xffff  }
0xdb: {  	s29 =	sshll.u32 s29, $0xB  }
0xdc: {  	s29 =	sand.u32 $0x3FFFF800, s29  }
0xdd: {  	v9 =	vld [tilespmem:s29+$0x78C0]  }
0xde: {  	v10 =	vld [tilespmem:s29+$0x78D0]  }
0xdf: {  	v11 =	vld [tilespmem:s29+$0x78B0]  }
0xe0: {  	v3 =	vbroadcast v2, $0x0;
	v8 =	vbroadcast v2, $0x4;
	v4 =	vld [tilespmem:s29+$0x7820]  }
0xe1: {  	v6 =	vld [tilespmem:s29+$0x7830]  }
0xe2: {  	v7 =	vld [tilespmem:s29+$0x7D70]  }
0xe3: {  	v12 =	vld [tilespmem:s29+$0x7860]  }
0xe4: {  	v13 =	vld [tilespmem:s29+$0x7870]  }
0xe5: {  	v5 =	vbroadcast v2, $0xA;
	v4 =	vmul.f32 v4, v3;
	v14 =	vld [tilespmem:s29+$0x7880]  }
0xe6: {  	v6 =	vmul.f32 v6, v3;
	v15 =	vld [tilespmem:s29+$0x7890]  }
0xe7: {  	[tilespmem:s29+$0x7820] =	vst v4;
	v16 =	vld [tilespmem:s29+$0x78A0];
	v4 =	vmul.f32 v7, v5  }
0xe8: {  	[tilespmem:s29+$0x7830] =	vst v6;
	v7 =	vmul.f32 v12, v3;
	v12 =	vbroadcast v2, $0x1;
	v6 =	vld [tilespmem:s29+$0x7D80]  }
0xe9: {  	v13 =	vmul.f32 v13, v3;
	[tilespmem:s29+$0x7D70] =	vst v4;
	v4 =	vld [tilespmem:s29+$0x7FD0]  }
0xea: {  	[tilespmem:s29+$0x7860] =	vst v7;
	v14 =	vmul.f32 v14, v12;
	v7 =	vld [tilespmem:s29+$0x7D90]  }
0xeb: {  	[tilespmem:s29+$0x7870] =	vst v13;
	v13 =	vmul.f32 v15, v12;
	v15 =	vld [tilespmem:s29+$0x78E0]  }
0xec: {  	[tilespmem:s29+$0x7880] =	vst v14;
	v14 =	vmul.f32 v16, v12;
	v16 =	vld [tilespmem:s29+$0x78F0]  }
0xed: {  	v11 =	vmul.f32 v11, v12;
	[tilespmem:s29+$0x7890] =	vst v13;
	v13 =	vld [tilespmem:s29+$0x7900]  }
0xee: {  	v9 =	vmul.f32 v9, v12;
	[tilespmem:s29+$0x78A0] =	vst v14;
	v14 =	vld [tilespmem:s29+$0x7910]  }
0xef: {  	v10 =	vmul.f32 v10, v12;
	[tilespmem:s29+$0x78B0] =	vst v11;
	v11 =	vld [tilespmem:s29+$0x7920]  }
0xf0: {  	[tilespmem:s29+$0x78C0] =	vst v9;
	v9 =	vmul.f32 v15, v12;
	v15 =	vbroadcast v2, $0x2;
	v17 =	vld [tilespmem:s29+$0x7930]  }
0xf1: {  	[tilespmem:s29+$0x78D0] =	vst v10;
	v10 =	vmul.f32 v16, v12;
	v12 =	vld [tilespmem:s29+$0x7940]  }
0xf2: {  	[tilespmem:s29+$0x78E0] =	vst v9;
	v9 =	vmul.f32 v13, v15;
	v13 =	vld [tilespmem:s29+$0x7950]  }
0xf3: {  	[tilespmem:s29+$0x78F0] =	vst v10;
	v10 =	vmul.f32 v14, v15;
	v14 =	vld [tilespmem:s29+$0x7960]  }
0xf4: {  	[tilespmem:s29+$0x7900] =	vst v9;
	v9 =	vmul.f32 v11, v15;
	v11 =	vld [tilespmem:s29+$0x7970]  }
0xf5: {  	[tilespmem:s29+$0x7910] =	vst v10;
	v10 =	vmul.f32 v17, v15;
	v16 =	vld [tilespmem:s29+$0x7980]  }
0xf6: {  	[tilespmem:s29+$0x7920] =	vst v9;
	v9 =	vmul.f32 v12, v15;
	v12 =	vld [tilespmem:s29+$0x7990]  }
0xf7: {  	[tilespmem:s29+$0x7930] =	vst v10;
	v10 =	vmul.f32 v13, v15;
	v13 =	vld [tilespmem:s29+$0x79A0]  }
0xf8: {  	[tilespmem:s29+$0x7940] =	vst v9;
	v9 =	vmul.f32 v14, v15;
	v14 =	vbroadcast v2, $0x3;
	v17 =	vld [tilespmem:s29+$0x79B0]  }
0xf9: {  	[tilespmem:s29+$0x7950] =	vst v10;
	v10 =	vmul.f32 v11, v15;
	v11 =	vld [tilespmem:s29+$0x79C0]  }
0xfa: {  	[tilespmem:s29+$0x7960] =	vst v9;
	v9 =	vmul.f32 v16, v14;
	v15 =	vld [tilespmem:s29+$0x79D0]  }
0xfb: {  	[tilespmem:s29+$0x7970] =	vst v10;
	v10 =	vmul.f32 v12, v14;
	v12 =	vld [tilespmem:s29+$0x79E0]  }
0xfc: {  	[tilespmem:s29+$0x7980] =	vst v9;
	v9 =	vmul.f32 v13, v14;
	v13 =	vld [tilespmem:s29+$0x79F0]  }
0xfd: {  	[tilespmem:s29+$0x7990] =	vst v10;
	v10 =	vmul.f32 v17, v14;
	v16 =	vld [tilespmem:s29+$0x7A00]  }
0xfe: {  	[tilespmem:s29+$0x79A0] =	vst v9;
	v9 =	vmul.f32 v11, v14;
	v11 =	vld [tilespmem:s29+$0x7A10]  }
0xff: {  	[tilespmem:s29+$0x79B0] =	vst v10;
	v10 =	vmul.f32 v15, v14;
	v15 =	vld [tilespmem:s29+$0x7A20]  }
0x100: {  	[tilespmem:s29+$0x79C0] =	vst v9;
	v9 =	vmul.f32 v12, v14;
	v12 =	vld [tilespmem:s29+$0x7A30]  }
0x101: {  	[tilespmem:s29+$0x79D0] =	vst v10;
	v10 =	vmul.f32 v13, v14;
	v13 =	vld [tilespmem:s29+$0x7A40]  }
0x102: {  	[tilespmem:s29+$0x79E0] =	vst v9;
	v9 =	vmul.f32 v16, v8;
	v14 =	vld [tilespmem:s29+$0x7A50]  }
0x103: {  	[tilespmem:s29+$0x79F0] =	vst v10;
	v10 =	vmul.f32 v11, v8;
	v11 =	vld [tilespmem:s29+$0x7A60]  }
0x104: {  	[tilespmem:s29+$0x7A00] =	vst v9;
	v9 =	vmul.f32 v15, v8;
	v15 =	vld [tilespmem:s29+$0x7A70]  }
0x105: {  	[tilespmem:s29+$0x7A10] =	vst v10;
	v10 =	vmul.f32 v12, v8;
	v12 =	vld [tilespmem:s29+$0x7A80]  }
0x106: {  	[tilespmem:s29+$0x7A20] =	vst v9;
	v9 =	vmul.f32 v13, v8;
	v13 =	vld [tilespmem:s29+$0x7A90]  }
0x107: {  	[tilespmem:s29+$0x7A30] =	vst v10;
	v10 =	vmul.f32 v14, v8;
	v14 =	vld [tilespmem:s29+$0x7AA0]  }
0x108: {  	[tilespmem:s29+$0x7A40] =	vst v9;
	v9 =	vmul.f32 v11, v8;
	v11 =	vbroadcast v2, $0x5;
	v16 =	vld [tilespmem:s29+$0x7AB0]  }
0x109: {  	[tilespmem:s29+$0x7A50] =	vst v10;
	v8 =	vmul.f32 v15, v8;
	v10 =	vld [tilespmem:s29+$0x7AC0]  }
0x10a: {  	[tilespmem:s29+$0x7A60] =	vst v9;
	v9 =	vmul.f32 v12, v11;
	v12 =	vld [tilespmem:s29+$0x7AD0]  }
0x10b: {  	[tilespmem:s29+$0x7A70] =	vst v8;
	v8 =	vmul.f32 v13, v11;
	v13 =	vld [tilespmem:s29+$0x7AE0]  }
0x10c: {  	[tilespmem:s29+$0x7A80] =	vst v9;
	v9 =	vmul.f32 v14, v11;
	v14 =	vld [tilespmem:s29+$0x7AF0]  }
0x10d: {  	[tilespmem:s29+$0x7A90] =	vst v8;
	v8 =	vmul.f32 v16, v11;
	v15 =	vld [tilespmem:s29+$0x7B00]  }
0x10e: {  	[tilespmem:s29+$0x7AA0] =	vst v9;
	v9 =	vmul.f32 v10, v11;
	v10 =	vld [tilespmem:s29+$0x7B10]  }
0x10f: {  	[tilespmem:s29+$0x7AB0] =	vst v8;
	v8 =	vmul.f32 v12, v11;
	v12 =	vld [tilespmem:s29+$0x7B20]  }
0x110: {  	[tilespmem:s29+$0x7AC0] =	vst v9;
	v9 =	vmul.f32 v13, v11;
	v13 =	vbroadcast v2, $0x6;
	v16 =	vld [tilespmem:s29+$0x7B30]  }
0x111: {  	[tilespmem:s29+$0x7AD0] =	vst v8;
	v8 =	vmul.f32 v14, v11;
	v11 =	vld [tilespmem:s29+$0x7B40]  }
0x112: {  	[tilespmem:s29+$0x7AE0] =	vst v9;
	v9 =	vmul.f32 v15, v13;
	v14 =	vld [tilespmem:s29+$0x7B50]  }
0x113: {  	[tilespmem:s29+$0x7AF0] =	vst v8;
	v8 =	vmul.f32 v10, v13;
	v10 =	vld [tilespmem:s29+$0x7B60]  }
0x114: {  	[tilespmem:s29+$0x7B00] =	vst v9;
	v9 =	vmul.f32 v12, v13;
	v12 =	vld [tilespmem:s29+$0x7B70]  }
0x115: {  	[tilespmem:s29+$0x7B10] =	vst v8;
	v8 =	vmul.f32 v16, v13;
	v15 =	vld [tilespmem:s29+$0x7B80]  }
0x116: {  	[tilespmem:s29+$0x7B20] =	vst v9;
	v9 =	vmul.f32 v11, v13;
	v11 =	vld [tilespmem:s29+$0x7B90]  }
0x117: {  	[tilespmem:s29+$0x7B30] =	vst v8;
	v8 =	vmul.f32 v14, v13;
	v14 =	vld [tilespmem:s29+$0x7BA0]  }
0x118: {  	[tilespmem:s29+$0x7B40] =	vst v9;
	v9 =	vmul.f32 v10, v13;
	v10 =	vbroadcast v2, $0x7;
	v16 =	vld [tilespmem:s29+$0x7BB0]  }
0x119: {  	[tilespmem:s29+$0x7B50] =	vst v8;
	v8 =	vmul.f32 v12, v13;
	v12 =	vld [tilespmem:s29+$0x7BC0]  }
0x11a: {  	[tilespmem:s29+$0x7B60] =	vst v9;
	v9 =	vmul.f32 v15, v10;
	v13 =	vld [tilespmem:s29+$0x7BD0]  }
0x11b: {  	[tilespmem:s29+$0x7B70] =	vst v8;
	v8 =	vmul.f32 v11, v10;
	v11 =	vld [tilespmem:s29+$0x7BE0]  }
0x11c: {  	[tilespmem:s29+$0x7B80] =	vst v9;
	v9 =	vmul.f32 v14, v10;
	v14 =	vld [tilespmem:s29+$0x7BF0]  }
0x11d: {  	[tilespmem:s29+$0x7B90] =	vst v8;
	v8 =	vmul.f32 v16, v10;
	v15 =	vld [tilespmem:s29+$0x7C00]  }
0x11e: {  	[tilespmem:s29+$0x7BA0] =	vst v9;
	v9 =	vmul.f32 v12, v10;
	v12 =	vld [tilespmem:s29+$0x7C10]  }
0x11f: {  	[tilespmem:s29+$0x7BB0] =	vst v8;
	v8 =	vmul.f32 v13, v10;
	v13 =	vld [tilespmem:s29+$0x7C20]  }
0x120: {  	[tilespmem:s29+$0x7BC0] =	vst v9;
	v9 =	vmul.f32 v11, v10;
	v11 =	vbroadcast v2, $0x8;
	v16 =	vld [tilespmem:s29+$0x7C30]  }
0x121: {  	[tilespmem:s29+$0x7BD0] =	vst v8;
	v8 =	vmul.f32 v14, v10;
	v10 =	vld [tilespmem:s29+$0x7C40]  }
0x122: {  	[tilespmem:s29+$0x7BE0] =	vst v9;
	v9 =	vmul.f32 v15, v11;
	v14 =	vld [tilespmem:s29+$0x7C50]  }
0x123: {  	[tilespmem:s29+$0x7BF0] =	vst v8;
	v8 =	vmul.f32 v12, v11;
	v12 =	vld [tilespmem:s29+$0x7C60]  }
0x124: {  	[tilespmem:s29+$0x7C00] =	vst v9;
	v9 =	vmul.f32 v13, v11;
	v13 =	vld [tilespmem:s29+$0x7C70]  }
0x125: {  	[tilespmem:s29+$0x7C10] =	vst v8;
	v8 =	vmul.f32 v16, v11;
	v15 =	vld [tilespmem:s29+$0x7C80]  }
0x126: {  	[tilespmem:s29+$0x7C20] =	vst v9;
	v9 =	vmul.f32 v10, v11;
	v10 =	vld [tilespmem:s29+$0x7C90]  }
0x127: {  	[tilespmem:s29+$0x7C30] =	vst v8;
	v8 =	vmul.f32 v14, v11;
	v14 =	vld [tilespmem:s29+$0x7CA0]  }
0x128: {  	[tilespmem:s29+$0x7C40] =	vst v9;
	v9 =	vmul.f32 v12, v11;
	v12 =	vbroadcast v2, $0x9;
	v16 =	vld [tilespmem:s29+$0x7CB0]  }
0x129: {  	[tilespmem:s29+$0x7C50] =	vst v8;
	v8 =	vmul.f32 v13, v11;
	v11 =	vld [tilespmem:s29+$0x7CC0]  }
0x12a: {  	[tilespmem:s29+$0x7C60] =	vst v9;
	v9 =	vmul.f32 v15, v12;
	v13 =	vld [tilespmem:s29+$0x7CD0]  }
0x12b: {  	[tilespmem:s29+$0x7C70] =	vst v8;
	v8 =	vmul.f32 v10, v12;
	v10 =	vld [tilespmem:s29+$0x7CE0]  }
0x12c: {  	[tilespmem:s29+$0x7C80] =	vst v9;
	v9 =	vmul.f32 v14, v12;
	v14 =	vld [tilespmem:s29+$0x7CF0]  }
0x12d: {  	[tilespmem:s29+$0x7C90] =	vst v8;
	v8 =	vmul.f32 v16, v12;
	v15 =	vld [tilespmem:s29+$0x7D00]  }
0x12e: {  	[tilespmem:s29+$0x7CA0] =	vst v9;
	v9 =	vmul.f32 v11, v12;
	v11 =	vld [tilespmem:s29+$0x7D10]  }
0x12f: {  	[tilespmem:s29+$0x7CB0] =	vst v8;
	v8 =	vmul.f32 v13, v12;
	v13 =	vld [tilespmem:s29+$0x7D20]  }
0x130: {  	[tilespmem:s29+$0x7CC0] =	vst v9;
	v9 =	vmul.f32 v10, v12;
	v10 =	vld [tilespmem:s29+$0x7D30]  }
0x131: {  	[tilespmem:s29+$0x7CD0] =	vst v8;
	v8 =	vmul.f32 v14, v12;
	v12 =	vld [tilespmem:s29+$0x7D40]  }
0x132: {  	[tilespmem:s29+$0x7CE0] =	vst v9;
	v9 =	vmul.f32 v15, v5;
	v14 =	vld [tilespmem:s29+$0x7D50]  }
0x133: {  	[tilespmem:s29+$0x7CF0] =	vst v8;
	v8 =	vmul.f32 v11, v5;
	v11 =	vld [tilespmem:s29+$0x7D60]  }
0x134: {  	v15 =	vld [tilespmem:s29+$0x7800];
	[tilespmem:s29+$0x7D00] =	vst v9;
	v9 =	vmul.f32 v13, v5  }
0x135: {  	v13 =	vld [tilespmem:s29+$0x7810];
	[tilespmem:s29+$0x7D10] =	vst v8;
	v8 =	vmul.f32 v10, v5  }
0x136: {  	v10 =	vld [tilespmem:s29+$0x7840];
	[tilespmem:s29+$0x7D20] =	vst v9;
	v9 =	vmul.f32 v12, v5  }
0x137: {  	v12 =	vld [tilespmem:s29+$0x7850];
	[tilespmem:s29+$0x7D30] =	vst v8;
	v8 =	vmul.f32 v14, v5  }
0x138: {  	[tilespmem:s29+$0x7D40] =	vst v9;
	v9 =	vmul.f32 v11, v5;
	v11 =	vbroadcast v2, $0xB;
	v14 =	vld [tilespmem:s29+$0x7DA0]  }
0x139: {  	v5 =	vbroadcast v2, $0xF;
	v15 =	vmul.f32 v3, v15;
	[tilespmem:s29+$0x7D50] =	vst v8;
	v8 =	vld [tilespmem:s29+$0x7DB0]  }
0x13a: {  	v13 =	vmul.f32 v13, v3;
	[tilespmem:s29+$0x7D60] =	vst v9;
	v6 =	vmul.f32 v6, v11;
	v9 =	vld [tilespmem:s29+$0x7DC0]  }
0x13b: {  	v7 =	vmul.f32 v7, v11;
	[tilespmem:s29+$0x7800] =	vst v15;
	v10 =	vmul.f32 v10, v3;
	v15 =	vld [tilespmem:s29+$0x7DD0]  }
0x13c: {  	v4 =	vmul.f32 v4, v5;
	v12 =	vmul.f32 v12, v3;
	[tilespmem:s29+$0x7D80] =	vst v6;
	v3 =	vld [tilespmem:s29+$0x7DE0]  }
0x13d: {  	[tilespmem:s29+$0x7D90] =	vst v7;
	v6 =	vmul.f32 v14, v11;
	v7 =	vld [tilespmem:s29+$0x7DF0]  }
0x13e: {  	v8 =	vmul.f32 v8, v11;
	v14 =	vld [tilespmem:s29+$0x7E00];
	[tilespmem:s29+$0x7FD0] =	vst v4  }
0x13f: {  	[tilespmem:s29+$0x7810] =	vst v13;
	v4 =	vmul.f32 v9, v11;
	v9 =	vld [tilespmem:s29+$0x7E10]  }
0x140: {  	[tilespmem:s29+$0x7840] =	vst v10;
	v10 =	vmul.f32 v15, v11;
	v13 =	vld [tilespmem:s29+$0x7E20]  }
0x141: {  	v15 =	vbroadcast v2, $0xC;
	[tilespmem:s29+$0x7DA0] =	vst v6;
	v6 =	vmul.f32 v3, v11;
	v16 =	vld [tilespmem:s29+$0x7E30]  }
0x142: {  	[tilespmem:s29+$0x7DD0] =	vst v10;
	v7 =	vmul.f32 v7, v11;
	v10 =	vld [tilespmem:s29+$0x7E40]  }
0x143: {  	[tilespmem:s29+$0x7DB0] =	vst v8;
	v3 =	vmul.f32 v14, v15;
	v8 =	vld [tilespmem:s29+$0x7E50]  }
0x144: {  	[tilespmem:s29+$0x7DC0] =	vst v4;
	v4 =	vmul.f32 v9, v15;
	v9 =	vld [tilespmem:s29+$0x7E60]  }
0x145: {  	[tilespmem:s29+$0x7E00] =	vst v3;
	v3 =	vmul.f32 v13, v15;
	v11 =	vld [tilespmem:s29+$0x7E70]  }
0x146: {  	[tilespmem:s29+$0x7E10] =	vst v4;
	v4 =	vld [tilespmem:s29+$0x7E80]  }
0x147: {  	[tilespmem:s29+$0x7850] =	vst v12;
	v10 =	vmul.f32 v10, v15;
	v12 =	vld [tilespmem:s29+$0x7E90]  }
0x148: {  	[tilespmem:s29+$0x7DE0] =	vst v6;
	v6 =	vmul.f32 v8, v15;
	v8 =	vld [tilespmem:s29+$0x7EA0]  }
0x149: {  	[tilespmem:s29+$0x7E40] =	vst v10;
	v9 =	vmul.f32 v9, v15;
	v10 =	vbroadcast v2, $0xD;
	v13 =	vld [tilespmem:s29+$0x7EB0]  }
0x14a: {  	[tilespmem:s29+$0x7E50] =	vst v6;
	v6 =	vmul.f32 v11, v15;
	v11 =	vld [tilespmem:s29+$0x7EC0]  }
0x14b: {  	[tilespmem:s29+$0x7E60] =	vst v9;
	v4 =	vmul.f32 v4, v10;
	v9 =	vld [tilespmem:s29+$0x7ED0]  }
0x14c: {  	[tilespmem:s29+$0x7E70] =	vst v6;
	v6 =	vmul.f32 v12, v10;
	v12 =	vld [tilespmem:s29+$0x7EE0]  }
0x14d: {  	[tilespmem:s29+$0x7E80] =	vst v4;
	v4 =	vmul.f32 v8, v10;
	v8 =	vld [tilespmem:s29+$0x7EF0]  }
0x14e: {  	[tilespmem:s29+$0x7E90] =	vst v6;
	v6 =	vmul.f32 v13, v10;
	v13 =	vld [tilespmem:s29+$0x7F00]  }
0x14f: {  	[tilespmem:s29+$0x7EA0] =	vst v4;
	v4 =	vmul.f32 v11, v10;
	v11 =	vld [tilespmem:s29+$0x7F10]  }
0x150: {  	[tilespmem:s29+$0x7EB0] =	vst v6;
	v6 =	vmul.f32 v9, v10;
	v9 =	vld [tilespmem:s29+$0x7F20]  }
0x151: {  	v2 =	vbroadcast v2, $0xE;
	[tilespmem:s29+$0x7DF0] =	vst v7;
	v7 =	vmul.f32 v12, v10;
	v12 =	vld [tilespmem:s29+$0x7F30]  }
0x152: {  	[tilespmem:s29+$0x7ED0] =	vst v6;
	v6 =	vmul.f32 v8, v10;
	v8 =	vld [tilespmem:s29+$0x7F40]  }
0x153: {  	[tilespmem:s29+$0x7EE0] =	vst v7;
	v7 =	vmul.f32 v13, v2;
	v10 =	vld [tilespmem:s29+$0x7F50]  }
0x154: {  	[tilespmem:s29+$0x7EF0] =	vst v6;
	v6 =	vmul.f32 v11, v2;
	v11 =	vld [tilespmem:s29+$0x7F60]  }
0x155: {  	[tilespmem:s29+$0x7F00] =	vst v7;
	v7 =	vmul.f32 v9, v2;
	v9 =	vld [tilespmem:s29+$0x7F70]  }
0x156: {  	[tilespmem:s29+$0x7F10] =	vst v6;
	v6 =	vmul.f32 v12, v2;
	v12 =	vld [tilespmem:s29+$0x7F80]  }
0x157: {  	[tilespmem:s29+$0x7F20] =	vst v7;
	v7 =	vmul.f32 v8, v2;
	v8 =	vld [tilespmem:s29+$0x7F90]  }
0x158: {  	[tilespmem:s29+$0x7F30] =	vst v6;
	v6 =	vmul.f32 v10, v2;
	v10 =	vld [tilespmem:s29+$0x7FA0]  }
0x159: {  	[tilespmem:s29+$0x7F40] =	vst v7;
	v7 =	vmul.f32 v11, v2;
	v11 =	vld [tilespmem:s29+$0x7FB0]  }
0x15a: {  	[tilespmem:s29+$0x7EC0] =	vst v4;
	v2 =	vmul.f32 v9, v2;
	v4 =	vld [tilespmem:s29+$0x7FC0]  }
0x15b: {  	[tilespmem:s29+$0x7F60] =	vst v7;
	v7 =	vmul.f32 v12, v5;
	v9 =	vld [tilespmem:s29+$0x7FE0]  }
0x15c: {  	[tilespmem:s29+$0x7F70] =	vst v2;
	v2 =	vmul.f32 v8, v5;
	v8 =	vld [tilespmem:s29+$0x7FF0]  }
0x15d: {  	[tilespmem:s29+$0x7F80] =	vst v7;
	v7 =	vmul.f32 v10, v5  }
0x15e: {  	[tilespmem:s29+$0x7F90] =	vst v2;
	v2 =	vmul.f32 v11, v5  }
0x15f: {  	v10 =	vmul.f32 v16, v15;
	[tilespmem:s29+$0x7FA0] =	vst v7  }
0x160: {  	[tilespmem:s29+$0x7FB0] =	vst v2;
	v2 =	vmul.f32 v4, v5  }
.Ltmp1:
0x161: {  	[tilespmem:s29+$0x7E30] =	vst v10;
	v4 =	vmul.f32 v8, v5;
	(pc) =	sbr.rel @p0 .LBB2_5-.Ltmp1, $4  }
0x162: {  	[tilespmem:s29+$0x7FC0] =	vst v2  }
0x163: {  	v2 =	vmul.f32 v9, v5;
	[tilespmem:s29+$0x7FF0] =	vst v4  }
0x164: {  	[tilespmem:s29+$0x7F50] =	vst v6  }
0x165: {  	[tilespmem:s29+$0x7FE0] =	vst v2  }
0x166: {  	s26 =	sadd.s32 $0x1, s26  }
0x167: {  	p0 =	sne.s32 s26, $0x50  }
.Ltmp2:
0x168: {  	[tilespmem:s29+$0x7E20] =	vst v3;
	s28 =	sadd.s32 $0x2800, s28;
	(pc) =	sbr.rel @p0 .LBB2_4-.Ltmp2, $4  }
0x169: {  	[spmem:s3] =	stream.indirect.scatter.add.f32 [tilespmem:s14], [sflag:$0x2], $0x80, s28, s18, $0xb8;
	[tilespmem:$0x1F400] =	vst v63  }
0x16a: {  	_ =	swait.ge [sflag:s15], $0x4000  }
0x16b: {  	[sflag:s15] =	ssyncset.done $0x0  }
0x16c: {  	[sflag:s15] =	ssyncadd.s32 $0xFFFFC000  }
0x16d: {  	[bflag:$0x0] =	sbarrier.arrive $0xFFFF  }
0x16e: {  	[tilespmem:s14], [sflag:$0x2] =	stream.linear.gather [spmem:s5], $0x4000, $0x38;
	[tilespmem:$0x1F400] =	vst v63  }
0x16f: {  	_ =	swait.ge [sflag:s15], $0x4000  }
0x170: {  	[sflag:s15] =	ssyncset.done $0x0  }
0x171: {  	[sflag:s15] =	ssyncadd.s32 $0xFFFFC000  }
0x172: {  	[hbm4b:s20+s4] =	stream.linear.scatter [tilespmem:s14], [sflag:$0x2], $0x4000, $0x38;
	[tilespmem:$0x1F400] =	vst v63  }
0x173: {  	_ =	swait.ge [sflag:s15], $0x4000  }
0x174: {  	[sflag:s15] =	ssyncset.done $0x0  }
0x175: {  	[sflag:s15] =	ssyncadd.s32 $0xFFFFC000  }
0x176: {  	[tilespmem:s14], [sflag:$0x2] =	stream.linear.gather [spmem:s6], $0x4000, $0x38;
	[tilespmem:$0x1F400] =	vst v63  }
0x177: {  	_ =	swait.ge [sflag:s15], $0x4000  }
0x178: {  	[sflag:s15] =	ssyncset.done $0x0  }
0x179: {  	[sflag:s15] =	ssyncadd.s32 $0xFFFFC000  }
0x17a: {  	[hbm4b:s21+s4] =	stream.linear.scatter [tilespmem:s14], [sflag:$0x2], $0x4000, $0x38;
	[tilespmem:$0x1F400] =	vst v63  }
0x17b: {  	_ =	swait.ge [sflag:s15], $0x4000  }
0x17c: {  	[sflag:s15] =	ssyncset.done $0x0  }
0x17d: {  	[sflag:s15] =	ssyncadd.s32 $0xFFFFC000  }
0x17e: {  	[tilespmem:s14], [sflag:$0x2] =	stream.linear.gather [spmem:s7], $0x4000, $0x38;
	[tilespmem:$0x1F400] =	vst v63  }
0x17f: {  	_ =	swait.ge [sflag:s15], $0x4000  }
0x180: {  	[sflag:s15] =	ssyncset.done $0x0  }
0x181: {  	[sflag:s15] =	ssyncadd.s32 $0xFFFFC000  }
0x182: {  	[hbm4b:s22+s4] =	stream.linear.scatter [tilespmem:s14], [sflag:$0x2], $0x4000, $0x38;
	[tilespmem:$0x1F400] =	vst v63  }
0x183: {  	_ =	swait.ge [sflag:s15], $0x4000  }
0x184: {  	[sflag:s15] =	ssyncset.done $0x0  }
0x185: {  	[sflag:s15] =	ssyncadd.s32 $0xFFFFC000  }
0x186: {  	[tilespmem:s14], [sflag:$0x2] =	stream.linear.gather [spmem:s8], $0x4000, $0x38;
	[tilespmem:$0x1F400] =	vst v63  }
0x187: {  	_ =	swait.ge [sflag:s15], $0x4000  }
0x188: {  	[sflag:s15] =	ssyncset.done $0x0  }
0x189: {  	[sflag:s15] =	ssyncadd.s32 $0xFFFFC000  }
0x18a: {  	[hbm4b:s23+s4] =	stream.linear.scatter [tilespmem:s14], [sflag:$0x2], $0x4000, $0x38;
	[tilespmem:$0x1F400] =	vst v63  }
0x18b: {  	_ =	swait.ge [sflag:s15], $0x4000  }
0x18c: {  	[sflag:s15] =	ssyncset.done $0x0  }
0x18d: {  	[sflag:s15] =	ssyncadd.s32 $0xFFFFC000  }
0x18e: {  	[tilespmem:s14], [sflag:$0x2] =	stream.linear.gather [spmem:s9], $0x3C00, $0x38;
	[tilespmem:$0x1F400] =	vst v63  }
0x18f: {  	s25 =	sadd.s32 $0x1, s25;
	_ =	swait.ge [sflag:s15], $0x3C00  }
0x190: {  	p0 =	sne.s32 s25, s13;
	[sflag:s15] =	ssyncset.done $0x0  }
.Ltmp3:
0x191: {  	[sflag:s15] =	ssyncadd.s32 $0xFFFFC400;
	(pc) =	sbr.rel @p0 .LBB2_1-.Ltmp3, $4  }
0x192: {  	[hbm4b:s24+s4] =	stream.linear.scatter [tilespmem:s14], [sflag:$0x2], $0x3C00, $0x38;
	[tilespmem:$0x1F400] =	vst v63  }
0x193: {  	_ =	swait.ge [sflag:s15], $0x3C00  }
0x194: {  	[sflag:s15] =	ssyncset.done $0x0  }
0x195: {  	[sflag:s15] =	ssyncadd.s32 $0xFFFFC400  }
0x196: {  	_ =	sfence.sel $0x180000  }
0x197: {  	[bflag:$0x0] =	sbarrier.arrive $0xFFFF  }
0x198: {  	p0 =	sne.s32 s0, $0x0;
	_ =	strace $0x90000047  }
0x199: {  	s0 =	sadd.s32 @!p0 $0x100000, s2;
	[bflag:$0x2] =	sbarrier.arrive $0xFFFF  }
0x19a: {  	[sflag:s0] =	ssyncadd.tile.s32 @!p0 $0x1;
	_ =	shalt  }
.Lfunc_end2:
_tile_overlayer_lowered:
.L_overlay_start_2:
0x19b: {  	(tag) =	ssettag $0x2  }
0x19c: {  	s0 =	rddreg [dreg:$0x0];
	s2 =	stileid.u32  }
0x19d: {  	s1 =	rddreg [dreg:$0x1];
	p0 =	sne.s32 s2, $0x0  }
0x19e: {  	s3 =	rddreg [dreg:$0x2];
	[bflag:$0x3] =	sbarrier.arrive $0xFFFF;
	s2 =	simm.s32 @!p0 $0x1C02  }
0x19f: {  	[timem:s3], [sflag:s2] =	dma.local @!p0 [hbm:s0], s1  }
0x1a0: {  	s0 =	simm.s32 @!p0 $0x2  }
0x1a1: {  	_ =	swait.ge @!p0 [sflag:s0], s1  }
0x1a2: {  	s1 =	ssub.s32 @!p0 $0x0, s1;
	[sflag:s0] =	ssyncset.done @!p0 $0x0  }
0x1a3: {  	[sflag:s0] =	ssyncadd.s32 @!p0 s1  }
0x1a4: {  	[bflag:$0x3] =	sbarrier.arrive $0xFFFF  }
0x1a5: {  	_ =	shalt  }

</sc_bundles>
